<compile_context>
chip_gen: v7x
topology: tpu7x:2x2x1
jax: 0.10.2.dev20260603
libtpu: 0.0.44.dev20260713+nightly
codegen_flags: <defaults>
</compile_context>

<pallas_src>
import functools

import jax
import jax.numpy as jnp
from jax import lax
from jax.experimental import pallas as pl
from jax.experimental.pallas import tpu as pltpu
from jax.experimental.pallas import tpu_sc as plsc

N = 10000
E = 320000
D = 128
DH = D // 2

NC = 2
NS = 16

EPT = E // NS
CHUNK = 80
NCHUNK = EPT // CHUNK
PF = 6
SD = 2
NBUF = PF + SD

NPAD = 10240
SEG = 624
TAIL = N - NS * SEG

_mesh = plsc.VectorSubcoreMesh(core_axis_name="c", subcore_axis_name="s")


@functools.partial(
    pl.kernel,
    out_type=jax.ShapeDtypeStruct((NC, NPAD), jnp.float32),
    mesh=_mesh,
    scratch_types=[
        pltpu.VMEM((NCHUNK // 2, CHUNK), jnp.int32),
        pltpu.VMEM((NPAD // NS,), jnp.float32),
        pltpu.VMEM_SHARED((NPAD,), jnp.float32),
        [pltpu.SemaphoreType.DMA for _ in range(8)],
    ],
)
def _deg_kernel(dst3_hbm, deg_out_hbm, dst_v, ones_v, acc, dsems):
    c = lax.axis_index("c")
    s = lax.axis_index("s")
    wid = c * NS + s

    c_idx = pltpu.async_copy(dst3_hbm.at[wid], dst_v, dsems[0])

    seg = NPAD // NS
    for k in range(seg // 16):
        ones_v[pl.ds(k * 16, 16)] = jnp.full((16,), 1.0, jnp.float32)
    pltpu.sync_copy(ones_v, acc.at[pl.ds(s * seg, seg)])
    c_idx.wait()
    plsc.subcore_barrier()

    NW = NCHUNK // 2

    def issue(j, t):
        pltpu.async_copy(ones_v.at[pl.ds(0, CHUNK)], acc.at[dst_v.at[j]],
                         dsems[t], add=True)

    def drain(j, t):
        pltpu.make_async_copy(ones_v.at[pl.ds(0, CHUNK)],
                              acc.at[dst_v.at[j]], dsems[t]).wait()

    for k in range(8):
        issue(k, k)

    def body(i, carry):
        jb = 8 + 8 * i
        for u in range(8):
            drain(jb + u - 8, u)
            issue(jb + u, u)
        return carry

    n_mid = ((NW - 8) // 8) * 8
    lax.fori_loop(0, n_mid // 8, body, 0)
    for j in range(8 + n_mid, NW):
        drain(j - 8, j % 8)
        issue(j, j % 8)
    for j in range(NW - 8, NW):
        drain(j, j % 8)
    plsc.subcore_barrier()

    pltpu.sync_copy(acc.at[pl.ds(s * seg, seg)],
                    deg_out_hbm.at[c].at[pl.ds(s * seg, seg)])


def _mm_body(x_ref, w_ref, dp_ref, y_ref):
    deg = dp_ref[0] + dp_ref[1] - 1.0
    dis = lax.rsqrt(deg)
    xw = jnp.dot(x_ref[...], w_ref[...], preferred_element_type=jnp.float32)
    y = xw * dis
    y_ref[0] = y[:, :DH]
    y_ref[1] = y[:, DH:]


def _matmul_scale(x, W, deg_cols):
    blk = 2000
    return pl.pallas_call(
        _mm_body,
        grid=(N // blk,),
        in_specs=[
            pl.BlockSpec((blk, D), lambda i: (i, 0)),
            pl.BlockSpec((D, D), lambda i: (0, 0)),
            pl.BlockSpec((NC, blk, 1), lambda i: (0, i, 0)),
        ],
        out_specs=pl.BlockSpec((NC, blk, DH), lambda i: (0, i, 0)),
        out_shape=jax.ShapeDtypeStruct((NC, N, DH), jnp.float32),
    )(x, W, deg_cols)


@functools.partial(
    pl.kernel,
    out_type=jax.ShapeDtypeStruct((NC, N, DH), jnp.float32),
    mesh=_mesh,
    scratch_types=[
        pltpu.VMEM((NCHUNK, CHUNK), jnp.int32),
        pltpu.VMEM((NCHUNK, CHUNK), jnp.int32),
        [pltpu.VMEM((CHUNK, DH), jnp.float32) for _ in range(NBUF)],
        [pltpu.SemaphoreType.DMA for _ in range(NBUF)],
        [pltpu.SemaphoreType.DMA for _ in range(NBUF)],
        pltpu.VMEM_SHARED((N, DH), jnp.float32),
    ],
    compiler_params=pltpu.CompilerParams(use_tc_tiling_on_sc=False),
)
def _agg_kernel(y2_hbm, src3_hbm, dst3_hbm, out_hbm,
                src_v, dst_v, bufs, gsems, ssems, acc):
    c = lax.axis_index("c")
    s = lax.axis_index("s")
    yh = y2_hbm.at[c]

    c_idx0 = pltpu.async_copy(src3_hbm.at[s], src_v, gsems[0])
    c_idx1 = pltpu.async_copy(dst3_hbm.at[s], dst_v, gsems[1])
    c_init = pltpu.async_copy(yh.at[pl.ds(s * SEG, SEG)],
                              acc.at[pl.ds(s * SEG, SEG)], gsems[2])

    @pl.when(s == NS - 1)
    def _():
        pltpu.sync_copy(yh.at[pl.ds(NS * SEG, TAIL)],
                        acc.at[pl.ds(NS * SEG, TAIL)])

    c_idx0.wait()
    c_idx1.wait()
    c_init.wait()
    plsc.subcore_barrier()

    def g(j, t):
        pltpu.async_copy(yh.at[src_v.at[j]], bufs[t], gsems[t])

    def wg(j, t):
        pltpu.make_async_copy(yh.at[src_v.at[j]], bufs[t], gsems[t]).wait()

    def sca(j, t):
        pltpu.async_copy(bufs[t], acc.at[dst_v.at[j]], ssems[t], add=True)

    def wsc(j, t):
        pltpu.make_async_copy(bufs[t], acc.at[dst_v.at[j]], ssems[t]).wait()

    for k in range(PF):
        g(k, k % NBUF)
    for j in range(SD):
        wg(j, j % NBUF)
        sca(j, j % NBUF)
        g(j + PF, (j + PF) % NBUF)

    n_steady = ((NCHUNK - PF - SD) // NBUF) * NBUF

    def steady(i, carry):
        jb = SD + NBUF * i
        for u in range(NBUF):
            j = jb + u
            t = (SD + u) % NBUF
            t2 = (t + PF) % NBUF
            wg(j, t)
            sca(j, t)
            wsc(j - SD, t2)
            g(j + PF, t2)
        return carry

    lax.fori_loop(0, n_steady // NBUF, steady, 0)

    for j in range(SD + n_steady, NCHUNK - PF):
        t = j % NBUF
        t2 = (t + PF) % NBUF
        wg(j, t)
        sca(j, t)
        wsc(j - SD, t2)
        g(j + PF, t2)
    for j in range(NCHUNK - PF, NCHUNK):
        wg(j, j % NBUF)
        sca(j, j % NBUF)
    for j in range(NCHUNK - NBUF, NCHUNK):
        wsc(j, j % NBUF)

    plsc.subcore_barrier()
    pltpu.sync_copy(acc.at[pl.ds(s * SEG, SEG)],
                    out_hbm.at[c].at[pl.ds(s * SEG, SEG)])

    @pl.when(s == NS - 1)
    def _():
        pltpu.sync_copy(acc.at[pl.ds(NS * SEG, TAIL)],
                        out_hbm.at[c].at[pl.ds(NS * SEG, TAIL)])


def _comb_body(p_ref, dp_ref, b_ref, o_ref):
    deg = dp_ref[0] + dp_ref[1] - 1.0
    dis = lax.rsqrt(deg)
    agg = jnp.concatenate([p_ref[0], p_ref[1]], axis=1)
    o_ref[...] = agg * dis + b_ref[...]


def _combine(parts, deg_cols, b):
    blk = 2000
    return pl.pallas_call(
        _comb_body,
        grid=(N // blk,),
        in_specs=[
            pl.BlockSpec((NC, blk, DH), lambda i: (0, i, 0)),
            pl.BlockSpec((NC, blk, 1), lambda i: (0, i, 0)),
            pl.BlockSpec((1, D), lambda i: (0, 0)),
        ],
        out_specs=pl.BlockSpec((blk, D), lambda i: (i, 0)),
        out_shape=jax.ShapeDtypeStruct((N, D), jnp.float32),
    )(parts, deg_cols, b.reshape(1, D))


def kernel(x, edge_index, W, b):
    src3 = edge_index[0].astype(jnp.int32).reshape(NS, NCHUNK, CHUNK)
    dst3 = edge_index[1].astype(jnp.int32).reshape(NS, NCHUNK, CHUNK)
    dst3h = dst3.reshape(NC * NS, NCHUNK // 2, CHUNK)

    deg_parts = _deg_kernel(dst3h)
    deg_cols = deg_parts.reshape(NC, NPAD, 1)
    y2 = _matmul_scale(x, W, deg_cols)
    parts = _agg_kernel(y2, src3, dst3)
    out = _combine(parts, deg_cols, b)
    return (out, 0)

# --- scband reference (transcript-rebuilt; emitter-appended) ---
"""Pipeline reference for scband-linear-encoder-6760278524376 (READ-ONLY COPY).

The authoritative reference and input builder live on the scoring server;
editing this copy changes nothing except your own understanding.
"""

import jax, jax.numpy as jnp
import numpy as np

N = 10000
E = 320000
D_IN = 128
D_OUT = 128


def setup_inputs(seed: int = 0) -> dict:
    key = jax.random.key(seed)
    k1, k2, k3 = jax.random.split(key, 3)
    x = jax.random.normal(k1, (N, D_IN), dtype=jnp.float32)
    edge_index = jax.random.randint(k2, (2, E), 0, N)
    # GCNConv linear weight (stored as [in, out] so forward is x @ W) and bias
    W = jax.random.normal(k3, (D_IN, D_OUT), dtype=jnp.float32) * (1.0 / np.sqrt(D_IN))
    b = jnp.zeros((D_OUT,), dtype=jnp.float32)
    return {"x": x, "edge_index": edge_index, "W": W, "b": b}


def reference(x, edge_index, W, b):
    # Faithful GCNConv (PyG semantics): add self-loops, symmetric normalization,
    # linear transform, scatter-add aggregation at dst, plus bias.
    n = x.shape[0]
    loop = jnp.arange(n, dtype=edge_index.dtype)
    src = jnp.concatenate([edge_index[0], loop])
    dst = jnp.concatenate([edge_index[1], loop])
    deg = jnp.zeros((n,), dtype=x.dtype).at[dst].add(1.0)
    deg_inv_sqrt = jnp.where(deg > 0, jax.lax.rsqrt(jnp.maximum(deg, 1e-12)), 0.0)
    norm = deg_inv_sqrt[src] * deg_inv_sqrt[dst]
    xw = x @ W
    msgs = jnp.take(xw, src, axis=0) * norm[:, None]
    out = jnp.zeros((n, xw.shape[1]), dtype=x.dtype).at[dst].add(msgs)
    out = out + b
    # LinearEncoder.forward returns a tuple (conv_out, 0)
    return (out, 0)

if __name__ == "__main__":
    import jax
    _d = setup_inputs()
    print(jax.jit(kernel)(*tuple(_d.values())))

</pallas_src>

<mosaic_0001>
#map = affine_map<(d0, d1) -> (0, 0, 0)>
#map1 = affine_map<(d0, d1) -> (0, 0)>
module attributes {stable_mosaic.version = 14 : i64} {
  func.func @_deg_kernel(%arg0: i32, %arg1: i32, %arg2: memref<32x125x80xi32, #tpu.memory_space<hbm>>, %arg3: memref<2x10240xf32, #tpu.memory_space<hbm>>, %arg4: memref<125x80xi32, #tpu.memory_space<vmem>>, %arg5: memref<640xf32, #tpu.memory_space<vmem>>, %arg6: memref<10240xf32, #tpu.memory_space<vmem_shared>>, %arg7: memref<!tpu.dma_semaphore, #tpu.memory_space<semaphore_mem>>, %arg8: memref<!tpu.dma_semaphore, #tpu.memory_space<semaphore_mem>>, %arg9: memref<!tpu.dma_semaphore, #tpu.memory_space<semaphore_mem>>, %arg10: memref<!tpu.dma_semaphore, #tpu.memory_space<semaphore_mem>>, %arg11: memref<!tpu.dma_semaphore, #tpu.memory_space<semaphore_mem>>, %arg12: memref<!tpu.dma_semaphore, #tpu.memory_space<semaphore_mem>>, %arg13: memref<!tpu.dma_semaphore, #tpu.memory_space<semaphore_mem>>, %arg14: memref<!tpu.dma_semaphore, #tpu.memory_space<semaphore_mem>>) attributes {dimension_semantics = [#tpu.dimension_semantics<core_parallel>, #tpu.dimension_semantics<subcore_parallel>], iteration_bounds = array<i64: 2, 16>, scalar_prefetch = 0 : i64, scratch_operands = 11 : i64, tpu.core_type = #tpu.core_type<sc_vector_subcore>, window_params = [{transform_indices = #map}, {transform_indices = #map1}]} {
    %mul3A = arith.constant 16 : i32
    %mul3A_0 = arith.muli %arg0, %mul3A : i32
    %add3A = arith.addi %mul3A_0, %arg1 : i32
    %dma_start3A = arith.constant 0 : i32
    %dma_start3A_1 = arith.constant 0 : i32
    %dma_start3A_2 = tpu.memref_slice %arg2[%add3A, %dma_start3A, %dma_start3A_1] : memref<32x125x80xi32, #tpu.memory_space<hbm>> -> memref<1x125x80xi32, #tpu.memory_space<hbm>>
    %dma_start3A_3 = tpu.memref_squeeze %dma_start3A_2 : memref<1x125x80xi32, #tpu.memory_space<hbm>> -> memref<125x80xi32, #tpu.memory_space<hbm>>
    %dma_start3A_4 = arith.constant 0 : i32
    %dma_start3A_5 = arith.constant 0 : i32
    %dma_start3A_6 = tpu.memref_slice %arg2[%add3A, %dma_start3A_4, %dma_start3A_5] : memref<32x125x80xi32, #tpu.memory_space<hbm>> -> memref<1x125x80xi32, #tpu.memory_space<hbm>>
    %dma_start3A_7 = tpu.memref_squeeze %dma_start3A_6 : memref<1x125x80xi32, #tpu.memory_space<hbm>> -> memref<125x80xi32, #tpu.memory_space<hbm>>
    tpu.enqueue_dma source(%dma_start3A_7 : memref<125x80xi32, #tpu.memory_space<hbm>>) target(%arg4 : memref<125x80xi32, #tpu.memory_space<vmem>>) target_semaphore(%arg7 : memref<!tpu.dma_semaphore, #tpu.memory_space<semaphore_mem>>)
    %broadcast_in_dim3A = arith.constant 1.000000e+00 : f32
    %broadcast_in_dim3A_8 = vector.broadcast %broadcast_in_dim3A : f32 to vector<16xf32>
    %swap3A = arith.constant 0 : index
    %swap3A_9 = tpu.vector_load %arg5[%swap3A] {strides = array<i32>} : memref<640xf32, #tpu.memory_space<vmem>>, vector<16xf32>,
    %swap3A_10 = vector.shape_cast %swap3A_9 : vector<16xf32> to vector<16xf32>
    %swap3A_11 = vector.shape_cast %broadcast_in_dim3A_8 : vector<16xf32> to vector<16xf32>
    tpu.vector_store %arg5[%swap3A], %swap3A_11 {strides = array<i32>} : memref<640xf32, #tpu.memory_space<vmem>>, vector<16xf32>,
    %broadcast_in_dim3A_12 = arith.constant 1.000000e+00 : f32
    %broadcast_in_dim3A_13 = vector.broadcast %broadcast_in_dim3A_12 : f32 to vector<16xf32>
    %swap3A_14 = arith.constant 16 : index
    %swap3A_15 = tpu.vector_load %arg5[%swap3A_14] {strides = array<i32>} : memref<640xf32, #tpu.memory_space<vmem>>, vector<16xf32>,
    %swap3A_16 = vector.shape_cast %swap3A_15 : vector<16xf32> to vector<16xf32>
    %swap3A_17 = vector.shape_cast %broadcast_in_dim3A_13 : vector<16xf32> to vector<16xf32>
    tpu.vector_store %arg5[%swap3A_14], %swap3A_17 {strides = array<i32>} : memref<640xf32, #tpu.memory_space<vmem>>, vector<16xf32>,
    %broadcast_in_dim3A_18 = arith.constant 1.000000e+00 : f32
    %broadcast_in_dim3A_19 = vector.broadcast %broadcast_in_dim3A_18 : f32 to vector<16xf32>
    %swap3A_20 = arith.constant 32 : index
    %swap3A_21 = tpu.vector_load %arg5[%swap3A_20] {strides = array<i32>} : memref<640xf32, #tpu.memory_space<vmem>>, vector<16xf32>,
    %swap3A_22 = vector.shape_cast %swap3A_21 : vector<16xf32> to vector<16xf32>
    %swap3A_23 = vector.shape_cast %broadcast_in_dim3A_19 : vector<16xf32> to vector<16xf32>
    tpu.vector_store %arg5[%swap3A_20], %swap3A_23 {strides = array<i32>} : memref<640xf32, #tpu.memory_space<vmem>>, vector<16xf32>,
    %broadcast_in_dim3A_24 = arith.constant 1.000000e+00 : f32
    %broadcast_in_dim3A_25 = vector.broadcast %broadcast_in_dim3A_24 : f32 to vector<16xf32>
    %swap3A_26 = arith.constant 48 : index
    %swap3A_27 = tpu.vector_load %arg5[%swap3A_26] {strides = array<i32>} : memref<640xf32, #tpu.memory_space<vmem>>, vector<16xf32>,
    %swap3A_28 = vector.shape_cast %swap3A_27 : vector<16xf32> to vector<16xf32>
    %swap3A_29 = vector.shape_cast %broadcast_in_dim3A_25 : vector<16xf32> to vector<16xf32>
    tpu.vector_store %arg5[%swap3A_26], %swap3A_29 {strides = array<i32>} : memref<640xf32, #tpu.memory_space<vmem>>, vector<16xf32>,
    %broadcast_in_dim3A_30 = arith.constant 1.000000e+00 : f32
    %broadcast_in_dim3A_31 = vector.broadcast %broadcast_in_dim3A_30 : f32 to vector<16xf32>
    %swap3A_32 = arith.constant 64 : index
    %swap3A_33 = tpu.vector_load %arg5[%swap3A_32] {strides = array<i32>} : memref<640xf32, #tpu.memory_space<vmem>>, vector<16xf32>,
    %swap3A_34 = vector.shape_cast %swap3A_33 : vector<16xf32> to vector<16xf32>
    %swap3A_35 = vector.shape_cast %broadcast_in_dim3A_31 : vector<16xf32> to vector<16xf32>
    tpu.vector_store %arg5[%swap3A_32], %swap3A_35 {strides = array<i32>} : memref<640xf32, #tpu.memory_space<vmem>>, vector<16xf32>,
    %broadcast_in_dim3A_36 = arith.constant 1.000000e+00 : f32
    %broadcast_in_dim3A_37 = vector.broadcast %broadcast_in_dim3A_36 : f32 to vector<16xf32>
    %swap3A_38 = arith.constant 80 : index
    %swap3A_39 = tpu.vector_load %arg5[%swap3A_38] {strides = array<i32>} : memref<640xf32, #tpu.memory_space<vmem>>, vector<16xf32>,
    %swap3A_40 = vector.shape_cast %swap3A_39 : vector<16xf32> to vector<16xf32>
    %swap3A_41 = vector.shape_cast %broadcast_in_dim3A_37 : vector<16xf32> to vector<16xf32>
    tpu.vector_store %arg5[%swap3A_38], %swap3A_41 {strides = array<i32>} : memref<640xf32, #tpu.memory_space<vmem>>, vector<16xf32>,
    %broadcast_in_dim3A_42 = arith.constant 1.000000e+00 : f32
    %broadcast_in_dim3A_43 = vector.broadcast %broadcast_in_dim3A_42 : f32 to vector<16xf32>
    %swap3A_44 = arith.constant 96 : index
    %swap3A_45 = tpu.vector_load %arg5[%swap3A_44] {strides = array<i32>} : memref<640xf32, #tpu.memory_space<vmem>>, vector<16xf32>,
    %swap3A_46 = vector.shape_cast %swap3A_45 : vector<16xf32> to vector<16xf32>
    %swap3A_47 = vector.shape_cast %broadcast_in_dim3A_43 : vector<16xf32> to vector<16xf32>
    tpu.vector_store %arg5[%swap3A_44], %swap3A_47 {strides = array<i32>} : memref<640xf32, #tpu.memory_space<vmem>>, vector<16xf32>,
    %broadcast_in_dim3A_48 = arith.constant 1.000000e+00 : f32
    %broadcast_in_dim3A_49 = vector.broadcast %broadcast_in_dim3A_48 : f32 to vector<16xf32>
    %swap3A_50 = arith.constant 112 : index
    %swap3A_51 = tpu.vector_load %arg5[%swap3A_50] {strides = array<i32>} : memref<640xf32, #tpu.memory_space<vmem>>, vector<16xf32>,
    %swap3A_52 = vector.shape_cast %swap3A_51 : vector<16xf32> to vector<16xf32>
    %swap3A_53 = vector.shape_cast %broadcast_in_dim3A_49 : vector<16xf32> to vector<16xf32>
    tpu.vector_store %arg5[%swap3A_50], %swap3A_53 {strides = array<i32>} : memref<640xf32, #tpu.memory_space<vmem>>, vector<16xf32>,
    %broadcast_in_dim3A_54 = arith.constant 1.000000e+00 : f32
    %broadcast_in_dim3A_55 = vector.broadcast %broadcast_in_dim3A_54 : f32 to vector<16xf32>
    %swap3A_56 = arith.constant 128 : index
    %swap3A_57 = tpu.vector_load %arg5[%swap3A_56] {strides = array<i32>} : memref<640xf32, #tpu.memory_space<vmem>>, vector<16xf32>,
    %swap3A_58 = vector.shape_cast %swap3A_57 : vector<16xf32> to vector<16xf32>
    %swap3A_59 = vector.shape_cast %broadcast_in_dim3A_55 : vector<16xf32> to vector<16xf32>
    tpu.vector_store %arg5[%swap3A_56], %swap3A_59 {strides = array<i32>} : memref<640xf32, #tpu.memory_space<vmem>>, vector<16xf32>,
    %broadcast_in_dim3A_60 = arith.constant 1.000000e+00 : f32
    %broadcast_in_dim3A_61 = vector.broadcast %broadcast_in_dim3A_60 : f32 to vector<16xf32>
    %swap3A_62 = arith.constant 144 : index
    %swap3A_63 = tpu.vector_load %arg5[%swap3A_62] {strides = array<i32>} : memref<640xf32, #tpu.memory_space<vmem>>, vector<16xf32>,
    %swap3A_64 = vector.shape_cast %swap3A_63 : vector<16xf32> to vector<16xf32>
    %swap3A_65 = vector.shape_cast %broadcast_in_dim3A_61 : vector<16xf32> to vector<16xf32>
    tpu.vector_store %arg5[%swap3A_62], %swap3A_65 {strides = array<i32>} : memref<640xf32, #tpu.memory_space<vmem>>, vector<16xf32>,
    %broadcast_in_dim3A_66 = arith.constant 1.000000e+00 : f32
    %broadcast_in_dim3A_67 = vector.broadcast %broadcast_in_dim3A_66 : f32 to vector<16xf32>
    %swap3A_68 = arith.constant 160 : index
    %swap3A_69 = tpu.vector_load %arg5[%swap3A_68] {strides = array<i32>} : memref<640xf32, #tpu.memory_space<vmem>>, vector<16xf32>,
    %swap3A_70 = vector.shape_cast %swap3A_69 : vector<16xf32> to vector<16xf32>
    %swap3A_71 = vector.shape_cast %broadcast_in_dim3A_67 : vector<16xf32> to vector<16xf32>
    tpu.vector_store %arg5[%swap3A_68], %swap3A_71 {strides = array<i32>} : memref<640xf32, #tpu.memory_space<vmem>>, vector<16xf32>,
    %broadcast_in_dim3A_72 = arith.constant 1.000000e+00 : f32
    %broadcast_in_dim3A_73 = vector.broadcast %broadcast_in_dim3A_72 : f32 to vector<16xf32>
    %swap3A_74 = arith.constant 176 : index
    %swap3A_75 = tpu.vector_load %arg5[%swap3A_74] {strides = array<i32>} : memref<640xf32, #tpu.memory_space<vmem>>, vector<16xf32>,
    %swap3A_76 = vector.shape_cast %swap3A_75 : vector<16xf32> to vector<16xf32>
    %swap3A_77 = vector.shape_cast %broadcast_in_dim3A_73 : vector<16xf32> to vector<16xf32>
    tpu.vector_store %arg5[%swap3A_74], %swap3A_77 {strides = array<i32>} : memref<640xf32, #tpu.memory_space<vmem>>, vector<16xf32>,
    %broadcast_in_dim3A_78 = arith.constant 1.000000e+00 : f32
    %broadcast_in_dim3A_79 = vector.broadcast %broadcast_in_dim3A_78 : f32 to vector<16xf32>
    %swap3A_80 = arith.constant 192 : index
    %swap3A_81 = tpu.vector_load %arg5[%swap3A_80] {strides = array<i32>} : memref<640xf32, #tpu.memory_space<vmem>>, vector<16xf32>,
    %swap3A_82 = vector.shape_cast %swap3A_81 : vector<16xf32> to vector<16xf32>
    %swap3A_83 = vector.shape_cast %broadcast_in_dim3A_79 : vector<16xf32> to vector<16xf32>
    tpu.vector_store %arg5[%swap3A_80], %swap3A_83 {strides = array<i32>} : memref<640xf32, #tpu.memory_space<vmem>>, vector<16xf32>,
    %broadcast_in_dim3A_84 = arith.constant 1.000000e+00 : f32
    %broadcast_in_dim3A_85 = vector.broadcast %broadcast_in_dim3A_84 : f32 to vector<16xf32>
    %swap3A_86 = arith.constant 208 : index
    %swap3A_87 = tpu.vector_load %arg5[%swap3A_86] {strides = array<i32>} : memref<640xf32, #tpu.memory_space<vmem>>, vector<16xf32>,
    %swap3A_88 = vector.shape_cast %swap3A_87 : vector<16xf32> to vector<16xf32>
    %swap3A_89 = vector.shape_cast %broadcast_in_dim3A_85 : vector<16xf32> to vector<16xf32>
    tpu.vector_store %arg5[%swap3A_86], %swap3A_89 {strides = array<i32>} : memref<640xf32, #tpu.memory_space<vmem>>, vector<16xf32>,
    %broadcast_in_dim3A_90 = arith.constant 1.000000e+00 : f32
    %broadcast_in_dim3A_91 = vector.broadcast %broadcast_in_dim3A_90 : f32 to vector<16xf32>
    %swap3A_92 = arith.constant 224 : index
    %swap3A_93 = tpu.vector_load %arg5[%swap3A_92] {strides = array<i32>} : memref<640xf32, #tpu.memory_space<vmem>>, vector<16xf32>,
    %swap3A_94 = vector.shape_cast %swap3A_93 : vector<16xf32> to vector<16xf32>
    %swap3A_95 = vector.shape_cast %broadcast_in_dim3A_91 : vector<16xf32> to vector<16xf32>
    tpu.vector_store %arg5[%swap3A_92], %swap3A_95 {strides = array<i32>} : memref<640xf32, #tpu.memory_space<vmem>>, vector<16xf32>,
    %broadcast_in_dim3A_96 = arith.constant 1.000000e+00 : f32
    %broadcast_in_dim3A_97 = vector.broadcast %broadcast_in_dim3A_96 : f32 to vector<16xf32>
    %swap3A_98 = arith.constant 240 : index
    %swap3A_99 = tpu.vector_load %arg5[%swap3A_98] {strides = array<i32>} : memref<640xf32, #tpu.memory_space<vmem>>, vector<16xf32>,
    %swap3A_100 = vector.shape_cast %swap3A_99 : vector<16xf32> to vector<16xf32>
    %swap3A_101 = vector.shape_cast %broadcast_in_dim3A_97 : vector<16xf32> to vector<16xf32>
    tpu.vector_store %arg5[%swap3A_98], %swap3A_101 {strides = array<i32>} : memref<640xf32, #tpu.memory_space<vmem>>, vector<16xf32>,
    %broadcast_in_dim3A_102 = arith.constant 1.000000e+00 : f32
    %broadcast_in_dim3A_103 = vector.broadcast %broadcast_in_dim3A_102 : f32 to vector<16xf32>
    %swap3A_104 = arith.constant 256 : index
    %swap3A_105 = tpu.vector_load %arg5[%swap3A_104] {strides = array<i32>} : memref<640xf32, #tpu.memory_space<vmem>>, vector<16xf32>,
    %swap3A_106 = vector.shape_cast %swap3A_105 : vector<16xf32> to vector<16xf32>
    %swap3A_107 = vector.shape_cast %broadcast_in_dim3A_103 : vector<16xf32> to vector<16xf32>
    tpu.vector_store %arg5[%swap3A_104], %swap3A_107 {strides = array<i32>} : memref<640xf32, #tpu.memory_space<vmem>>, vector<16xf32>,
    %broadcast_in_dim3A_108 = arith.constant 1.000000e+00 : f32
    %broadcast_in_dim3A_109 = vector.broadcast %broadcast_in_dim3A_108 : f32 to vector<16xf32>
    %swap3A_110 = arith.constant 272 : index
    %swap3A_111 = tpu.vector_load %arg5[%swap3A_110] {strides = array<i32>} : memref<640xf32, #tpu.memory_space<vmem>>, vector<16xf32>,
    %swap3A_112 = vector.shape_cast %swap3A_111 : vector<16xf32> to vector<16xf32>
    %swap3A_113 = vector.shape_cast %broadcast_in_dim3A_109 : vector<16xf32> to vector<16xf32>
    tpu.vector_store %arg5[%swap3A_110], %swap3A_113 {strides = array<i32>} : memref<640xf32, #tpu.memory_space<vmem>>, vector<16xf32>,
    %broadcast_in_dim3A_114 = arith.constant 1.000000e+00 : f32
    %broadcast_in_dim3A_115 = vector.broadcast %broadcast_in_dim3A_114 : f32 to vector<16xf32>
    %swap3A_116 = arith.constant 288 : index
    %swap3A_117 = tpu.vector_load %arg5[%swap3A_116] {strides = array<i32>} : memref<640xf32, #tpu.memory_space<vmem>>, vector<16xf32>,
    %swap3A_118 = vector.shape_cast %swap3A_117 : vector<16xf32> to vector<16xf32>
    %swap3A_119 = vector.shape_cast %broadcast_in_dim3A_115 : vector<16xf32> to vector<16xf32>
    tpu.vector_store %arg5[%swap3A_116], %swap3A_119 {strides = array<i32>} : memref<640xf32, #tpu.memory_space<vmem>>, vector<16xf32>,
    %broadcast_in_dim3A_120 = arith.constant 1.000000e+00 : f32
    %broadcast_in_dim3A_121 = vector.broadcast %broadcast_in_dim3A_120 : f32 to vector<16xf32>
    %swap3A_122 = arith.constant 304 : index
    %swap3A_123 = tpu.vector_load %arg5[%swap3A_122] {strides = array<i32>} : memref<640xf32, #tpu.memory_space<vmem>>, vector<16xf32>,
    %swap3A_124 = vector.shape_cast %swap3A_123 : vector<16xf32> to vector<16xf32>
    %swap3A_125 = vector.shape_cast %broadcast_in_dim3A_121 : vector<16xf32> to vector<16xf32>
    tpu.vector_store %arg5[%swap3A_122], %swap3A_125 {strides = array<i32>} : memref<640xf32, #tpu.memory_space<vmem>>, vector<16xf32>,
    %broadcast_in_dim3A_126 = arith.constant 1.000000e+00 : f32
    %broadcast_in_dim3A_127 = vector.broadcast %broadcast_in_dim3A_126 : f32 to vector<16xf32>
    %swap3A_128 = arith.constant 320 : index
    %swap3A_129 = tpu.vector_load %arg5[%swap3A_128] {strides = array<i32>} : memref<640xf32, #tpu.memory_space<vmem>>, vector<16xf32>,
    %swap3A_130 = vector.shape_cast %swap3A_129 : vector<16xf32> to vector<16xf32>
    %swap3A_131 = vector.shape_cast %broadcast_in_dim3A_127 : vector<16xf32> to vector<16xf32>
    tpu.vector_store %arg5[%swap3A_128], %swap3A_131 {strides = array<i32>} : memref<640xf32, #tpu.memory_space<vmem>>, vector<16xf32>,
    %broadcast_in_dim3A_132 = arith.constant 1.000000e+00 : f32
    %broadcast_in_dim3A_133 = vector.broadcast %broadcast_in_dim3A_132 : f32 to vector<16xf32>
    %swap3A_134 = arith.constant 336 : index
    %swap3A_135 = tpu.vector_load %arg5[%swap3A_134] {strides = array<i32>} : memref<640xf32, #tpu.memory_space<vmem>>, vector<16xf32>,
    %swap3A_136 = vector.shape_cast %swap3A_135 : vector<16xf32> to vector<16xf32>
    %swap3A_137 = vector.shape_cast %broadcast_in_dim3A_133 : vector<16xf32> to vector<16xf32>
    tpu.vector_store %arg5[%swap3A_134], %swap3A_137 {strides = array<i32>} : memref<640xf32, #tpu.memory_space<vmem>>, vector<16xf32>,
    %broadcast_in_dim3A_138 = arith.constant 1.000000e+00 : f32
    %broadcast_in_dim3A_139 = vector.broadcast %broadcast_in_dim3A_138 : f32 to vector<16xf32>
    %swap3A_140 = arith.constant 352 : index
    %swap3A_141 = tpu.vector_load %arg5[%swap3A_140] {strides = array<i32>} : memref<640xf32, #tpu.memory_space<vmem>>, vector<16xf32>,
    %swap3A_142 = vector.shape_cast %swap3A_141 : vector<16xf32> to vector<16xf32>
    %swap3A_143 = vector.shape_cast %broadcast_in_dim3A_139 : vector<16xf32> to vector<16xf32>
    tpu.vector_store %arg5[%swap3A_140], %swap3A_143 {strides = array<i32>} : memref<640xf32, #tpu.memory_space<vmem>>, vector<16xf32>,
    %broadcast_in_dim3A_144 = arith.constant 1.000000e+00 : f32
    %broadcast_in_dim3A_145 = vector.broadcast %broadcast_in_dim3A_144 : f32 to vector<16xf32>
    %swap3A_146 = arith.constant 368 : index
    %swap3A_147 = tpu.vector_load %arg5[%swap3A_146] {strides = array<i32>} : memref<640xf32, #tpu.memory_space<vmem>>, vector<16xf32>,
    %swap3A_148 = vector.shape_cast %swap3A_147 : vector<16xf32> to vector<16xf32>
    %swap3A_149 = vector.shape_cast %broadcast_in_dim3A_145 : vector<16xf32> to vector<16xf32>
    tpu.vector_store %arg5[%swap3A_146], %swap3A_149 {strides = array<i32>} : memref<640xf32, #tpu.memory_space<vmem>>, vector<16xf32>,
    %broadcast_in_dim3A_150 = arith.constant 1.000000e+00 : f32
    %broadcast_in_dim3A_151 = vector.broadcast %broadcast_in_dim3A_150 : f32 to vector<16xf32>
    %swap3A_152 = arith.constant 384 : index
    %swap3A_153 = tpu.vector_load %arg5[%swap3A_152] {strides = array<i32>} : memref<640xf32, #tpu.memory_space<vmem>>, vector<16xf32>,
    %swap3A_154 = vector.shape_cast %swap3A_153 : vector<16xf32> to vector<16xf32>
    %swap3A_155 = vector.shape_cast %broadcast_in_dim3A_151 : vector<16xf32> to vector<16xf32>
    tpu.vector_store %arg5[%swap3A_152], %swap3A_155 {strides = array<i32>} : memref<640xf32, #tpu.memory_space<vmem>>, vector<16xf32>,
    %broadcast_in_dim3A_156 = arith.constant 1.000000e+00 : f32
    %broadcast_in_dim3A_157 = vector.broadcast %broadcast_in_dim3A_156 : f32 to vector<16xf32>
    %swap3A_158 = arith.constant 400 : index
    %swap3A_159 = tpu.vector_load %arg5[%swap3A_158] {strides = array<i32>} : memref<640xf32, #tpu.memory_space<vmem>>, vector<16xf32>,
    %swap3A_160 = vector.shape_cast %swap3A_159 : vector<16xf32> to vector<16xf32>
    %swap3A_161 = vector.shape_cast %broadcast_in_dim3A_157 : vector<16xf32> to vector<16xf32>
    tpu.vector_store %arg5[%swap3A_158], %swap3A_161 {strides = array<i32>} : memref<640xf32, #tpu.memory_space<vmem>>, vector<16xf32>,
    %broadcast_in_dim3A_162 = arith.constant 1.000000e+00 : f32
    %broadcast_in_dim3A_163 = vector.broadcast %broadcast_in_dim3A_162 : f32 to vector<16xf32>
    %swap3A_164 = arith.constant 416 : index
    %swap3A_165 = tpu.vector_load %arg5[%swap3A_164] {strides = array<i32>} : memref<640xf32, #tpu.memory_space<vmem>>, vector<16xf32>,
    %swap3A_166 = vector.shape_cast %swap3A_165 : vector<16xf32> to vector<16xf32>
    %swap3A_167 = vector.shape_cast %broadcast_in_dim3A_163 : vector<16xf32> to vector<16xf32>
    tpu.vector_store %arg5[%swap3A_164], %swap3A_167 {strides = array<i32>} : memref<640xf32, #tpu.memory_space<vmem>>, vector<16xf32>,
    %broadcast_in_dim3A_168 = arith.constant 1.000000e+00 : f32
    %broadcast_in_dim3A_169 = vector.broadcast %broadcast_in_dim3A_168 : f32 to vector<16xf32>
    %swap3A_170 = arith.constant 432 : index
    %swap3A_171 = tpu.vector_load %arg5[%swap3A_170] {strides = array<i32>} : memref<640xf32, #tpu.memory_space<vmem>>, vector<16xf32>,
    %swap3A_172 = vector.shape_cast %swap3A_171 : vector<16xf32> to vector<16xf32>
    %swap3A_173 = vector.shape_cast %broadcast_in_dim3A_169 : vector<16xf32> to vector<16xf32>
    tpu.vector_store %arg5[%swap3A_170], %swap3A_173 {strides = array<i32>} : memref<640xf32, #tpu.memory_space<vmem>>, vector<16xf32>,
    %broadcast_in_dim3A_174 = arith.constant 1.000000e+00 : f32
    %broadcast_in_dim3A_175 = vector.broadcast %broadcast_in_dim3A_174 : f32 to vector<16xf32>
    %swap3A_176 = arith.constant 448 : index
    %swap3A_177 = tpu.vector_load %arg5[%swap3A_176] {strides = array<i32>} : memref<640xf32, #tpu.memory_space<vmem>>, vector<16xf32>,
    %swap3A_178 = vector.shape_cast %swap3A_177 : vector<16xf32> to vector<16xf32>
    %swap3A_179 = vector.shape_cast %broadcast_in_dim3A_175 : vector<16xf32> to vector<16xf32>
    tpu.vector_store %arg5[%swap3A_176], %swap3A_179 {strides = array<i32>} : memref<640xf32, #tpu.memory_space<vmem>>, vector<16xf32>,
    %broadcast_in_dim3A_180 = arith.constant 1.000000e+00 : f32
    %broadcast_in_dim3A_181 = vector.broadcast %broadcast_in_dim3A_180 : f32 to vector<16xf32>
    %swap3A_182 = arith.constant 464 : index
    %swap3A_183 = tpu.vector_load %arg5[%swap3A_182] {strides = array<i32>} : memref<640xf32, #tpu.memory_space<vmem>>, vector<16xf32>,
    %swap3A_184 = vector.shape_cast %swap3A_183 : vector<16xf32> to vector<16xf32>
    %swap3A_185 = vector.shape_cast %broadcast_in_dim3A_181 : vector<16xf32> to vector<16xf32>
    tpu.vector_store %arg5[%swap3A_182], %swap3A_185 {strides = array<i32>} : memref<640xf32, #tpu.memory_space<vmem>>, vector<16xf32>,
    %broadcast_in_dim3A_186 = arith.constant 1.000000e+00 : f32
    %broadcast_in_dim3A_187 = vector.broadcast %broadcast_in_dim3A_186 : f32 to vector<16xf32>
    %swap3A_188 = arith.constant 480 : index
    %swap3A_189 = tpu.vector_load %arg5[%swap3A_188] {strides = array<i32>} : memref<640xf32, #tpu.memory_space<vmem>>, vector<16xf32>,
    %swap3A_190 = vector.shape_cast %swap3A_189 : vector<16xf32> to vector<16xf32>
    %swap3A_191 = vector.shape_cast %broadcast_in_dim3A_187 : vector<16xf32> to vector<16xf32>
    tpu.vector_store %arg5[%swap3A_188], %swap3A_191 {strides = array<i32>} : memref<640xf32, #tpu.memory_space<vmem>>, vector<16xf32>,
    %broadcast_in_dim3A_192 = arith.constant 1.000000e+00 : f32
    %broadcast_in_dim3A_193 = vector.broadcast %broadcast_in_dim3A_192 : f32 to vector<16xf32>
    %swap3A_194 = arith.constant 496 : index
    %swap3A_195 = tpu.vector_load %arg5[%swap3A_194] {strides = array<i32>} : memref<640xf32, #tpu.memory_space<vmem>>, vector<16xf32>,
    %swap3A_196 = vector.shape_cast %swap3A_195 : vector<16xf32> to vector<16xf32>
    %swap3A_197 = vector.shape_cast %broadcast_in_dim3A_193 : vector<16xf32> to vector<16xf32>
    tpu.vector_store %arg5[%swap3A_194], %swap3A_197 {strides = array<i32>} : memref<640xf32, #tpu.memory_space<vmem>>, vector<16xf32>,
    %broadcast_in_dim3A_198 = arith.constant 1.000000e+00 : f32
    %broadcast_in_dim3A_199 = vector.broadcast %broadcast_in_dim3A_198 : f32 to vector<16xf32>
    %swap3A_200 = arith.constant 512 : index
    %swap3A_201 = tpu.vector_load %arg5[%swap3A_200] {strides = array<i32>} : memref<640xf32, #tpu.memory_space<vmem>>, vector<16xf32>,
    %swap3A_202 = vector.shape_cast %swap3A_201 : vector<16xf32> to vector<16xf32>
    %swap3A_203 = vector.shape_cast %broadcast_in_dim3A_199 : vector<16xf32> to vector<16xf32>
    tpu.vector_store %arg5[%swap3A_200], %swap3A_203 {strides = array<i32>} : memref<640xf32, #tpu.memory_space<vmem>>, vector<16xf32>,
    %broadcast_in_dim3A_204 = arith.constant 1.000000e+00 : f32
    %broadcast_in_dim3A_205 = vector.broadcast %broadcast_in_dim3A_204 : f32 to vector<16xf32>
    %swap3A_206 = arith.constant 528 : index
    %swap3A_207 = tpu.vector_load %arg5[%swap3A_206] {strides = array<i32>} : memref<640xf32, #tpu.memory_space<vmem>>, vector<16xf32>,
    %swap3A_208 = vector.shape_cast %swap3A_207 : vector<16xf32> to vector<16xf32>
    %swap3A_209 = vector.shape_cast %broadcast_in_dim3A_205 : vector<16xf32> to vector<16xf32>
    tpu.vector_store %arg5[%swap3A_206], %swap3A_209 {strides = array<i32>} : memref<640xf32, #tpu.memory_space<vmem>>, vector<16xf32>,
    %broadcast_in_dim3A_210 = arith.constant 1.000000e+00 : f32
    %broadcast_in_dim3A_211 = vector.broadcast %broadcast_in_dim3A_210 : f32 to vector<16xf32>
    %swap3A_212 = arith.constant 544 : index
    %swap3A_213 = tpu.vector_load %arg5[%swap3A_212] {strides = array<i32>} : memref<640xf32, #tpu.memory_space<vmem>>, vector<16xf32>,
    %swap3A_214 = vector.shape_cast %swap3A_213 : vector<16xf32> to vector<16xf32>
    %swap3A_215 = vector.shape_cast %broadcast_in_dim3A_211 : vector<16xf32> to vector<16xf32>
    tpu.vector_store %arg5[%swap3A_212], %swap3A_215 {strides = array<i32>} : memref<640xf32, #tpu.memory_space<vmem>>, vector<16xf32>,
    %broadcast_in_dim3A_216 = arith.constant 1.000000e+00 : f32
    %broadcast_in_dim3A_217 = vector.broadcast %broadcast_in_dim3A_216 : f32 to vector<16xf32>
    %swap3A_218 = arith.constant 560 : index
    %swap3A_219 = tpu.vector_load %arg5[%swap3A_218] {strides = array<i32>} : memref<640xf32, #tpu.memory_space<vmem>>, vector<16xf32>,
    %swap3A_220 = vector.shape_cast %swap3A_219 : vector<16xf32> to vector<16xf32>
    %swap3A_221 = vector.shape_cast %broadcast_in_dim3A_217 : vector<16xf32> to vector<16xf32>
    tpu.vector_store %arg5[%swap3A_218], %swap3A_221 {strides = array<i32>} : memref<640xf32, #tpu.memory_space<vmem>>, vector<16xf32>,
    %broadcast_in_dim3A_222 = arith.constant 1.000000e+00 : f32
    %broadcast_in_dim3A_223 = vector.broadcast %broadcast_in_dim3A_222 : f32 to vector<16xf32>
    %swap3A_224 = arith.constant 576 : index
    %swap3A_225 = tpu.vector_load %arg5[%swap3A_224] {strides = array<i32>} : memref<640xf32, #tpu.memory_space<vmem>>, vector<16xf32>,
    %swap3A_226 = vector.shape_cast %swap3A_225 : vector<16xf32> to vector<16xf32>
    %swap3A_227 = vector.shape_cast %broadcast_in_dim3A_223 : vector<16xf32> to vector<16xf32>
    tpu.vector_store %arg5[%swap3A_224], %swap3A_227 {strides = array<i32>} : memref<640xf32, #tpu.memory_space<vmem>>, vector<16xf32>,
    %broadcast_in_dim3A_228 = arith.constant 1.000000e+00 : f32
    %broadcast_in_dim3A_229 = vector.broadcast %broadcast_in_dim3A_228 : f32 to vector<16xf32>
    %swap3A_230 = arith.constant 592 : index
    %swap3A_231 = tpu.vector_load %arg5[%swap3A_230] {strides = array<i32>} : memref<640xf32, #tpu.memory_space<vmem>>, vector<16xf32>,
    %swap3A_232 = vector.shape_cast %swap3A_231 : vector<16xf32> to vector<16xf32>
    %swap3A_233 = vector.shape_cast %broadcast_in_dim3A_229 : vector<16xf32> to vector<16xf32>
    tpu.vector_store %arg5[%swap3A_230], %swap3A_233 {strides = array<i32>} : memref<640xf32, #tpu.memory_space<vmem>>, vector<16xf32>,
    %broadcast_in_dim3A_234 = arith.constant 1.000000e+00 : f32
    %broadcast_in_dim3A_235 = vector.broadcast %broadcast_in_dim3A_234 : f32 to vector<16xf32>
    %swap3A_236 = arith.constant 608 : index
    %swap3A_237 = tpu.vector_load %arg5[%swap3A_236] {strides = array<i32>} : memref<640xf32, #tpu.memory_space<vmem>>, vector<16xf32>,
    %swap3A_238 = vector.shape_cast %swap3A_237 : vector<16xf32> to vector<16xf32>
    %swap3A_239 = vector.shape_cast %broadcast_in_dim3A_235 : vector<16xf32> to vector<16xf32>
    tpu.vector_store %arg5[%swap3A_236], %swap3A_239 {strides = array<i32>} : memref<640xf32, #tpu.memory_space<vmem>>, vector<16xf32>,
    %broadcast_in_dim3A_240 = arith.constant 1.000000e+00 : f32
    %broadcast_in_dim3A_241 = vector.broadcast %broadcast_in_dim3A_240 : f32 to vector<16xf32>
    %swap3A_242 = arith.constant 624 : index
    %swap3A_243 = tpu.vector_load %arg5[%swap3A_242] {strides = array<i32>} : memref<640xf32, #tpu.memory_space<vmem>>, vector<16xf32>,
    %swap3A_244 = vector.shape_cast %swap3A_243 : vector<16xf32> to vector<16xf32>
    %swap3A_245 = vector.shape_cast %broadcast_in_dim3A_241 : vector<16xf32> to vector<16xf32>
    tpu.vector_store %arg5[%swap3A_242], %swap3A_245 {strides = array<i32>} : memref<640xf32, #tpu.memory_space<vmem>>, vector<16xf32>,
    %mul3A_246 = arith.constant 640 : i32
    %mul3A_247 = arith.muli %arg1, %mul3A_246 : i32
    "tpu.region"() ({
      %run_scoped3A = tpu.sem_alloc : memref<!tpu.dma_semaphore, #tpu.memory_space<semaphore_mem>>
      %dma_start3A_473 = tpu.memref_slice %arg6[%mul3A_247] : memref<10240xf32, #tpu.memory_space<vmem_shared>> -> memref<640xf32, #tpu.memory_space<vmem_shared>>
      %dma_start3A_474 = tpu.memref_slice %arg6[%mul3A_247] : memref<10240xf32, #tpu.memory_space<vmem_shared>> -> memref<640xf32, #tpu.memory_space<vmem_shared>>
      tpu.enqueue_dma source(%arg5 : memref<640xf32, #tpu.memory_space<vmem>>) target(%dma_start3A_474 : memref<640xf32, #tpu.memory_space<vmem_shared>>) target_semaphore(%run_scoped3A : memref<!tpu.dma_semaphore, #tpu.memory_space<semaphore_mem>>)
      %dma_wait3A_475 = tpu.memref_slice %arg6[%mul3A_247] : memref<10240xf32, #tpu.memory_space<vmem_shared>> -> memref<640xf32, #tpu.memory_space<vmem_shared>>
      %dma_wait3A_476 = tpu.memref_slice %arg6[%mul3A_247] : memref<10240xf32, #tpu.memory_space<vmem_shared>> -> memref<640xf32, #tpu.memory_space<vmem_shared>>
      tpu.wait_dma2 semaphore(%run_scoped3A : memref<!tpu.dma_semaphore, #tpu.memory_space<semaphore_mem>>) src(%arg5 : memref<640xf32, #tpu.memory_space<vmem>>) dst(%dma_wait3A_476 : memref<640xf32, #tpu.memory_space<vmem_shared>>)
      tpu.yield
    }) : () -> ()
    %dma_wait3A = arith.constant 0 : i32
    %dma_wait3A_248 = arith.constant 0 : i32
    %dma_wait3A_249 = tpu.memref_slice %arg2[%add3A, %dma_wait3A, %dma_wait3A_248] : memref<32x125x80xi32, #tpu.memory_space<hbm>> -> memref<1x125x80xi32, #tpu.memory_space<hbm>>
    %dma_wait3A_250 = tpu.memref_squeeze %dma_wait3A_249 : memref<1x125x80xi32, #tpu.memory_space<hbm>> -> memref<125x80xi32, #tpu.memory_space<hbm>>
    %dma_wait3A_251 = arith.constant 0 : i32
    %dma_wait3A_252 = arith.constant 0 : i32
    %dma_wait3A_253 = tpu.memref_slice %arg2[%add3A, %dma_wait3A_251, %dma_wait3A_252] : memref<32x125x80xi32, #tpu.memory_space<hbm>> -> memref<1x125x80xi32, #tpu.memory_space<hbm>>
    %dma_wait3A_254 = tpu.memref_squeeze %dma_wait3A_253 : memref<1x125x80xi32, #tpu.memory_space<hbm>> -> memref<125x80xi32, #tpu.memory_space<hbm>>
    tpu.wait_dma2 semaphore(%arg7 : memref<!tpu.dma_semaphore, #tpu.memory_space<semaphore_mem>>) src(%dma_wait3A_254 : memref<125x80xi32, #tpu.memory_space<hbm>>) dst(%arg4 : memref<125x80xi32, #tpu.memory_space<vmem>>)
    %barrier3A = arith.constant 0 : index
    tpu.barrier barrier_id(%barrier3A)
    %dma_start3A_255 = arith.constant 0 : i32
    %dma_start3A_256 = arith.constant 0 : i32
    %dma_start3A_257 = tpu.memref_slice %arg5[%dma_start3A_256] : memref<640xf32, #tpu.memory_space<vmem>> -> memref<80xf32, #tpu.memory_space<vmem>>
    %dma_start3A_258 = arith.constant 0 : i32
    %dma_start3A_259 = tpu.memref_slice %arg4[%dma_start3A_255, %dma_start3A_258] : memref<125x80xi32, #tpu.memory_space<vmem>> -> memref<1x80xi32, #tpu.memory_space<vmem>>
    %dma_start3A_260 = tpu.memref_squeeze %dma_start3A_259 : memref<1x80xi32, #tpu.memory_space<vmem>> -> memref<80xi32, #tpu.memory_space<vmem>>
    %dma_start3A_261 = arith.constant 0 : i32
    %dma_start3A_262 = tpu.memref_slice %arg6[%dma_start3A_261] : memref<10240xf32, #tpu.memory_space<vmem_shared>> -> memref<10240xf32, #tpu.memory_space<vmem_shared>>
    tpu.enqueue_indirect_dma source(%dma_start3A_257 : memref<80xf32, #tpu.memory_space<vmem>>) target(%dma_start3A_262 : memref<10240xf32, #tpu.memory_space<vmem_shared>>) offsets(%dma_start3A_260 : memref<80xi32, #tpu.memory_space<vmem>>) semaphore(%arg7 : memref<!tpu.dma_semaphore, #tpu.memory_space<semaphore_mem>>) {add = true}
    %dma_start3A_263 = arith.constant 1 : i32
    %dma_start3A_264 = arith.constant 0 : i32
    %dma_start3A_265 = tpu.memref_slice %arg5[%dma_start3A_264] : memref<640xf32, #tpu.memory_space<vmem>> -> memref<80xf32, #tpu.memory_space<vmem>>
    %dma_start3A_266 = arith.constant 0 : i32
    %dma_start3A_267 = tpu.memref_slice %arg4[%dma_start3A_263, %dma_start3A_266] : memref<125x80xi32, #tpu.memory_space<vmem>> -> memref<1x80xi32, #tpu.memory_space<vmem>>
    %dma_start3A_268 = tpu.memref_squeeze %dma_start3A_267 : memref<1x80xi32, #tpu.memory_space<vmem>> -> memref<80xi32, #tpu.memory_space<vmem>>
    %dma_start3A_269 = arith.constant 0 : i32
    %dma_start3A_270 = tpu.memref_slice %arg6[%dma_start3A_269] : memref<10240xf32, #tpu.memory_space<vmem_shared>> -> memref<10240xf32, #tpu.memory_space<vmem_shared>>
    tpu.enqueue_indirect_dma source(%dma_start3A_265 : memref<80xf32, #tpu.memory_space<vmem>>) target(%dma_start3A_270 : memref<10240xf32, #tpu.memory_space<vmem_shared>>) offsets(%dma_start3A_268 : memref<80xi32, #tpu.memory_space<vmem>>) semaphore(%arg8 : memref<!tpu.dma_semaphore, #tpu.memory_space<semaphore_mem>>) {add = true}
    %dma_start3A_271 = arith.constant 2 : i32
    %dma_start3A_272 = arith.constant 0 : i32
    %dma_start3A_273 = tpu.memref_slice %arg5[%dma_start3A_272] : memref<640xf32, #tpu.memory_space<vmem>> -> memref<80xf32, #tpu.memory_space<vmem>>
    %dma_start3A_274 = arith.constant 0 : i32
    %dma_start3A_275 = tpu.memref_slice %arg4[%dma_start3A_271, %dma_start3A_274] : memref<125x80xi32, #tpu.memory_space<vmem>> -> memref<1x80xi32, #tpu.memory_space<vmem>>
    %dma_start3A_276 = tpu.memref_squeeze %dma_start3A_275 : memref<1x80xi32, #tpu.memory_space<vmem>> -> memref<80xi32, #tpu.memory_space<vmem>>
    %dma_start3A_277 = arith.constant 0 : i32
    %dma_start3A_278 = tpu.memref_slice %arg6[%dma_start3A_277] : memref<10240xf32, #tpu.memory_space<vmem_shared>> -> memref<10240xf32, #tpu.memory_space<vmem_shared>>
    tpu.enqueue_indirect_dma source(%dma_start3A_273 : memref<80xf32, #tpu.memory_space<vmem>>) target(%dma_start3A_278 : memref<10240xf32, #tpu.memory_space<vmem_shared>>) offsets(%dma_start3A_276 : memref<80xi32, #tpu.memory_space<vmem>>) semaphore(%arg9 : memref<!tpu.dma_semaphore, #tpu.memory_space<semaphore_mem>>) {add = true}
    %dma_start3A_279 = arith.constant 3 : i32
    %dma_start3A_280 = arith.constant 0 : i32
    %dma_start3A_281 = tpu.memref_slice %arg5[%dma_start3A_280] : memref<640xf32, #tpu.memory_space<vmem>> -> memref<80xf32, #tpu.memory_space<vmem>>
    %dma_start3A_282 = arith.constant 0 : i32
    %dma_start3A_283 = tpu.memref_slice %arg4[%dma_start3A_279, %dma_start3A_282] : memref<125x80xi32, #tpu.memory_space<vmem>> -> memref<1x80xi32, #tpu.memory_space<vmem>>
    %dma_start3A_284 = tpu.memref_squeeze %dma_start3A_283 : memref<1x80xi32, #tpu.memory_space<vmem>> -> memref<80xi32, #tpu.memory_space<vmem>>
    %dma_start3A_285 = arith.constant 0 : i32
    %dma_start3A_286 = tpu.memref_slice %arg6[%dma_start3A_285] : memref<10240xf32, #tpu.memory_space<vmem_shared>> -> memref<10240xf32, #tpu.memory_space<vmem_shared>>
    tpu.enqueue_indirect_dma source(%dma_start3A_281 : memref<80xf32, #tpu.memory_space<vmem>>) target(%dma_start3A_286 : memref<10240xf32, #tpu.memory_space<vmem_shared>>) offsets(%dma_start3A_284 : memref<80xi32, #tpu.memory_space<vmem>>) semaphore(%arg10 : memref<!tpu.dma_semaphore, #tpu.memory_space<semaphore_mem>>) {add = true}
    %dma_start3A_287 = arith.constant 4 : i32
    %dma_start3A_288 = arith.constant 0 : i32
    %dma_start3A_289 = tpu.memref_slice %arg5[%dma_start3A_288] : memref<640xf32, #tpu.memory_space<vmem>> -> memref<80xf32, #tpu.memory_space<vmem>>
    %dma_start3A_290 = arith.constant 0 : i32
    %dma_start3A_291 = tpu.memref_slice %arg4[%dma_start3A_287, %dma_start3A_290] : memref<125x80xi32, #tpu.memory_space<vmem>> -> memref<1x80xi32, #tpu.memory_space<vmem>>
    %dma_start3A_292 = tpu.memref_squeeze %dma_start3A_291 : memref<1x80xi32, #tpu.memory_space<vmem>> -> memref<80xi32, #tpu.memory_space<vmem>>
    %dma_start3A_293 = arith.constant 0 : i32
    %dma_start3A_294 = tpu.memref_slice %arg6[%dma_start3A_293] : memref<10240xf32, #tpu.memory_space<vmem_shared>> -> memref<10240xf32, #tpu.memory_space<vmem_shared>>
    tpu.enqueue_indirect_dma source(%dma_start3A_289 : memref<80xf32, #tpu.memory_space<vmem>>) target(%dma_start3A_294 : memref<10240xf32, #tpu.memory_space<vmem_shared>>) offsets(%dma_start3A_292 : memref<80xi32, #tpu.memory_space<vmem>>) semaphore(%arg11 : memref<!tpu.dma_semaphore, #tpu.memory_space<semaphore_mem>>) {add = true}
    %dma_start3A_295 = arith.constant 5 : i32
    %dma_start3A_296 = arith.constant 0 : i32
    %dma_start3A_297 = tpu.memref_slice %arg5[%dma_start3A_296] : memref<640xf32, #tpu.memory_space<vmem>> -> memref<80xf32, #tpu.memory_space<vmem>>
    %dma_start3A_298 = arith.constant 0 : i32
    %dma_start3A_299 = tpu.memref_slice %arg4[%dma_start3A_295, %dma_start3A_298] : memref<125x80xi32, #tpu.memory_space<vmem>> -> memref<1x80xi32, #tpu.memory_space<vmem>>
    %dma_start3A_300 = tpu.memref_squeeze %dma_start3A_299 : memref<1x80xi32, #tpu.memory_space<vmem>> -> memref<80xi32, #tpu.memory_space<vmem>>
    %dma_start3A_301 = arith.constant 0 : i32
    %dma_start3A_302 = tpu.memref_slice %arg6[%dma_start3A_301] : memref<10240xf32, #tpu.memory_space<vmem_shared>> -> memref<10240xf32, #tpu.memory_space<vmem_shared>>
    tpu.enqueue_indirect_dma source(%dma_start3A_297 : memref<80xf32, #tpu.memory_space<vmem>>) target(%dma_start3A_302 : memref<10240xf32, #tpu.memory_space<vmem_shared>>) offsets(%dma_start3A_300 : memref<80xi32, #tpu.memory_space<vmem>>) semaphore(%arg12 : memref<!tpu.dma_semaphore, #tpu.memory_space<semaphore_mem>>) {add = true}
    %dma_start3A_303 = arith.constant 6 : i32
    %dma_start3A_304 = arith.constant 0 : i32
    %dma_start3A_305 = tpu.memref_slice %arg5[%dma_start3A_304] : memref<640xf32, #tpu.memory_space<vmem>> -> memref<80xf32, #tpu.memory_space<vmem>>
    %dma_start3A_306 = arith.constant 0 : i32
    %dma_start3A_307 = tpu.memref_slice %arg4[%dma_start3A_303, %dma_start3A_306] : memref<125x80xi32, #tpu.memory_space<vmem>> -> memref<1x80xi32, #tpu.memory_space<vmem>>
    %dma_start3A_308 = tpu.memref_squeeze %dma_start3A_307 : memref<1x80xi32, #tpu.memory_space<vmem>> -> memref<80xi32, #tpu.memory_space<vmem>>
    %dma_start3A_309 = arith.constant 0 : i32
    %dma_start3A_310 = tpu.memref_slice %arg6[%dma_start3A_309] : memref<10240xf32, #tpu.memory_space<vmem_shared>> -> memref<10240xf32, #tpu.memory_space<vmem_shared>>
    tpu.enqueue_indirect_dma source(%dma_start3A_305 : memref<80xf32, #tpu.memory_space<vmem>>) target(%dma_start3A_310 : memref<10240xf32, #tpu.memory_space<vmem_shared>>) offsets(%dma_start3A_308 : memref<80xi32, #tpu.memory_space<vmem>>) semaphore(%arg13 : memref<!tpu.dma_semaphore, #tpu.memory_space<semaphore_mem>>) {add = true}
    %dma_start3A_311 = arith.constant 7 : i32
    %dma_start3A_312 = arith.constant 0 : i32
    %dma_start3A_313 = tpu.memref_slice %arg5[%dma_start3A_312] : memref<640xf32, #tpu.memory_space<vmem>> -> memref<80xf32, #tpu.memory_space<vmem>>
    %dma_start3A_314 = arith.constant 0 : i32
    %dma_start3A_315 = tpu.memref_slice %arg4[%dma_start3A_311, %dma_start3A_314] : memref<125x80xi32, #tpu.memory_space<vmem>> -> memref<1x80xi32, #tpu.memory_space<vmem>>
    %dma_start3A_316 = tpu.memref_squeeze %dma_start3A_315 : memref<1x80xi32, #tpu.memory_space<vmem>> -> memref<80xi32, #tpu.memory_space<vmem>>
    %dma_start3A_317 = arith.constant 0 : i32
    %dma_start3A_318 = tpu.memref_slice %arg6[%dma_start3A_317] : memref<10240xf32, #tpu.memory_space<vmem_shared>> -> memref<10240xf32, #tpu.memory_space<vmem_shared>>
    tpu.enqueue_indirect_dma source(%dma_start3A_313 : memref<80xf32, #tpu.memory_space<vmem>>) target(%dma_start3A_318 : memref<10240xf32, #tpu.memory_space<vmem_shared>>) offsets(%dma_start3A_316 : memref<80xi32, #tpu.memory_space<vmem>>) semaphore(%arg14 : memref<!tpu.dma_semaphore, #tpu.memory_space<semaphore_mem>>) {add = true}
    %scan3A = arith.constant 0 : i32
    %scan3A_319 = arith.constant 0 : i32
    %scan3A_320 = arith.constant 14 : i32
    %scan3A_321 = arith.addi %scan3A_319, %scan3A_320 : i32
    %scan3A_322 = arith.constant 1 : i32
    scf.for %scan3A_473 = %scan3A_319 to %scan3A_321 step %scan3A_322  : i32 {
      %mul3A_474 = arith.constant 8 : i32
      %mul3A_475 = arith.muli %mul3A_474, %scan3A_473 : i32
      %add3A_476 = arith.constant 8 : i32
      %add3A_477 = arith.addi %add3A_476, %mul3A_475 : i32
      %add3A_478 = arith.constant 0 : i32
      %add3A_479 = arith.addi %add3A_477, %add3A_478 : i32
      %sub3A = arith.constant 8 : i32
      %sub3A_480 = arith.subi %add3A_479, %sub3A : i32
      %dma_wait3A_481 = arith.constant 0 : i32
      %dma_wait3A_482 = tpu.memref_slice %arg5[%dma_wait3A_481] : memref<640xf32, #tpu.memory_space<vmem>> -> memref<80xf32, #tpu.memory_space<vmem>>
      %dma_wait3A_483 = arith.constant 0 : i32
      %dma_wait3A_484 = tpu.memref_slice %arg4[%sub3A_480, %dma_wait3A_483] : memref<125x80xi32, #tpu.memory_space<vmem>> -> memref<1x80xi32, #tpu.memory_space<vmem>>
      %dma_wait3A_485 = tpu.memref_squeeze %dma_wait3A_484 : memref<1x80xi32, #tpu.memory_space<vmem>> -> memref<80xi32, #tpu.memory_space<vmem>>
      %dma_wait3A_486 = arith.constant 0 : i32
      %dma_wait3A_487 = tpu.memref_slice %arg6[%dma_wait3A_486] : memref<10240xf32, #tpu.memory_space<vmem_shared>> -> memref<10240xf32, #tpu.memory_space<vmem_shared>>
      tpu.wait_indirect_dma semaphore(%arg7 : memref<!tpu.dma_semaphore, #tpu.memory_space<semaphore_mem>>) src(%dma_wait3A_482 : memref<80xf32, #tpu.memory_space<vmem>>) dst(%dma_wait3A_487 : memref<10240xf32, #tpu.memory_space<vmem_shared>>)
      %add3A_488 = arith.constant 0 : i32
      %add3A_489 = arith.addi %add3A_477, %add3A_488 : i32
      %dma_start3A_490 = arith.constant 0 : i32
      %dma_start3A_491 = tpu.memref_slice %arg5[%dma_start3A_490] : memref<640xf32, #tpu.memory_space<vmem>> -> memref<80xf32, #tpu.memory_space<vmem>>
      %dma_start3A_492 = arith.constant 0 : i32
      %dma_start3A_493 = tpu.memref_slice %arg4[%add3A_489, %dma_start3A_492] : memref<125x80xi32, #tpu.memory_space<vmem>> -> memref<1x80xi32, #tpu.memory_space<vmem>>
      %dma_start3A_494 = tpu.memref_squeeze %dma_start3A_493 : memref<1x80xi32, #tpu.memory_space<vmem>> -> memref<80xi32, #tpu.memory_space<vmem>>
      %dma_start3A_495 = arith.constant 0 : i32
      %dma_start3A_496 = tpu.memref_slice %arg6[%dma_start3A_495] : memref<10240xf32, #tpu.memory_space<vmem_shared>> -> memref<10240xf32, #tpu.memory_space<vmem_shared>>
      tpu.enqueue_indirect_dma source(%dma_start3A_491 : memref<80xf32, #tpu.memory_space<vmem>>) target(%dma_start3A_496 : memref<10240xf32, #tpu.memory_space<vmem_shared>>) offsets(%dma_start3A_494 : memref<80xi32, #tpu.memory_space<vmem>>) semaphore(%arg7 : memref<!tpu.dma_semaphore, #tpu.memory_space<semaphore_mem>>) {add = true}
      %add3A_497 = arith.constant 1 : i32
      %add3A_498 = arith.addi %add3A_477, %add3A_497 : i32
      %sub3A_499 = arith.constant 8 : i32
      %sub3A_500 = arith.subi %add3A_498, %sub3A_499 : i32
      %dma_wait3A_501 = arith.constant 0 : i32
      %dma_wait3A_502 = tpu.memref_slice %arg5[%dma_wait3A_501] : memref<640xf32, #tpu.memory_space<vmem>> -> memref<80xf32, #tpu.memory_space<vmem>>
      %dma_wait3A_503 = arith.constant 0 : i32
      %dma_wait3A_504 = tpu.memref_slice %arg4[%sub3A_500, %dma_wait3A_503] : memref<125x80xi32, #tpu.memory_space<vmem>> -> memref<1x80xi32, #tpu.memory_space<vmem>>
      %dma_wait3A_505 = tpu.memref_squeeze %dma_wait3A_504 : memref<1x80xi32, #tpu.memory_space<vmem>> -> memref<80xi32, #tpu.memory_space<vmem>>
      %dma_wait3A_506 = arith.constant 0 : i32
      %dma_wait3A_507 = tpu.memref_slice %arg6[%dma_wait3A_506] : memref<10240xf32, #tpu.memory_space<vmem_shared>> -> memref<10240xf32, #tpu.memory_space<vmem_shared>>
      tpu.wait_indirect_dma semaphore(%arg8 : memref<!tpu.dma_semaphore, #tpu.memory_space<semaphore_mem>>) src(%dma_wait3A_502 : memref<80xf32, #tpu.memory_space<vmem>>) dst(%dma_wait3A_507 : memref<10240xf32, #tpu.memory_space<vmem_shared>>)
      %add3A_508 = arith.constant 1 : i32
      %add3A_509 = arith.addi %add3A_477, %add3A_508 : i32
      %dma_start3A_510 = arith.constant 0 : i32
      %dma_start3A_511 = tpu.memref_slice %arg5[%dma_start3A_510] : memref<640xf32, #tpu.memory_space<vmem>> -> memref<80xf32, #tpu.memory_space<vmem>>
      %dma_start3A_512 = arith.constant 0 : i32
      %dma_start3A_513 = tpu.memref_slice %arg4[%add3A_509, %dma_start3A_512] : memref<125x80xi32, #tpu.memory_space<vmem>> -> memref<1x80xi32, #tpu.memory_space<vmem>>
      %dma_start3A_514 = tpu.memref_squeeze %dma_start3A_513 : memref<1x80xi32, #tpu.memory_space<vmem>> -> memref<80xi32, #tpu.memory_space<vmem>>
      %dma_start3A_515 = arith.constant 0 : i32
      %dma_start3A_516 = tpu.memref_slice %arg6[%dma_start3A_515] : memref<10240xf32, #tpu.memory_space<vmem_shared>> -> memref<10240xf32, #tpu.memory_space<vmem_shared>>
      tpu.enqueue_indirect_dma source(%dma_start3A_511 : memref<80xf32, #tpu.memory_space<vmem>>) target(%dma_start3A_516 : memref<10240xf32, #tpu.memory_space<vmem_shared>>) offsets(%dma_start3A_514 : memref<80xi32, #tpu.memory_space<vmem>>) semaphore(%arg8 : memref<!tpu.dma_semaphore, #tpu.memory_space<semaphore_mem>>) {add = true}
      %add3A_517 = arith.constant 2 : i32
      %add3A_518 = arith.addi %add3A_477, %add3A_517 : i32
      %sub3A_519 = arith.constant 8 : i32
      %sub3A_520 = arith.subi %add3A_518, %sub3A_519 : i32
      %dma_wait3A_521 = arith.constant 0 : i32
      %dma_wait3A_522 = tpu.memref_slice %arg5[%dma_wait3A_521] : memref<640xf32, #tpu.memory_space<vmem>> -> memref<80xf32, #tpu.memory_space<vmem>>
      %dma_wait3A_523 = arith.constant 0 : i32
      %dma_wait3A_524 = tpu.memref_slice %arg4[%sub3A_520, %dma_wait3A_523] : memref<125x80xi32, #tpu.memory_space<vmem>> -> memref<1x80xi32, #tpu.memory_space<vmem>>
      %dma_wait3A_525 = tpu.memref_squeeze %dma_wait3A_524 : memref<1x80xi32, #tpu.memory_space<vmem>> -> memref<80xi32, #tpu.memory_space<vmem>>
      %dma_wait3A_526 = arith.constant 0 : i32
      %dma_wait3A_527 = tpu.memref_slice %arg6[%dma_wait3A_526] : memref<10240xf32, #tpu.memory_space<vmem_shared>> -> memref<10240xf32, #tpu.memory_space<vmem_shared>>
      tpu.wait_indirect_dma semaphore(%arg9 : memref<!tpu.dma_semaphore, #tpu.memory_space<semaphore_mem>>) src(%dma_wait3A_522 : memref<80xf32, #tpu.memory_space<vmem>>) dst(%dma_wait3A_527 : memref<10240xf32, #tpu.memory_space<vmem_shared>>)
      %add3A_528 = arith.constant 2 : i32
      %add3A_529 = arith.addi %add3A_477, %add3A_528 : i32
      %dma_start3A_530 = arith.constant 0 : i32
      %dma_start3A_531 = tpu.memref_slice %arg5[%dma_start3A_530] : memref<640xf32, #tpu.memory_space<vmem>> -> memref<80xf32, #tpu.memory_space<vmem>>
      %dma_start3A_532 = arith.constant 0 : i32
      %dma_start3A_533 = tpu.memref_slice %arg4[%add3A_529, %dma_start3A_532] : memref<125x80xi32, #tpu.memory_space<vmem>> -> memref<1x80xi32, #tpu.memory_space<vmem>>
      %dma_start3A_534 = tpu.memref_squeeze %dma_start3A_533 : memref<1x80xi32, #tpu.memory_space<vmem>> -> memref<80xi32, #tpu.memory_space<vmem>>
      %dma_start3A_535 = arith.constant 0 : i32
      %dma_start3A_536 = tpu.memref_slice %arg6[%dma_start3A_535] : memref<10240xf32, #tpu.memory_space<vmem_shared>> -> memref<10240xf32, #tpu.memory_space<vmem_shared>>
      tpu.enqueue_indirect_dma source(%dma_start3A_531 : memref<80xf32, #tpu.memory_space<vmem>>) target(%dma_start3A_536 : memref<10240xf32, #tpu.memory_space<vmem_shared>>) offsets(%dma_start3A_534 : memref<80xi32, #tpu.memory_space<vmem>>) semaphore(%arg9 : memref<!tpu.dma_semaphore, #tpu.memory_space<semaphore_mem>>) {add = true}
      %add3A_537 = arith.constant 3 : i32
      %add3A_538 = arith.addi %add3A_477, %add3A_537 : i32
      %sub3A_539 = arith.constant 8 : i32
      %sub3A_540 = arith.subi %add3A_538, %sub3A_539 : i32
      %dma_wait3A_541 = arith.constant 0 : i32
      %dma_wait3A_542 = tpu.memref_slice %arg5[%dma_wait3A_541] : memref<640xf32, #tpu.memory_space<vmem>> -> memref<80xf32, #tpu.memory_space<vmem>>
      %dma_wait3A_543 = arith.constant 0 : i32
      %dma_wait3A_544 = tpu.memref_slice %arg4[%sub3A_540, %dma_wait3A_543] : memref<125x80xi32, #tpu.memory_space<vmem>> -> memref<1x80xi32, #tpu.memory_space<vmem>>
      %dma_wait3A_545 = tpu.memref_squeeze %dma_wait3A_544 : memref<1x80xi32, #tpu.memory_space<vmem>> -> memref<80xi32, #tpu.memory_space<vmem>>
      %dma_wait3A_546 = arith.constant 0 : i32
      %dma_wait3A_547 = tpu.memref_slice %arg6[%dma_wait3A_546] : memref<10240xf32, #tpu.memory_space<vmem_shared>> -> memref<10240xf32, #tpu.memory_space<vmem_shared>>
      tpu.wait_indirect_dma semaphore(%arg10 : memref<!tpu.dma_semaphore, #tpu.memory_space<semaphore_mem>>) src(%dma_wait3A_542 : memref<80xf32, #tpu.memory_space<vmem>>) dst(%dma_wait3A_547 : memref<10240xf32, #tpu.memory_space<vmem_shared>>)
      %add3A_548 = arith.constant 3 : i32
      %add3A_549 = arith.addi %add3A_477, %add3A_548 : i32
      %dma_start3A_550 = arith.constant 0 : i32
      %dma_start3A_551 = tpu.memref_slice %arg5[%dma_start3A_550] : memref<640xf32, #tpu.memory_space<vmem>> -> memref<80xf32, #tpu.memory_space<vmem>>
      %dma_start3A_552 = arith.constant 0 : i32
      %dma_start3A_553 = tpu.memref_slice %arg4[%add3A_549, %dma_start3A_552] : memref<125x80xi32, #tpu.memory_space<vmem>> -> memref<1x80xi32, #tpu.memory_space<vmem>>
      %dma_start3A_554 = tpu.memref_squeeze %dma_start3A_553 : memref<1x80xi32, #tpu.memory_space<vmem>> -> memref<80xi32, #tpu.memory_space<vmem>>
      %dma_start3A_555 = arith.constant 0 : i32
      %dma_start3A_556 = tpu.memref_slice %arg6[%dma_start3A_555] : memref<10240xf32, #tpu.memory_space<vmem_shared>> -> memref<10240xf32, #tpu.memory_space<vmem_shared>>
      tpu.enqueue_indirect_dma source(%dma_start3A_551 : memref<80xf32, #tpu.memory_space<vmem>>) target(%dma_start3A_556 : memref<10240xf32, #tpu.memory_space<vmem_shared>>) offsets(%dma_start3A_554 : memref<80xi32, #tpu.memory_space<vmem>>) semaphore(%arg10 : memref<!tpu.dma_semaphore, #tpu.memory_space<semaphore_mem>>) {add = true}
      %add3A_557 = arith.constant 4 : i32
      %add3A_558 = arith.addi %add3A_477, %add3A_557 : i32
      %sub3A_559 = arith.constant 8 : i32
      %sub3A_560 = arith.subi %add3A_558, %sub3A_559 : i32
      %dma_wait3A_561 = arith.constant 0 : i32
      %dma_wait3A_562 = tpu.memref_slice %arg5[%dma_wait3A_561] : memref<640xf32, #tpu.memory_space<vmem>> -> memref<80xf32, #tpu.memory_space<vmem>>
      %dma_wait3A_563 = arith.constant 0 : i32
      %dma_wait3A_564 = tpu.memref_slice %arg4[%sub3A_560, %dma_wait3A_563] : memref<125x80xi32, #tpu.memory_space<vmem>> -> memref<1x80xi32, #tpu.memory_space<vmem>>
      %dma_wait3A_565 = tpu.memref_squeeze %dma_wait3A_564 : memref<1x80xi32, #tpu.memory_space<vmem>> -> memref<80xi32, #tpu.memory_space<vmem>>
      %dma_wait3A_566 = arith.constant 0 : i32
      %dma_wait3A_567 = tpu.memref_slice %arg6[%dma_wait3A_566] : memref<10240xf32, #tpu.memory_space<vmem_shared>> -> memref<10240xf32, #tpu.memory_space<vmem_shared>>
      tpu.wait_indirect_dma semaphore(%arg11 : memref<!tpu.dma_semaphore, #tpu.memory_space<semaphore_mem>>) src(%dma_wait3A_562 : memref<80xf32, #tpu.memory_space<vmem>>) dst(%dma_wait3A_567 : memref<10240xf32, #tpu.memory_space<vmem_shared>>)
      %add3A_568 = arith.constant 4 : i32
      %add3A_569 = arith.addi %add3A_477, %add3A_568 : i32
      %dma_start3A_570 = arith.constant 0 : i32
      %dma_start3A_571 = tpu.memref_slice %arg5[%dma_start3A_570] : memref<640xf32, #tpu.memory_space<vmem>> -> memref<80xf32, #tpu.memory_space<vmem>>
      %dma_start3A_572 = arith.constant 0 : i32
      %dma_start3A_573 = tpu.memref_slice %arg4[%add3A_569, %dma_start3A_572] : memref<125x80xi32, #tpu.memory_space<vmem>> -> memref<1x80xi32, #tpu.memory_space<vmem>>
      %dma_start3A_574 = tpu.memref_squeeze %dma_start3A_573 : memref<1x80xi32, #tpu.memory_space<vmem>> -> memref<80xi32, #tpu.memory_space<vmem>>
      %dma_start3A_575 = arith.constant 0 : i32
      %dma_start3A_576 = tpu.memref_slice %arg6[%dma_start3A_575] : memref<10240xf32, #tpu.memory_space<vmem_shared>> -> memref<10240xf32, #tpu.memory_space<vmem_shared>>
      tpu.enqueue_indirect_dma source(%dma_start3A_571 : memref<80xf32, #tpu.memory_space<vmem>>) target(%dma_start3A_576 : memref<10240xf32, #tpu.memory_space<vmem_shared>>) offsets(%dma_start3A_574 : memref<80xi32, #tpu.memory_space<vmem>>) semaphore(%arg11 : memref<!tpu.dma_semaphore, #tpu.memory_space<semaphore_mem>>) {add = true}
      %add3A_577 = arith.constant 5 : i32
      %add3A_578 = arith.addi %add3A_477, %add3A_577 : i32
      %sub3A_579 = arith.constant 8 : i32
      %sub3A_580 = arith.subi %add3A_578, %sub3A_579 : i32
      %dma_wait3A_581 = arith.constant 0 : i32
      %dma_wait3A_582 = tpu.memref_slice %arg5[%dma_wait3A_581] : memref<640xf32, #tpu.memory_space<vmem>> -> memref<80xf32, #tpu.memory_space<vmem>>
      %dma_wait3A_583 = arith.constant 0 : i32
      %dma_wait3A_584 = tpu.memref_slice %arg4[%sub3A_580, %dma_wait3A_583] : memref<125x80xi32, #tpu.memory_space<vmem>> -> memref<1x80xi32, #tpu.memory_space<vmem>>
      %dma_wait3A_585 = tpu.memref_squeeze %dma_wait3A_584 : memref<1x80xi32, #tpu.memory_space<vmem>> -> memref<80xi32, #tpu.memory_space<vmem>>
      %dma_wait3A_586 = arith.constant 0 : i32
      %dma_wait3A_587 = tpu.memref_slice %arg6[%dma_wait3A_586] : memref<10240xf32, #tpu.memory_space<vmem_shared>> -> memref<10240xf32, #tpu.memory_space<vmem_shared>>
      tpu.wait_indirect_dma semaphore(%arg12 : memref<!tpu.dma_semaphore, #tpu.memory_space<semaphore_mem>>) src(%dma_wait3A_582 : memref<80xf32, #tpu.memory_space<vmem>>) dst(%dma_wait3A_587 : memref<10240xf32, #tpu.memory_space<vmem_shared>>)
      %add3A_588 = arith.constant 5 : i32
      %add3A_589 = arith.addi %add3A_477, %add3A_588 : i32
      %dma_start3A_590 = arith.constant 0 : i32
      %dma_start3A_591 = tpu.memref_slice %arg5[%dma_start3A_590] : memref<640xf32, #tpu.memory_space<vmem>> -> memref<80xf32, #tpu.memory_space<vmem>>
      %dma_start3A_592 = arith.constant 0 : i32
      %dma_start3A_593 = tpu.memref_slice %arg4[%add3A_589, %dma_start3A_592] : memref<125x80xi32, #tpu.memory_space<vmem>> -> memref<1x80xi32, #tpu.memory_space<vmem>>
      %dma_start3A_594 = tpu.memref_squeeze %dma_start3A_593 : memref<1x80xi32, #tpu.memory_space<vmem>> -> memref<80xi32, #tpu.memory_space<vmem>>
      %dma_start3A_595 = arith.constant 0 : i32
      %dma_start3A_596 = tpu.memref_slice %arg6[%dma_start3A_595] : memref<10240xf32, #tpu.memory_space<vmem_shared>> -> memref<10240xf32, #tpu.memory_space<vmem_shared>>
      tpu.enqueue_indirect_dma source(%dma_start3A_591 : memref<80xf32, #tpu.memory_space<vmem>>) target(%dma_start3A_596 : memref<10240xf32, #tpu.memory_space<vmem_shared>>) offsets(%dma_start3A_594 : memref<80xi32, #tpu.memory_space<vmem>>) semaphore(%arg12 : memref<!tpu.dma_semaphore, #tpu.memory_space<semaphore_mem>>) {add = true}
      %add3A_597 = arith.constant 6 : i32
      %add3A_598 = arith.addi %add3A_477, %add3A_597 : i32
      %sub3A_599 = arith.constant 8 : i32
      %sub3A_600 = arith.subi %add3A_598, %sub3A_599 : i32
      %dma_wait3A_601 = arith.constant 0 : i32
      %dma_wait3A_602 = tpu.memref_slice %arg5[%dma_wait3A_601] : memref<640xf32, #tpu.memory_space<vmem>> -> memref<80xf32, #tpu.memory_space<vmem>>
      %dma_wait3A_603 = arith.constant 0 : i32
      %dma_wait3A_604 = tpu.memref_slice %arg4[%sub3A_600, %dma_wait3A_603] : memref<125x80xi32, #tpu.memory_space<vmem>> -> memref<1x80xi32, #tpu.memory_space<vmem>>
      %dma_wait3A_605 = tpu.memref_squeeze %dma_wait3A_604 : memref<1x80xi32, #tpu.memory_space<vmem>> -> memref<80xi32, #tpu.memory_space<vmem>>
      %dma_wait3A_606 = arith.constant 0 : i32
      %dma_wait3A_607 = tpu.memref_slice %arg6[%dma_wait3A_606] : memref<10240xf32, #tpu.memory_space<vmem_shared>> -> memref<10240xf32, #tpu.memory_space<vmem_shared>>
      tpu.wait_indirect_dma semaphore(%arg13 : memref<!tpu.dma_semaphore, #tpu.memory_space<semaphore_mem>>) src(%dma_wait3A_602 : memref<80xf32, #tpu.memory_space<vmem>>) dst(%dma_wait3A_607 : memref<10240xf32, #tpu.memory_space<vmem_shared>>)
      %add3A_608 = arith.constant 6 : i32
      %add3A_609 = arith.addi %add3A_477, %add3A_608 : i32
      %dma_start3A_610 = arith.constant 0 : i32
      %dma_start3A_611 = tpu.memref_slice %arg5[%dma_start3A_610] : memref<640xf32, #tpu.memory_space<vmem>> -> memref<80xf32, #tpu.memory_space<vmem>>
      %dma_start3A_612 = arith.constant 0 : i32
      %dma_start3A_613 = tpu.memref_slice %arg4[%add3A_609, %dma_start3A_612] : memref<125x80xi32, #tpu.memory_space<vmem>> -> memref<1x80xi32, #tpu.memory_space<vmem>>
      %dma_start3A_614 = tpu.memref_squeeze %dma_start3A_613 : memref<1x80xi32, #tpu.memory_space<vmem>> -> memref<80xi32, #tpu.memory_space<vmem>>
      %dma_start3A_615 = arith.constant 0 : i32
      %dma_start3A_616 = tpu.memref_slice %arg6[%dma_start3A_615] : memref<10240xf32, #tpu.memory_space<vmem_shared>> -> memref<10240xf32, #tpu.memory_space<vmem_shared>>
      tpu.enqueue_indirect_dma source(%dma_start3A_611 : memref<80xf32, #tpu.memory_space<vmem>>) target(%dma_start3A_616 : memref<10240xf32, #tpu.memory_space<vmem_shared>>) offsets(%dma_start3A_614 : memref<80xi32, #tpu.memory_space<vmem>>) semaphore(%arg13 : memref<!tpu.dma_semaphore, #tpu.memory_space<semaphore_mem>>) {add = true}
      %add3A_617 = arith.constant 7 : i32
      %add3A_618 = arith.addi %add3A_477, %add3A_617 : i32
      %sub3A_619 = arith.constant 8 : i32
      %sub3A_620 = arith.subi %add3A_618, %sub3A_619 : i32
      %dma_wait3A_621 = arith.constant 0 : i32
      %dma_wait3A_622 = tpu.memref_slice %arg5[%dma_wait3A_621] : memref<640xf32, #tpu.memory_space<vmem>> -> memref<80xf32, #tpu.memory_space<vmem>>
      %dma_wait3A_623 = arith.constant 0 : i32
      %dma_wait3A_624 = tpu.memref_slice %arg4[%sub3A_620, %dma_wait3A_623] : memref<125x80xi32, #tpu.memory_space<vmem>> -> memref<1x80xi32, #tpu.memory_space<vmem>>
      %dma_wait3A_625 = tpu.memref_squeeze %dma_wait3A_624 : memref<1x80xi32, #tpu.memory_space<vmem>> -> memref<80xi32, #tpu.memory_space<vmem>>
      %dma_wait3A_626 = arith.constant 0 : i32
      %dma_wait3A_627 = tpu.memref_slice %arg6[%dma_wait3A_626] : memref<10240xf32, #tpu.memory_space<vmem_shared>> -> memref<10240xf32, #tpu.memory_space<vmem_shared>>
      tpu.wait_indirect_dma semaphore(%arg14 : memref<!tpu.dma_semaphore, #tpu.memory_space<semaphore_mem>>) src(%dma_wait3A_622 : memref<80xf32, #tpu.memory_space<vmem>>) dst(%dma_wait3A_627 : memref<10240xf32, #tpu.memory_space<vmem_shared>>)
      %add3A_628 = arith.constant 7 : i32
      %add3A_629 = arith.addi %add3A_477, %add3A_628 : i32
      %dma_start3A_630 = arith.constant 0 : i32
      %dma_start3A_631 = tpu.memref_slice %arg5[%dma_start3A_630] : memref<640xf32, #tpu.memory_space<vmem>> -> memref<80xf32, #tpu.memory_space<vmem>>
      %dma_start3A_632 = arith.constant 0 : i32
      %dma_start3A_633 = tpu.memref_slice %arg4[%add3A_629, %dma_start3A_632] : memref<125x80xi32, #tpu.memory_space<vmem>> -> memref<1x80xi32, #tpu.memory_space<vmem>>
      %dma_start3A_634 = tpu.memref_squeeze %dma_start3A_633 : memref<1x80xi32, #tpu.memory_space<vmem>> -> memref<80xi32, #tpu.memory_space<vmem>>
      %dma_start3A_635 = arith.constant 0 : i32
      %dma_start3A_636 = tpu.memref_slice %arg6[%dma_start3A_635] : memref<10240xf32, #tpu.memory_space<vmem_shared>> -> memref<10240xf32, #tpu.memory_space<vmem_shared>>
      tpu.enqueue_indirect_dma source(%dma_start3A_631 : memref<80xf32, #tpu.memory_space<vmem>>) target(%dma_start3A_636 : memref<10240xf32, #tpu.memory_space<vmem_shared>>) offsets(%dma_start3A_634 : memref<80xi32, #tpu.memory_space<vmem>>) semaphore(%arg14 : memref<!tpu.dma_semaphore, #tpu.memory_space<semaphore_mem>>) {add = true}
    }
    %scan3A_323 = arith.constant 14 : i32
    %dma_wait3A_324 = arith.constant 112 : i32
    %dma_wait3A_325 = arith.constant 0 : i32
    %dma_wait3A_326 = tpu.memref_slice %arg5[%dma_wait3A_325] : memref<640xf32, #tpu.memory_space<vmem>> -> memref<80xf32, #tpu.memory_space<vmem>>
    %dma_wait3A_327 = arith.constant 0 : i32
    %dma_wait3A_328 = tpu.memref_slice %arg4[%dma_wait3A_324, %dma_wait3A_327] : memref<125x80xi32, #tpu.memory_space<vmem>> -> memref<1x80xi32, #tpu.memory_space<vmem>>
    %dma_wait3A_329 = tpu.memref_squeeze %dma_wait3A_328 : memref<1x80xi32, #tpu.memory_space<vmem>> -> memref<80xi32, #tpu.memory_space<vmem>>
    %dma_wait3A_330 = arith.constant 0 : i32
    %dma_wait3A_331 = tpu.memref_slice %arg6[%dma_wait3A_330] : memref<10240xf32, #tpu.memory_space<vmem_shared>> -> memref<10240xf32, #tpu.memory_space<vmem_shared>>
    tpu.wait_indirect_dma semaphore(%arg7 : memref<!tpu.dma_semaphore, #tpu.memory_space<semaphore_mem>>) src(%dma_wait3A_326 : memref<80xf32, #tpu.memory_space<vmem>>) dst(%dma_wait3A_331 : memref<10240xf32, #tpu.memory_space<vmem_shared>>)
    %dma_start3A_332 = arith.constant 120 : i32
    %dma_start3A_333 = arith.constant 0 : i32
    %dma_start3A_334 = tpu.memref_slice %arg5[%dma_start3A_333] : memref<640xf32, #tpu.memory_space<vmem>> -> memref<80xf32, #tpu.memory_space<vmem>>
    %dma_start3A_335 = arith.constant 0 : i32
    %dma_start3A_336 = tpu.memref_slice %arg4[%dma_start3A_332, %dma_start3A_335] : memref<125x80xi32, #tpu.memory_space<vmem>> -> memref<1x80xi32, #tpu.memory_space<vmem>>
    %dma_start3A_337 = tpu.memref_squeeze %dma_start3A_336 : memref<1x80xi32, #tpu.memory_space<vmem>> -> memref<80xi32, #tpu.memory_space<vmem>>
    %dma_start3A_338 = arith.constant 0 : i32
    %dma_start3A_339 = tpu.memref_slice %arg6[%dma_start3A_338] : memref<10240xf32, #tpu.memory_space<vmem_shared>> -> memref<10240xf32, #tpu.memory_space<vmem_shared>>
    tpu.enqueue_indirect_dma source(%dma_start3A_334 : memref<80xf32, #tpu.memory_space<vmem>>) target(%dma_start3A_339 : memref<10240xf32, #tpu.memory_space<vmem_shared>>) offsets(%dma_start3A_337 : memref<80xi32, #tpu.memory_space<vmem>>) semaphore(%arg7 : memref<!tpu.dma_semaphore, #tpu.memory_space<semaphore_mem>>) {add = true}
    %dma_wait3A_340 = arith.constant 113 : i32
    %dma_wait3A_341 = arith.constant 0 : i32
    %dma_wait3A_342 = tpu.memref_slice %arg5[%dma_wait3A_341] : memref<640xf32, #tpu.memory_space<vmem>> -> memref<80xf32, #tpu.memory_space<vmem>>
    %dma_wait3A_343 = arith.constant 0 : i32
    %dma_wait3A_344 = tpu.memref_slice %arg4[%dma_wait3A_340, %dma_wait3A_343] : memref<125x80xi32, #tpu.memory_space<vmem>> -> memref<1x80xi32, #tpu.memory_space<vmem>>
    %dma_wait3A_345 = tpu.memref_squeeze %dma_wait3A_344 : memref<1x80xi32, #tpu.memory_space<vmem>> -> memref<80xi32, #tpu.memory_space<vmem>>
    %dma_wait3A_346 = arith.constant 0 : i32
    %dma_wait3A_347 = tpu.memref_slice %arg6[%dma_wait3A_346] : memref<10240xf32, #tpu.memory_space<vmem_shared>> -> memref<10240xf32, #tpu.memory_space<vmem_shared>>
    tpu.wait_indirect_dma semaphore(%arg8 : memref<!tpu.dma_semaphore, #tpu.memory_space<semaphore_mem>>) src(%dma_wait3A_342 : memref<80xf32, #tpu.memory_space<vmem>>) dst(%dma_wait3A_347 : memref<10240xf32, #tpu.memory_space<vmem_shared>>)
    %dma_start3A_348 = arith.constant 121 : i32
    %dma_start3A_349 = arith.constant 0 : i32
    %dma_start3A_350 = tpu.memref_slice %arg5[%dma_start3A_349] : memref<640xf32, #tpu.memory_space<vmem>> -> memref<80xf32, #tpu.memory_space<vmem>>
    %dma_start3A_351 = arith.constant 0 : i32
    %dma_start3A_352 = tpu.memref_slice %arg4[%dma_start3A_348, %dma_start3A_351] : memref<125x80xi32, #tpu.memory_space<vmem>> -> memref<1x80xi32, #tpu.memory_space<vmem>>
    %dma_start3A_353 = tpu.memref_squeeze %dma_start3A_352 : memref<1x80xi32, #tpu.memory_space<vmem>> -> memref<80xi32, #tpu.memory_space<vmem>>
    %dma_start3A_354 = arith.constant 0 : i32
    %dma_start3A_355 = tpu.memref_slice %arg6[%dma_start3A_354] : memref<10240xf32, #tpu.memory_space<vmem_shared>> -> memref<10240xf32, #tpu.memory_space<vmem_shared>>
    tpu.enqueue_indirect_dma source(%dma_start3A_350 : memref<80xf32, #tpu.memory_space<vmem>>) target(%dma_start3A_355 : memref<10240xf32, #tpu.memory_space<vmem_shared>>) offsets(%dma_start3A_353 : memref<80xi32, #tpu.memory_space<vmem>>) semaphore(%arg8 : memref<!tpu.dma_semaphore, #tpu.memory_space<semaphore_mem>>) {add = true}
    %dma_wait3A_356 = arith.constant 114 : i32
    %dma_wait3A_357 = arith.constant 0 : i32
    %dma_wait3A_358 = tpu.memref_slice %arg5[%dma_wait3A_357] : memref<640xf32, #tpu.memory_space<vmem>> -> memref<80xf32, #tpu.memory_space<vmem>>
    %dma_wait3A_359 = arith.constant 0 : i32
    %dma_wait3A_360 = tpu.memref_slice %arg4[%dma_wait3A_356, %dma_wait3A_359] : memref<125x80xi32, #tpu.memory_space<vmem>> -> memref<1x80xi32, #tpu.memory_space<vmem>>
    %dma_wait3A_361 = tpu.memref_squeeze %dma_wait3A_360 : memref<1x80xi32, #tpu.memory_space<vmem>> -> memref<80xi32, #tpu.memory_space<vmem>>
    %dma_wait3A_362 = arith.constant 0 : i32
    %dma_wait3A_363 = tpu.memref_slice %arg6[%dma_wait3A_362] : memref<10240xf32, #tpu.memory_space<vmem_shared>> -> memref<10240xf32, #tpu.memory_space<vmem_shared>>
    tpu.wait_indirect_dma semaphore(%arg9 : memref<!tpu.dma_semaphore, #tpu.memory_space<semaphore_mem>>) src(%dma_wait3A_358 : memref<80xf32, #tpu.memory_space<vmem>>) dst(%dma_wait3A_363 : memref<10240xf32, #tpu.memory_space<vmem_shared>>)
    %dma_start3A_364 = arith.constant 122 : i32
    %dma_start3A_365 = arith.constant 0 : i32
    %dma_start3A_366 = tpu.memref_slice %arg5[%dma_start3A_365] : memref<640xf32, #tpu.memory_space<vmem>> -> memref<80xf32, #tpu.memory_space<vmem>>
    %dma_start3A_367 = arith.constant 0 : i32
    %dma_start3A_368 = tpu.memref_slice %arg4[%dma_start3A_364, %dma_start3A_367] : memref<125x80xi32, #tpu.memory_space<vmem>> -> memref<1x80xi32, #tpu.memory_space<vmem>>
    %dma_start3A_369 = tpu.memref_squeeze %dma_start3A_368 : memref<1x80xi32, #tpu.memory_space<vmem>> -> memref<80xi32, #tpu.memory_space<vmem>>
    %dma_start3A_370 = arith.constant 0 : i32
    %dma_start3A_371 = tpu.memref_slice %arg6[%dma_start3A_370] : memref<10240xf32, #tpu.memory_space<vmem_shared>> -> memref<10240xf32, #tpu.memory_space<vmem_shared>>
    tpu.enqueue_indirect_dma source(%dma_start3A_366 : memref<80xf32, #tpu.memory_space<vmem>>) target(%dma_start3A_371 : memref<10240xf32, #tpu.memory_space<vmem_shared>>) offsets(%dma_start3A_369 : memref<80xi32, #tpu.memory_space<vmem>>) semaphore(%arg9 : memref<!tpu.dma_semaphore, #tpu.memory_space<semaphore_mem>>) {add = true}
    %dma_wait3A_372 = arith.constant 115 : i32
    %dma_wait3A_373 = arith.constant 0 : i32
    %dma_wait3A_374 = tpu.memref_slice %arg5[%dma_wait3A_373] : memref<640xf32, #tpu.memory_space<vmem>> -> memref<80xf32, #tpu.memory_space<vmem>>
    %dma_wait3A_375 = arith.constant 0 : i32
    %dma_wait3A_376 = tpu.memref_slice %arg4[%dma_wait3A_372, %dma_wait3A_375] : memref<125x80xi32, #tpu.memory_space<vmem>> -> memref<1x80xi32, #tpu.memory_space<vmem>>
    %dma_wait3A_377 = tpu.memref_squeeze %dma_wait3A_376 : memref<1x80xi32, #tpu.memory_space<vmem>> -> memref<80xi32, #tpu.memory_space<vmem>>
    %dma_wait3A_378 = arith.constant 0 : i32
    %dma_wait3A_379 = tpu.memref_slice %arg6[%dma_wait3A_378] : memref<10240xf32, #tpu.memory_space<vmem_shared>> -> memref<10240xf32, #tpu.memory_space<vmem_shared>>
    tpu.wait_indirect_dma semaphore(%arg10 : memref<!tpu.dma_semaphore, #tpu.memory_space<semaphore_mem>>) src(%dma_wait3A_374 : memref<80xf32, #tpu.memory_space<vmem>>) dst(%dma_wait3A_379 : memref<10240xf32, #tpu.memory_space<vmem_shared>>)
    %dma_start3A_380 = arith.constant 123 : i32
    %dma_start3A_381 = arith.constant 0 : i32
    %dma_start3A_382 = tpu.memref_slice %arg5[%dma_start3A_381] : memref<640xf32, #tpu.memory_space<vmem>> -> memref<80xf32, #tpu.memory_space<vmem>>
    %dma_start3A_383 = arith.constant 0 : i32
    %dma_start3A_384 = tpu.memref_slice %arg4[%dma_start3A_380, %dma_start3A_383] : memref<125x80xi32, #tpu.memory_space<vmem>> -> memref<1x80xi32, #tpu.memory_space<vmem>>
    %dma_start3A_385 = tpu.memref_squeeze %dma_start3A_384 : memref<1x80xi32, #tpu.memory_space<vmem>> -> memref<80xi32, #tpu.memory_space<vmem>>
    %dma_start3A_386 = arith.constant 0 : i32
    %dma_start3A_387 = tpu.memref_slice %arg6[%dma_start3A_386] : memref<10240xf32, #tpu.memory_space<vmem_shared>> -> memref<10240xf32, #tpu.memory_space<vmem_shared>>
    tpu.enqueue_indirect_dma source(%dma_start3A_382 : memref<80xf32, #tpu.memory_space<vmem>>) target(%dma_start3A_387 : memref<10240xf32, #tpu.memory_space<vmem_shared>>) offsets(%dma_start3A_385 : memref<80xi32, #tpu.memory_space<vmem>>) semaphore(%arg10 : memref<!tpu.dma_semaphore, #tpu.memory_space<semaphore_mem>>) {add = true}
    %dma_wait3A_388 = arith.constant 116 : i32
    %dma_wait3A_389 = arith.constant 0 : i32
    %dma_wait3A_390 = tpu.memref_slice %arg5[%dma_wait3A_389] : memref<640xf32, #tpu.memory_space<vmem>> -> memref<80xf32, #tpu.memory_space<vmem>>
    %dma_wait3A_391 = arith.constant 0 : i32
    %dma_wait3A_392 = tpu.memref_slice %arg4[%dma_wait3A_388, %dma_wait3A_391] : memref<125x80xi32, #tpu.memory_space<vmem>> -> memref<1x80xi32, #tpu.memory_space<vmem>>
    %dma_wait3A_393 = tpu.memref_squeeze %dma_wait3A_392 : memref<1x80xi32, #tpu.memory_space<vmem>> -> memref<80xi32, #tpu.memory_space<vmem>>
    %dma_wait3A_394 = arith.constant 0 : i32
    %dma_wait3A_395 = tpu.memref_slice %arg6[%dma_wait3A_394] : memref<10240xf32, #tpu.memory_space<vmem_shared>> -> memref<10240xf32, #tpu.memory_space<vmem_shared>>
    tpu.wait_indirect_dma semaphore(%arg11 : memref<!tpu.dma_semaphore, #tpu.memory_space<semaphore_mem>>) src(%dma_wait3A_390 : memref<80xf32, #tpu.memory_space<vmem>>) dst(%dma_wait3A_395 : memref<10240xf32, #tpu.memory_space<vmem_shared>>)
    %dma_start3A_396 = arith.constant 124 : i32
    %dma_start3A_397 = arith.constant 0 : i32
    %dma_start3A_398 = tpu.memref_slice %arg5[%dma_start3A_397] : memref<640xf32, #tpu.memory_space<vmem>> -> memref<80xf32, #tpu.memory_space<vmem>>
    %dma_start3A_399 = arith.constant 0 : i32
    %dma_start3A_400 = tpu.memref_slice %arg4[%dma_start3A_396, %dma_start3A_399] : memref<125x80xi32, #tpu.memory_space<vmem>> -> memref<1x80xi32, #tpu.memory_space<vmem>>
    %dma_start3A_401 = tpu.memref_squeeze %dma_start3A_400 : memref<1x80xi32, #tpu.memory_space<vmem>> -> memref<80xi32, #tpu.memory_space<vmem>>
    %dma_start3A_402 = arith.constant 0 : i32
    %dma_start3A_403 = tpu.memref_slice %arg6[%dma_start3A_402] : memref<10240xf32, #tpu.memory_space<vmem_shared>> -> memref<10240xf32, #tpu.memory_space<vmem_shared>>
    tpu.enqueue_indirect_dma source(%dma_start3A_398 : memref<80xf32, #tpu.memory_space<vmem>>) target(%dma_start3A_403 : memref<10240xf32, #tpu.memory_space<vmem_shared>>) offsets(%dma_start3A_401 : memref<80xi32, #tpu.memory_space<vmem>>) semaphore(%arg11 : memref<!tpu.dma_semaphore, #tpu.memory_space<semaphore_mem>>) {add = true}
    %dma_wait3A_404 = arith.constant 117 : i32
    %dma_wait3A_405 = arith.constant 0 : i32
    %dma_wait3A_406 = tpu.memref_slice %arg5[%dma_wait3A_405] : memref<640xf32, #tpu.memory_space<vmem>> -> memref<80xf32, #tpu.memory_space<vmem>>
    %dma_wait3A_407 = arith.constant 0 : i32
    %dma_wait3A_408 = tpu.memref_slice %arg4[%dma_wait3A_404, %dma_wait3A_407] : memref<125x80xi32, #tpu.memory_space<vmem>> -> memref<1x80xi32, #tpu.memory_space<vmem>>
    %dma_wait3A_409 = tpu.memref_squeeze %dma_wait3A_408 : memref<1x80xi32, #tpu.memory_space<vmem>> -> memref<80xi32, #tpu.memory_space<vmem>>
    %dma_wait3A_410 = arith.constant 0 : i32
    %dma_wait3A_411 = tpu.memref_slice %arg6[%dma_wait3A_410] : memref<10240xf32, #tpu.memory_space<vmem_shared>> -> memref<10240xf32, #tpu.memory_space<vmem_shared>>
    tpu.wait_indirect_dma semaphore(%arg12 : memref<!tpu.dma_semaphore, #tpu.memory_space<semaphore_mem>>) src(%dma_wait3A_406 : memref<80xf32, #tpu.memory_space<vmem>>) dst(%dma_wait3A_411 : memref<10240xf32, #tpu.memory_space<vmem_shared>>)
    %dma_wait3A_412 = arith.constant 118 : i32
    %dma_wait3A_413 = arith.constant 0 : i32
    %dma_wait3A_414 = tpu.memref_slice %arg5[%dma_wait3A_413] : memref<640xf32, #tpu.memory_space<vmem>> -> memref<80xf32, #tpu.memory_space<vmem>>
    %dma_wait3A_415 = arith.constant 0 : i32
    %dma_wait3A_416 = tpu.memref_slice %arg4[%dma_wait3A_412, %dma_wait3A_415] : memref<125x80xi32, #tpu.memory_space<vmem>> -> memref<1x80xi32, #tpu.memory_space<vmem>>
    %dma_wait3A_417 = tpu.memref_squeeze %dma_wait3A_416 : memref<1x80xi32, #tpu.memory_space<vmem>> -> memref<80xi32, #tpu.memory_space<vmem>>
    %dma_wait3A_418 = arith.constant 0 : i32
    %dma_wait3A_419 = tpu.memref_slice %arg6[%dma_wait3A_418] : memref<10240xf32, #tpu.memory_space<vmem_shared>> -> memref<10240xf32, #tpu.memory_space<vmem_shared>>
    tpu.wait_indirect_dma semaphore(%arg13 : memref<!tpu.dma_semaphore, #tpu.memory_space<semaphore_mem>>) src(%dma_wait3A_414 : memref<80xf32, #tpu.memory_space<vmem>>) dst(%dma_wait3A_419 : memref<10240xf32, #tpu.memory_space<vmem_shared>>)
    %dma_wait3A_420 = arith.constant 119 : i32
    %dma_wait3A_421 = arith.constant 0 : i32
    %dma_wait3A_422 = tpu.memref_slice %arg5[%dma_wait3A_421] : memref<640xf32, #tpu.memory_space<vmem>> -> memref<80xf32, #tpu.memory_space<vmem>>
    %dma_wait3A_423 = arith.constant 0 : i32
    %dma_wait3A_424 = tpu.memref_slice %arg4[%dma_wait3A_420, %dma_wait3A_423] : memref<125x80xi32, #tpu.memory_space<vmem>> -> memref<1x80xi32, #tpu.memory_space<vmem>>
    %dma_wait3A_425 = tpu.memref_squeeze %dma_wait3A_424 : memref<1x80xi32, #tpu.memory_space<vmem>> -> memref<80xi32, #tpu.memory_space<vmem>>
    %dma_wait3A_426 = arith.constant 0 : i32
    %dma_wait3A_427 = tpu.memref_slice %arg6[%dma_wait3A_426] : memref<10240xf32, #tpu.memory_space<vmem_shared>> -> memref<10240xf32, #tpu.memory_space<vmem_shared>>
    tpu.wait_indirect_dma semaphore(%arg14 : memref<!tpu.dma_semaphore, #tpu.memory_space<semaphore_mem>>) src(%dma_wait3A_422 : memref<80xf32, #tpu.memory_space<vmem>>) dst(%dma_wait3A_427 : memref<10240xf32, #tpu.memory_space<vmem_shared>>)
    %dma_wait3A_428 = arith.constant 120 : i32
    %dma_wait3A_429 = arith.constant 0 : i32
    %dma_wait3A_430 = tpu.memref_slice %arg5[%dma_wait3A_429] : memref<640xf32, #tpu.memory_space<vmem>> -> memref<80xf32, #tpu.memory_space<vmem>>
    %dma_wait3A_431 = arith.constant 0 : i32
    %dma_wait3A_432 = tpu.memref_slice %arg4[%dma_wait3A_428, %dma_wait3A_431] : memref<125x80xi32, #tpu.memory_space<vmem>> -> memref<1x80xi32, #tpu.memory_space<vmem>>
    %dma_wait3A_433 = tpu.memref_squeeze %dma_wait3A_432 : memref<1x80xi32, #tpu.memory_space<vmem>> -> memref<80xi32, #tpu.memory_space<vmem>>
    %dma_wait3A_434 = arith.constant 0 : i32
    %dma_wait3A_435 = tpu.memref_slice %arg6[%dma_wait3A_434] : memref<10240xf32, #tpu.memory_space<vmem_shared>> -> memref<10240xf32, #tpu.memory_space<vmem_shared>>
    tpu.wait_indirect_dma semaphore(%arg7 : memref<!tpu.dma_semaphore, #tpu.memory_space<semaphore_mem>>) src(%dma_wait3A_430 : memref<80xf32, #tpu.memory_space<vmem>>) dst(%dma_wait3A_435 : memref<10240xf32, #tpu.memory_space<vmem_shared>>)
    %dma_wait3A_436 = arith.constant 121 : i32
    %dma_wait3A_437 = arith.constant 0 : i32
    %dma_wait3A_438 = tpu.memref_slice %arg5[%dma_wait3A_437] : memref<640xf32, #tpu.memory_space<vmem>> -> memref<80xf32, #tpu.memory_space<vmem>>
    %dma_wait3A_439 = arith.constant 0 : i32
    %dma_wait3A_440 = tpu.memref_slice %arg4[%dma_wait3A_436, %dma_wait3A_439] : memref<125x80xi32, #tpu.memory_space<vmem>> -> memref<1x80xi32, #tpu.memory_space<vmem>>
    %dma_wait3A_441 = tpu.memref_squeeze %dma_wait3A_440 : memref<1x80xi32, #tpu.memory_space<vmem>> -> memref<80xi32, #tpu.memory_space<vmem>>
    %dma_wait3A_442 = arith.constant 0 : i32
    %dma_wait3A_443 = tpu.memref_slice %arg6[%dma_wait3A_442] : memref<10240xf32, #tpu.memory_space<vmem_shared>> -> memref<10240xf32, #tpu.memory_space<vmem_shared>>
    tpu.wait_indirect_dma semaphore(%arg8 : memref<!tpu.dma_semaphore, #tpu.memory_space<semaphore_mem>>) src(%dma_wait3A_438 : memref<80xf32, #tpu.memory_space<vmem>>) dst(%dma_wait3A_443 : memref<10240xf32, #tpu.memory_space<vmem_shared>>)
    %dma_wait3A_444 = arith.constant 122 : i32
    %dma_wait3A_445 = arith.constant 0 : i32
    %dma_wait3A_446 = tpu.memref_slice %arg5[%dma_wait3A_445] : memref<640xf32, #tpu.memory_space<vmem>> -> memref<80xf32, #tpu.memory_space<vmem>>
    %dma_wait3A_447 = arith.constant 0 : i32
    %dma_wait3A_448 = tpu.memref_slice %arg4[%dma_wait3A_444, %dma_wait3A_447] : memref<125x80xi32, #tpu.memory_space<vmem>> -> memref<1x80xi32, #tpu.memory_space<vmem>>
    %dma_wait3A_449 = tpu.memref_squeeze %dma_wait3A_448 : memref<1x80xi32, #tpu.memory_space<vmem>> -> memref<80xi32, #tpu.memory_space<vmem>>
    %dma_wait3A_450 = arith.constant 0 : i32
    %dma_wait3A_451 = tpu.memref_slice %arg6[%dma_wait3A_450] : memref<10240xf32, #tpu.memory_space<vmem_shared>> -> memref<10240xf32, #tpu.memory_space<vmem_shared>>
    tpu.wait_indirect_dma semaphore(%arg9 : memref<!tpu.dma_semaphore, #tpu.memory_space<semaphore_mem>>) src(%dma_wait3A_446 : memref<80xf32, #tpu.memory_space<vmem>>) dst(%dma_wait3A_451 : memref<10240xf32, #tpu.memory_space<vmem_shared>>)
    %dma_wait3A_452 = arith.constant 123 : i32
    %dma_wait3A_453 = arith.constant 0 : i32
    %dma_wait3A_454 = tpu.memref_slice %arg5[%dma_wait3A_453] : memref<640xf32, #tpu.memory_space<vmem>> -> memref<80xf32, #tpu.memory_space<vmem>>
    %dma_wait3A_455 = arith.constant 0 : i32
    %dma_wait3A_456 = tpu.memref_slice %arg4[%dma_wait3A_452, %dma_wait3A_455] : memref<125x80xi32, #tpu.memory_space<vmem>> -> memref<1x80xi32, #tpu.memory_space<vmem>>
    %dma_wait3A_457 = tpu.memref_squeeze %dma_wait3A_456 : memref<1x80xi32, #tpu.memory_space<vmem>> -> memref<80xi32, #tpu.memory_space<vmem>>
    %dma_wait3A_458 = arith.constant 0 : i32
    %dma_wait3A_459 = tpu.memref_slice %arg6[%dma_wait3A_458] : memref<10240xf32, #tpu.memory_space<vmem_shared>> -> memref<10240xf32, #tpu.memory_space<vmem_shared>>
    tpu.wait_indirect_dma semaphore(%arg10 : memref<!tpu.dma_semaphore, #tpu.memory_space<semaphore_mem>>) src(%dma_wait3A_454 : memref<80xf32, #tpu.memory_space<vmem>>) dst(%dma_wait3A_459 : memref<10240xf32, #tpu.memory_space<vmem_shared>>)
    %dma_wait3A_460 = arith.constant 124 : i32
    %dma_wait3A_461 = arith.constant 0 : i32
    %dma_wait3A_462 = tpu.memref_slice %arg5[%dma_wait3A_461] : memref<640xf32, #tpu.memory_space<vmem>> -> memref<80xf32, #tpu.memory_space<vmem>>
    %dma_wait3A_463 = arith.constant 0 : i32
    %dma_wait3A_464 = tpu.memref_slice %arg4[%dma_wait3A_460, %dma_wait3A_463] : memref<125x80xi32, #tpu.memory_space<vmem>> -> memref<1x80xi32, #tpu.memory_space<vmem>>
    %dma_wait3A_465 = tpu.memref_squeeze %dma_wait3A_464 : memref<1x80xi32, #tpu.memory_space<vmem>> -> memref<80xi32, #tpu.memory_space<vmem>>
    %dma_wait3A_466 = arith.constant 0 : i32
    %dma_wait3A_467 = tpu.memref_slice %arg6[%dma_wait3A_466] : memref<10240xf32, #tpu.memory_space<vmem_shared>> -> memref<10240xf32, #tpu.memory_space<vmem_shared>>
    tpu.wait_indirect_dma semaphore(%arg11 : memref<!tpu.dma_semaphore, #tpu.memory_space<semaphore_mem>>) src(%dma_wait3A_462 : memref<80xf32, #tpu.memory_space<vmem>>) dst(%dma_wait3A_467 : memref<10240xf32, #tpu.memory_space<vmem_shared>>)
    %barrier3A_468 = arith.constant 0 : index
    tpu.barrier barrier_id(%barrier3A_468)
    %mul3A_469 = arith.constant 640 : i32
    %mul3A_470 = arith.muli %arg1, %mul3A_469 : i32
    %mul3A_471 = arith.constant 640 : i32
    %mul3A_472 = arith.muli %arg1, %mul3A_471 : i32
    "tpu.region"() ({
      %run_scoped3A = tpu.sem_alloc : memref<!tpu.dma_semaphore, #tpu.memory_space<semaphore_mem>>
      %dma_start3A_473 = arith.constant 0 : i32
      %dma_start3A_474 = tpu.memref_slice %arg3[%arg0, %dma_start3A_473] : memref<2x10240xf32, #tpu.memory_space<hbm>> -> memref<1x10240xf32, #tpu.memory_space<hbm>>
      %dma_start3A_475 = tpu.memref_squeeze %dma_start3A_474 : memref<1x10240xf32, #tpu.memory_space<hbm>> -> memref<10240xf32, #tpu.memory_space<hbm>>
      %dma_start3A_476 = tpu.memref_slice %dma_start3A_475[%mul3A_472] : memref<10240xf32, #tpu.memory_space<hbm>> -> memref<640xf32, #tpu.memory_space<hbm>>
      %dma_start3A_477 = tpu.memref_slice %arg6[%mul3A_470] : memref<10240xf32, #tpu.memory_space<vmem_shared>> -> memref<640xf32, #tpu.memory_space<vmem_shared>>
      tpu.enqueue_dma source(%dma_start3A_477 : memref<640xf32, #tpu.memory_space<vmem_shared>>) target(%dma_start3A_476 : memref<640xf32, #tpu.memory_space<hbm>>) target_semaphore(%run_scoped3A : memref<!tpu.dma_semaphore, #tpu.memory_space<semaphore_mem>>)
      %dma_wait3A_478 = arith.constant 0 : i32
      %dma_wait3A_479 = tpu.memref_slice %arg3[%arg0, %dma_wait3A_478] : memref<2x10240xf32, #tpu.memory_space<hbm>> -> memref<1x10240xf32, #tpu.memory_space<hbm>>
      %dma_wait3A_480 = tpu.memref_squeeze %dma_wait3A_479 : memref<1x10240xf32, #tpu.memory_space<hbm>> -> memref<10240xf32, #tpu.memory_space<hbm>>
      %dma_wait3A_481 = tpu.memref_slice %dma_wait3A_480[%mul3A_472] : memref<10240xf32, #tpu.memory_space<hbm>> -> memref<640xf32, #tpu.memory_space<hbm>>
      %dma_wait3A_482 = tpu.memref_slice %arg6[%mul3A_470] : memref<10240xf32, #tpu.memory_space<vmem_shared>> -> memref<640xf32, #tpu.memory_space<vmem_shared>>
      tpu.wait_dma2 semaphore(%run_scoped3A : memref<!tpu.dma_semaphore, #tpu.memory_space<semaphore_mem>>) src(%dma_wait3A_482 : memref<640xf32, #tpu.memory_space<vmem_shared>>) dst(%dma_wait3A_481 : memref<640xf32, #tpu.memory_space<hbm>>)
      tpu.yield
    }) : () -> ()
    return
  }
}

#map = affine_map<(d0, d1) -> (0, 0, 0)>
module attributes {stable_mosaic.version = 14 : i64} {
  func.func @_agg_kernel(%arg0: i32, %arg1: i32, %arg2: memref<2x10000x64xf32, #tpu.memory_space<hbm>>, %arg3: memref<16x250x80xi32, #tpu.memory_space<hbm>>, %arg4: memref<16x250x80xi32, #tpu.memory_space<hbm>>, %arg5: memref<2x10000x64xf32, #tpu.memory_space<hbm>>, %arg6: memref<250x80xi32, #tpu.memory_space<vmem>>, %arg7: memref<250x80xi32, #tpu.memory_space<vmem>>, %arg8: memref<80x64xf32, #tpu.memory_space<vmem>>, %arg9: memref<80x64xf32, #tpu.memory_space<vmem>>, %arg10: memref<80x64xf32, #tpu.memory_space<vmem>>, %arg11: memref<80x64xf32, #tpu.memory_space<vmem>>, %arg12: memref<80x64xf32, #tpu.memory_space<vmem>>, %arg13: memref<80x64xf32, #tpu.memory_space<vmem>>, %arg14: memref<80x64xf32, #tpu.memory_space<vmem>>, %arg15: memref<80x64xf32, #tpu.memory_space<vmem>>, %arg16: memref<!tpu.dma_semaphore, #tpu.memory_space<semaphore_mem>>, %arg17: memref<!tpu.dma_semaphore, #tpu.memory_space<semaphore_mem>>, %arg18: memref<!tpu.dma_semaphore, #tpu.memory_space<semaphore_mem>>, %arg19: memref<!tpu.dma_semaphore, #tpu.memory_space<semaphore_mem>>, %arg20: memref<!tpu.dma_semaphore, #tpu.memory_space<semaphore_mem>>, %arg21: memref<!tpu.dma_semaphore, #tpu.memory_space<semaphore_mem>>, %arg22: memref<!tpu.dma_semaphore, #tpu.memory_space<semaphore_mem>>, %arg23: memref<!tpu.dma_semaphore, #tpu.memory_space<semaphore_mem>>, %arg24: memref<!tpu.dma_semaphore, #tpu.memory_space<semaphore_mem>>, %arg25: memref<!tpu.dma_semaphore, #tpu.memory_space<semaphore_mem>>, %arg26: memref<!tpu.dma_semaphore, #tpu.memory_space<semaphore_mem>>, %arg27: memref<!tpu.dma_semaphore, #tpu.memory_space<semaphore_mem>>, %arg28: memref<!tpu.dma_semaphore, #tpu.memory_space<semaphore_mem>>, %arg29: memref<!tpu.dma_semaphore, #tpu.memory_space<semaphore_mem>>, %arg30: memref<!tpu.dma_semaphore, #tpu.memory_space<semaphore_mem>>, %arg31: memref<!tpu.dma_semaphore, #tpu.memory_space<semaphore_mem>>, %arg32: memref<10000x64xf32, #tpu.memory_space<vmem_shared>>) attributes {dimension_semantics = [#tpu.dimension_semantics<core_parallel>, #tpu.dimension_semantics<subcore_parallel>], iteration_bounds = array<i64: 2, 16>, scalar_prefetch = 0 : i64, scratch_operands = 27 : i64, tpu.core_type = #tpu.core_type<sc_vector_subcore>, window_params = [{transform_indices = #map}, {transform_indices = #map}, {transform_indices = #map}, {transform_indices = #map}]} {
    %dma_start3A = arith.constant 0 : i32
    %dma_start3A_0 = arith.constant 0 : i32
    %dma_start3A_1 = tpu.memref_slice %arg3[%arg1, %dma_start3A, %dma_start3A_0] : memref<16x250x80xi32, #tpu.memory_space<hbm>> -> memref<1x250x80xi32, #tpu.memory_space<hbm>>
    %dma_start3A_2 = tpu.memref_squeeze %dma_start3A_1 : memref<1x250x80xi32, #tpu.memory_space<hbm>> -> memref<250x80xi32, #tpu.memory_space<hbm>>
    %dma_start3A_3 = arith.constant 0 : i32
    %dma_start3A_4 = arith.constant 0 : i32
    %dma_start3A_5 = tpu.memref_slice %arg3[%arg1, %dma_start3A_3, %dma_start3A_4] : memref<16x250x80xi32, #tpu.memory_space<hbm>> -> memref<1x250x80xi32, #tpu.memory_space<hbm>>
    %dma_start3A_6 = tpu.memref_squeeze %dma_start3A_5 : memref<1x250x80xi32, #tpu.memory_space<hbm>> -> memref<250x80xi32, #tpu.memory_space<hbm>>
    tpu.enqueue_dma source(%dma_start3A_6 : memref<250x80xi32, #tpu.memory_space<hbm>>) target(%arg6 : memref<250x80xi32, #tpu.memory_space<vmem>>) target_semaphore(%arg16 : memref<!tpu.dma_semaphore, #tpu.memory_space<semaphore_mem>>)
    %dma_start3A_7 = arith.constant 0 : i32
    %dma_start3A_8 = arith.constant 0 : i32
    %dma_start3A_9 = tpu.memref_slice %arg4[%arg1, %dma_start3A_7, %dma_start3A_8] : memref<16x250x80xi32, #tpu.memory_space<hbm>> -> memref<1x250x80xi32, #tpu.memory_space<hbm>>
    %dma_start3A_10 = tpu.memref_squeeze %dma_start3A_9 : memref<1x250x80xi32, #tpu.memory_space<hbm>> -> memref<250x80xi32, #tpu.memory_space<hbm>>
    %dma_start3A_11 = arith.constant 0 : i32
    %dma_start3A_12 = arith.constant 0 : i32
    %dma_start3A_13 = tpu.memref_slice %arg4[%arg1, %dma_start3A_11, %dma_start3A_12] : memref<16x250x80xi32, #tpu.memory_space<hbm>> -> memref<1x250x80xi32, #tpu.memory_space<hbm>>
    %dma_start3A_14 = tpu.memref_squeeze %dma_start3A_13 : memref<1x250x80xi32, #tpu.memory_space<hbm>> -> memref<250x80xi32, #tpu.memory_space<hbm>>
    tpu.enqueue_dma source(%dma_start3A_14 : memref<250x80xi32, #tpu.memory_space<hbm>>) target(%arg7 : memref<250x80xi32, #tpu.memory_space<vmem>>) target_semaphore(%arg17 : memref<!tpu.dma_semaphore, #tpu.memory_space<semaphore_mem>>)
    %mul3A = arith.constant 624 : i32
    %mul3A_15 = arith.muli %arg1, %mul3A : i32
    %mul3A_16 = arith.constant 624 : i32
    %mul3A_17 = arith.muli %arg1, %mul3A_16 : i32
    %dma_start3A_18 = arith.constant 0 : i32
    %dma_start3A_19 = tpu.memref_slice %arg32[%mul3A_17, %dma_start3A_18] : memref<10000x64xf32, #tpu.memory_space<vmem_shared>> -> memref<624x64xf32, #tpu.memory_space<vmem_shared>>
    %dma_start3A_20 = arith.constant 0 : i32
    %dma_start3A_21 = arith.constant 0 : i32
    %dma_start3A_22 = tpu.memref_slice %arg2[%arg0, %dma_start3A_20, %dma_start3A_21] : memref<2x10000x64xf32, #tpu.memory_space<hbm>> -> memref<1x10000x64xf32, #tpu.memory_space<hbm>>
    %dma_start3A_23 = tpu.memref_squeeze %dma_start3A_22 : memref<1x10000x64xf32, #tpu.memory_space<hbm>> -> memref<10000x64xf32, #tpu.memory_space<hbm>>
    %dma_start3A_24 = arith.constant 0 : i32
    %dma_start3A_25 = tpu.memref_slice %dma_start3A_23[%mul3A_15, %dma_start3A_24] : memref<10000x64xf32, #tpu.memory_space<hbm>> -> memref<624x64xf32, #tpu.memory_space<hbm>>
    tpu.enqueue_dma source(%dma_start3A_25 : memref<624x64xf32, #tpu.memory_space<hbm>>) target(%dma_start3A_19 : memref<624x64xf32, #tpu.memory_space<vmem_shared>>) target_semaphore(%arg18 : memref<!tpu.dma_semaphore, #tpu.memory_space<semaphore_mem>>)
    %eq3A = arith.constant 15 : i32
    %eq3A_26 = arith.cmpi eq, %arg1, %eq3A : i32
    %convert_element_type3A = arith.extui %eq3A_26 : i1 to i32
    %cond3A = arith.constant 0 : i32
    %cond3A_27 = arith.cmpi ne, %convert_element_type3A, %cond3A : i32
    scf.if %cond3A_27 {
      "tpu.region"() ({
        %run_scoped3A = tpu.sem_alloc : memref<!tpu.dma_semaphore, #tpu.memory_space<semaphore_mem>>
        %dma_start3A_426 = arith.constant 9984 : i32
        %dma_start3A_427 = arith.constant 0 : i32
        %dma_start3A_428 = tpu.memref_slice %arg32[%dma_start3A_426, %dma_start3A_427] : memref<10000x64xf32, #tpu.memory_space<vmem_shared>> -> memref<16x64xf32, #tpu.memory_space<vmem_shared>>
        %dma_start3A_429 = arith.constant 0 : i32
        %dma_start3A_430 = arith.constant 0 : i32
        %dma_start3A_431 = tpu.memref_slice %arg2[%arg0, %dma_start3A_429, %dma_start3A_430] : memref<2x10000x64xf32, #tpu.memory_space<hbm>> -> memref<1x10000x64xf32, #tpu.memory_space<hbm>>
        %dma_start3A_432 = tpu.memref_squeeze %dma_start3A_431 : memref<1x10000x64xf32, #tpu.memory_space<hbm>> -> memref<10000x64xf32, #tpu.memory_space<hbm>>
        %dma_start3A_433 = arith.constant 9984 : i32
        %dma_start3A_434 = arith.constant 0 : i32
        %dma_start3A_435 = tpu.memref_slice %dma_start3A_432[%dma_start3A_433, %dma_start3A_434] : memref<10000x64xf32, #tpu.memory_space<hbm>> -> memref<16x64xf32, #tpu.memory_space<hbm>>
        tpu.enqueue_dma source(%dma_start3A_435 : memref<16x64xf32, #tpu.memory_space<hbm>>) target(%dma_start3A_428 : memref<16x64xf32, #tpu.memory_space<vmem_shared>>) target_semaphore(%run_scoped3A : memref<!tpu.dma_semaphore, #tpu.memory_space<semaphore_mem>>)
        %dma_wait3A_436 = arith.constant 9984 : i32
        %dma_wait3A_437 = arith.constant 0 : i32
        %dma_wait3A_438 = tpu.memref_slice %arg32[%dma_wait3A_436, %dma_wait3A_437] : memref<10000x64xf32, #tpu.memory_space<vmem_shared>> -> memref<16x64xf32, #tpu.memory_space<vmem_shared>>
        %dma_wait3A_439 = arith.constant 0 : i32
        %dma_wait3A_440 = arith.constant 0 : i32
        %dma_wait3A_441 = tpu.memref_slice %arg2[%arg0, %dma_wait3A_439, %dma_wait3A_440] : memref<2x10000x64xf32, #tpu.memory_space<hbm>> -> memref<1x10000x64xf32, #tpu.memory_space<hbm>>
        %dma_wait3A_442 = tpu.memref_squeeze %dma_wait3A_441 : memref<1x10000x64xf32, #tpu.memory_space<hbm>> -> memref<10000x64xf32, #tpu.memory_space<hbm>>
        %dma_wait3A_443 = arith.constant 9984 : i32
        %dma_wait3A_444 = arith.constant 0 : i32
        %dma_wait3A_445 = tpu.memref_slice %dma_wait3A_442[%dma_wait3A_443, %dma_wait3A_444] : memref<10000x64xf32, #tpu.memory_space<hbm>> -> memref<16x64xf32, #tpu.memory_space<hbm>>
        tpu.wait_dma2 semaphore(%run_scoped3A : memref<!tpu.dma_semaphore, #tpu.memory_space<semaphore_mem>>) src(%dma_wait3A_445 : memref<16x64xf32, #tpu.memory_space<hbm>>) dst(%dma_wait3A_438 : memref<16x64xf32, #tpu.memory_space<vmem_shared>>)
        tpu.yield
      }) : () -> ()
    } else {
    }
    %dma_wait3A = arith.constant 0 : i32
    %dma_wait3A_28 = arith.constant 0 : i32
    %dma_wait3A_29 = tpu.memref_slice %arg3[%arg1, %dma_wait3A, %dma_wait3A_28] : memref<16x250x80xi32, #tpu.memory_space<hbm>> -> memref<1x250x80xi32, #tpu.memory_space<hbm>>
    %dma_wait3A_30 = tpu.memref_squeeze %dma_wait3A_29 : memref<1x250x80xi32, #tpu.memory_space<hbm>> -> memref<250x80xi32, #tpu.memory_space<hbm>>
    %dma_wait3A_31 = arith.constant 0 : i32
    %dma_wait3A_32 = arith.constant 0 : i32
    %dma_wait3A_33 = tpu.memref_slice %arg3[%arg1, %dma_wait3A_31, %dma_wait3A_32] : memref<16x250x80xi32, #tpu.memory_space<hbm>> -> memref<1x250x80xi32, #tpu.memory_space<hbm>>
    %dma_wait3A_34 = tpu.memref_squeeze %dma_wait3A_33 : memref<1x250x80xi32, #tpu.memory_space<hbm>> -> memref<250x80xi32, #tpu.memory_space<hbm>>
    tpu.wait_dma2 semaphore(%arg16 : memref<!tpu.dma_semaphore, #tpu.memory_space<semaphore_mem>>) src(%dma_wait3A_34 : memref<250x80xi32, #tpu.memory_space<hbm>>) dst(%arg6 : memref<250x80xi32, #tpu.memory_space<vmem>>)
    %dma_wait3A_35 = arith.constant 0 : i32
    %dma_wait3A_36 = arith.constant 0 : i32
    %dma_wait3A_37 = tpu.memref_slice %arg4[%arg1, %dma_wait3A_35, %dma_wait3A_36] : memref<16x250x80xi32, #tpu.memory_space<hbm>> -> memref<1x250x80xi32, #tpu.memory_space<hbm>>
    %dma_wait3A_38 = tpu.memref_squeeze %dma_wait3A_37 : memref<1x250x80xi32, #tpu.memory_space<hbm>> -> memref<250x80xi32, #tpu.memory_space<hbm>>
    %dma_wait3A_39 = arith.constant 0 : i32
    %dma_wait3A_40 = arith.constant 0 : i32
    %dma_wait3A_41 = tpu.memref_slice %arg4[%arg1, %dma_wait3A_39, %dma_wait3A_40] : memref<16x250x80xi32, #tpu.memory_space<hbm>> -> memref<1x250x80xi32, #tpu.memory_space<hbm>>
    %dma_wait3A_42 = tpu.memref_squeeze %dma_wait3A_41 : memref<1x250x80xi32, #tpu.memory_space<hbm>> -> memref<250x80xi32, #tpu.memory_space<hbm>>
    tpu.wait_dma2 semaphore(%arg17 : memref<!tpu.dma_semaphore, #tpu.memory_space<semaphore_mem>>) src(%dma_wait3A_42 : memref<250x80xi32, #tpu.memory_space<hbm>>) dst(%arg7 : memref<250x80xi32, #tpu.memory_space<vmem>>)
    %dma_wait3A_43 = arith.constant 0 : i32
    %dma_wait3A_44 = tpu.memref_slice %arg32[%mul3A_17, %dma_wait3A_43] : memref<10000x64xf32, #tpu.memory_space<vmem_shared>> -> memref<624x64xf32, #tpu.memory_space<vmem_shared>>
    %dma_wait3A_45 = arith.constant 0 : i32
    %dma_wait3A_46 = arith.constant 0 : i32
    %dma_wait3A_47 = tpu.memref_slice %arg2[%arg0, %dma_wait3A_45, %dma_wait3A_46] : memref<2x10000x64xf32, #tpu.memory_space<hbm>> -> memref<1x10000x64xf32, #tpu.memory_space<hbm>>
    %dma_wait3A_48 = tpu.memref_squeeze %dma_wait3A_47 : memref<1x10000x64xf32, #tpu.memory_space<hbm>> -> memref<10000x64xf32, #tpu.memory_space<hbm>>
    %dma_wait3A_49 = arith.constant 0 : i32
    %dma_wait3A_50 = tpu.memref_slice %dma_wait3A_48[%mul3A_15, %dma_wait3A_49] : memref<10000x64xf32, #tpu.memory_space<hbm>> -> memref<624x64xf32, #tpu.memory_space<hbm>>
    tpu.wait_dma2 semaphore(%arg18 : memref<!tpu.dma_semaphore, #tpu.memory_space<semaphore_mem>>) src(%dma_wait3A_50 : memref<624x64xf32, #tpu.memory_space<hbm>>) dst(%dma_wait3A_44 : memref<624x64xf32, #tpu.memory_space<vmem_shared>>)
    %barrier3A = arith.constant 0 : index
    tpu.barrier barrier_id(%barrier3A)
    %dma_start3A_51 = arith.constant 0 : i32
    %dma_start3A_52 = arith.constant 0 : i32
    %dma_start3A_53 = tpu.memref_slice %arg6[%dma_start3A_51, %dma_start3A_52] : memref<250x80xi32, #tpu.memory_space<vmem>> -> memref<1x80xi32, #tpu.memory_space<vmem>>
    %dma_start3A_54 = tpu.memref_squeeze %dma_start3A_53 : memref<1x80xi32, #tpu.memory_space<vmem>> -> memref<80xi32, #tpu.memory_space<vmem>>
    %dma_start3A_55 = arith.constant 0 : i32
    %dma_start3A_56 = arith.constant 0 : i32
    %dma_start3A_57 = tpu.memref_slice %arg2[%arg0, %dma_start3A_55, %dma_start3A_56] : memref<2x10000x64xf32, #tpu.memory_space<hbm>> -> memref<1x10000x64xf32, #tpu.memory_space<hbm>>
    %dma_start3A_58 = tpu.memref_squeeze %dma_start3A_57 : memref<1x10000x64xf32, #tpu.memory_space<hbm>> -> memref<10000x64xf32, #tpu.memory_space<hbm>>
    %dma_start3A_59 = arith.constant 0 : i32
    %dma_start3A_60 = arith.constant 0 : i32
    %dma_start3A_61 = tpu.memref_slice %dma_start3A_58[%dma_start3A_59, %dma_start3A_60] : memref<10000x64xf32, #tpu.memory_space<hbm>> -> memref<10000x64xf32, #tpu.memory_space<hbm>>
    tpu.enqueue_indirect_dma source(%dma_start3A_61 : memref<10000x64xf32, #tpu.memory_space<hbm>>) target(%arg8 : memref<80x64xf32, #tpu.memory_space<vmem>>) offsets(%dma_start3A_54 : memref<80xi32, #tpu.memory_space<vmem>>) semaphore(%arg16 : memref<!tpu.dma_semaphore, #tpu.memory_space<semaphore_mem>>)
    %dma_start3A_62 = arith.constant 1 : i32
    %dma_start3A_63 = arith.constant 0 : i32
    %dma_start3A_64 = tpu.memref_slice %arg6[%dma_start3A_62, %dma_start3A_63] : memref<250x80xi32, #tpu.memory_space<vmem>> -> memref<1x80xi32, #tpu.memory_space<vmem>>
    %dma_start3A_65 = tpu.memref_squeeze %dma_start3A_64 : memref<1x80xi32, #tpu.memory_space<vmem>> -> memref<80xi32, #tpu.memory_space<vmem>>
    %dma_start3A_66 = arith.constant 0 : i32
    %dma_start3A_67 = arith.constant 0 : i32
    %dma_start3A_68 = tpu.memref_slice %arg2[%arg0, %dma_start3A_66, %dma_start3A_67] : memref<2x10000x64xf32, #tpu.memory_space<hbm>> -> memref<1x10000x64xf32, #tpu.memory_space<hbm>>
    %dma_start3A_69 = tpu.memref_squeeze %dma_start3A_68 : memref<1x10000x64xf32, #tpu.memory_space<hbm>> -> memref<10000x64xf32, #tpu.memory_space<hbm>>
    %dma_start3A_70 = arith.constant 0 : i32
    %dma_start3A_71 = arith.constant 0 : i32
    %dma_start3A_72 = tpu.memref_slice %dma_start3A_69[%dma_start3A_70, %dma_start3A_71] : memref<10000x64xf32, #tpu.memory_space<hbm>> -> memref<10000x64xf32, #tpu.memory_space<hbm>>
    tpu.enqueue_indirect_dma source(%dma_start3A_72 : memref<10000x64xf32, #tpu.memory_space<hbm>>) target(%arg9 : memref<80x64xf32, #tpu.memory_space<vmem>>) offsets(%dma_start3A_65 : memref<80xi32, #tpu.memory_space<vmem>>) semaphore(%arg17 : memref<!tpu.dma_semaphore, #tpu.memory_space<semaphore_mem>>)
    %dma_start3A_73 = arith.constant 2 : i32
    %dma_start3A_74 = arith.constant 0 : i32
    %dma_start3A_75 = tpu.memref_slice %arg6[%dma_start3A_73, %dma_start3A_74] : memref<250x80xi32, #tpu.memory_space<vmem>> -> memref<1x80xi32, #tpu.memory_space<vmem>>
    %dma_start3A_76 = tpu.memref_squeeze %dma_start3A_75 : memref<1x80xi32, #tpu.memory_space<vmem>> -> memref<80xi32, #tpu.memory_space<vmem>>
    %dma_start3A_77 = arith.constant 0 : i32
    %dma_start3A_78 = arith.constant 0 : i32
    %dma_start3A_79 = tpu.memref_slice %arg2[%arg0, %dma_start3A_77, %dma_start3A_78] : memref<2x10000x64xf32, #tpu.memory_space<hbm>> -> memref<1x10000x64xf32, #tpu.memory_space<hbm>>
    %dma_start3A_80 = tpu.memref_squeeze %dma_start3A_79 : memref<1x10000x64xf32, #tpu.memory_space<hbm>> -> memref<10000x64xf32, #tpu.memory_space<hbm>>
    %dma_start3A_81 = arith.constant 0 : i32
    %dma_start3A_82 = arith.constant 0 : i32
    %dma_start3A_83 = tpu.memref_slice %dma_start3A_80[%dma_start3A_81, %dma_start3A_82] : memref<10000x64xf32, #tpu.memory_space<hbm>> -> memref<10000x64xf32, #tpu.memory_space<hbm>>
    tpu.enqueue_indirect_dma source(%dma_start3A_83 : memref<10000x64xf32, #tpu.memory_space<hbm>>) target(%arg10 : memref<80x64xf32, #tpu.memory_space<vmem>>) offsets(%dma_start3A_76 : memref<80xi32, #tpu.memory_space<vmem>>) semaphore(%arg18 : memref<!tpu.dma_semaphore, #tpu.memory_space<semaphore_mem>>)
    %dma_start3A_84 = arith.constant 3 : i32
    %dma_start3A_85 = arith.constant 0 : i32
    %dma_start3A_86 = tpu.memref_slice %arg6[%dma_start3A_84, %dma_start3A_85] : memref<250x80xi32, #tpu.memory_space<vmem>> -> memref<1x80xi32, #tpu.memory_space<vmem>>
    %dma_start3A_87 = tpu.memref_squeeze %dma_start3A_86 : memref<1x80xi32, #tpu.memory_space<vmem>> -> memref<80xi32, #tpu.memory_space<vmem>>
    %dma_start3A_88 = arith.constant 0 : i32
    %dma_start3A_89 = arith.constant 0 : i32
    %dma_start3A_90 = tpu.memref_slice %arg2[%arg0, %dma_start3A_88, %dma_start3A_89] : memref<2x10000x64xf32, #tpu.memory_space<hbm>> -> memref<1x10000x64xf32, #tpu.memory_space<hbm>>
    %dma_start3A_91 = tpu.memref_squeeze %dma_start3A_90 : memref<1x10000x64xf32, #tpu.memory_space<hbm>> -> memref<10000x64xf32, #tpu.memory_space<hbm>>
    %dma_start3A_92 = arith.constant 0 : i32
    %dma_start3A_93 = arith.constant 0 : i32
    %dma_start3A_94 = tpu.memref_slice %dma_start3A_91[%dma_start3A_92, %dma_start3A_93] : memref<10000x64xf32, #tpu.memory_space<hbm>> -> memref<10000x64xf32, #tpu.memory_space<hbm>>
    tpu.enqueue_indirect_dma source(%dma_start3A_94 : memref<10000x64xf32, #tpu.memory_space<hbm>>) target(%arg11 : memref<80x64xf32, #tpu.memory_space<vmem>>) offsets(%dma_start3A_87 : memref<80xi32, #tpu.memory_space<vmem>>) semaphore(%arg19 : memref<!tpu.dma_semaphore, #tpu.memory_space<semaphore_mem>>)
    %dma_start3A_95 = arith.constant 4 : i32
    %dma_start3A_96 = arith.constant 0 : i32
    %dma_start3A_97 = tpu.memref_slice %arg6[%dma_start3A_95, %dma_start3A_96] : memref<250x80xi32, #tpu.memory_space<vmem>> -> memref<1x80xi32, #tpu.memory_space<vmem>>
    %dma_start3A_98 = tpu.memref_squeeze %dma_start3A_97 : memref<1x80xi32, #tpu.memory_space<vmem>> -> memref<80xi32, #tpu.memory_space<vmem>>
    %dma_start3A_99 = arith.constant 0 : i32
    %dma_start3A_100 = arith.constant 0 : i32
    %dma_start3A_101 = tpu.memref_slice %arg2[%arg0, %dma_start3A_99, %dma_start3A_100] : memref<2x10000x64xf32, #tpu.memory_space<hbm>> -> memref<1x10000x64xf32, #tpu.memory_space<hbm>>
    %dma_start3A_102 = tpu.memref_squeeze %dma_start3A_101 : memref<1x10000x64xf32, #tpu.memory_space<hbm>> -> memref<10000x64xf32, #tpu.memory_space<hbm>>
    %dma_start3A_103 = arith.constant 0 : i32
    %dma_start3A_104 = arith.constant 0 : i32
    %dma_start3A_105 = tpu.memref_slice %dma_start3A_102[%dma_start3A_103, %dma_start3A_104] : memref<10000x64xf32, #tpu.memory_space<hbm>> -> memref<10000x64xf32, #tpu.memory_space<hbm>>
    tpu.enqueue_indirect_dma source(%dma_start3A_105 : memref<10000x64xf32, #tpu.memory_space<hbm>>) target(%arg12 : memref<80x64xf32, #tpu.memory_space<vmem>>) offsets(%dma_start3A_98 : memref<80xi32, #tpu.memory_space<vmem>>) semaphore(%arg20 : memref<!tpu.dma_semaphore, #tpu.memory_space<semaphore_mem>>)
    %dma_start3A_106 = arith.constant 5 : i32
    %dma_start3A_107 = arith.constant 0 : i32
    %dma_start3A_108 = tpu.memref_slice %arg6[%dma_start3A_106, %dma_start3A_107] : memref<250x80xi32, #tpu.memory_space<vmem>> -> memref<1x80xi32, #tpu.memory_space<vmem>>
    %dma_start3A_109 = tpu.memref_squeeze %dma_start3A_108 : memref<1x80xi32, #tpu.memory_space<vmem>> -> memref<80xi32, #tpu.memory_space<vmem>>
    %dma_start3A_110 = arith.constant 0 : i32
    %dma_start3A_111 = arith.constant 0 : i32
    %dma_start3A_112 = tpu.memref_slice %arg2[%arg0, %dma_start3A_110, %dma_start3A_111] : memref<2x10000x64xf32, #tpu.memory_space<hbm>> -> memref<1x10000x64xf32, #tpu.memory_space<hbm>>
    %dma_start3A_113 = tpu.memref_squeeze %dma_start3A_112 : memref<1x10000x64xf32, #tpu.memory_space<hbm>> -> memref<10000x64xf32, #tpu.memory_space<hbm>>
    %dma_start3A_114 = arith.constant 0 : i32
    %dma_start3A_115 = arith.constant 0 : i32
    %dma_start3A_116 = tpu.memref_slice %dma_start3A_113[%dma_start3A_114, %dma_start3A_115] : memref<10000x64xf32, #tpu.memory_space<hbm>> -> memref<10000x64xf32, #tpu.memory_space<hbm>>
    tpu.enqueue_indirect_dma source(%dma_start3A_116 : memref<10000x64xf32, #tpu.memory_space<hbm>>) target(%arg13 : memref<80x64xf32, #tpu.memory_space<vmem>>) offsets(%dma_start3A_109 : memref<80xi32, #tpu.memory_space<vmem>>) semaphore(%arg21 : memref<!tpu.dma_semaphore, #tpu.memory_space<semaphore_mem>>)
    %dma_wait3A_117 = arith.constant 0 : i32
    %dma_wait3A_118 = arith.constant 0 : i32
    %dma_wait3A_119 = tpu.memref_slice %arg6[%dma_wait3A_117, %dma_wait3A_118] : memref<250x80xi32, #tpu.memory_space<vmem>> -> memref<1x80xi32, #tpu.memory_space<vmem>>
    %dma_wait3A_120 = tpu.memref_squeeze %dma_wait3A_119 : memref<1x80xi32, #tpu.memory_space<vmem>> -> memref<80xi32, #tpu.memory_space<vmem>>
    %dma_wait3A_121 = arith.constant 0 : i32
    %dma_wait3A_122 = arith.constant 0 : i32
    %dma_wait3A_123 = tpu.memref_slice %arg2[%arg0, %dma_wait3A_121, %dma_wait3A_122] : memref<2x10000x64xf32, #tpu.memory_space<hbm>> -> memref<1x10000x64xf32, #tpu.memory_space<hbm>>
    %dma_wait3A_124 = tpu.memref_squeeze %dma_wait3A_123 : memref<1x10000x64xf32, #tpu.memory_space<hbm>> -> memref<10000x64xf32, #tpu.memory_space<hbm>>
    %dma_wait3A_125 = arith.constant 0 : i32
    %dma_wait3A_126 = arith.constant 0 : i32
    %dma_wait3A_127 = tpu.memref_slice %dma_wait3A_124[%dma_wait3A_125, %dma_wait3A_126] : memref<10000x64xf32, #tpu.memory_space<hbm>> -> memref<10000x64xf32, #tpu.memory_space<hbm>>
    tpu.wait_indirect_dma semaphore(%arg16 : memref<!tpu.dma_semaphore, #tpu.memory_space<semaphore_mem>>) src(%dma_wait3A_127 : memref<10000x64xf32, #tpu.memory_space<hbm>>) dst(%arg8 : memref<80x64xf32, #tpu.memory_space<vmem>>)
    %dma_start3A_128 = arith.constant 0 : i32
    %dma_start3A_129 = arith.constant 0 : i32
    %dma_start3A_130 = tpu.memref_slice %arg7[%dma_start3A_128, %dma_start3A_129] : memref<250x80xi32, #tpu.memory_space<vmem>> -> memref<1x80xi32, #tpu.memory_space<vmem>>
    %dma_start3A_131 = tpu.memref_squeeze %dma_start3A_130 : memref<1x80xi32, #tpu.memory_space<vmem>> -> memref<80xi32, #tpu.memory_space<vmem>>
    %dma_start3A_132 = arith.constant 0 : i32
    %dma_start3A_133 = arith.constant 0 : i32
    %dma_start3A_134 = tpu.memref_slice %arg32[%dma_start3A_132, %dma_start3A_133] : memref<10000x64xf32, #tpu.memory_space<vmem_shared>> -> memref<10000x64xf32, #tpu.memory_space<vmem_shared>>
    tpu.enqueue_indirect_dma source(%arg8 : memref<80x64xf32, #tpu.memory_space<vmem>>) target(%dma_start3A_134 : memref<10000x64xf32, #tpu.memory_space<vmem_shared>>) offsets(%dma_start3A_131 : memref<80xi32, #tpu.memory_space<vmem>>) semaphore(%arg24 : memref<!tpu.dma_semaphore, #tpu.memory_space<semaphore_mem>>) {add = true}
    %dma_start3A_135 = arith.constant 6 : i32
    %dma_start3A_136 = arith.constant 0 : i32
    %dma_start3A_137 = tpu.memref_slice %arg6[%dma_start3A_135, %dma_start3A_136] : memref<250x80xi32, #tpu.memory_space<vmem>> -> memref<1x80xi32, #tpu.memory_space<vmem>>
    %dma_start3A_138 = tpu.memref_squeeze %dma_start3A_137 : memref<1x80xi32, #tpu.memory_space<vmem>> -> memref<80xi32, #tpu.memory_space<vmem>>
    %dma_start3A_139 = arith.constant 0 : i32
    %dma_start3A_140 = arith.constant 0 : i32
    %dma_start3A_141 = tpu.memref_slice %arg2[%arg0, %dma_start3A_139, %dma_start3A_140] : memref<2x10000x64xf32, #tpu.memory_space<hbm>> -> memref<1x10000x64xf32, #tpu.memory_space<hbm>>
    %dma_start3A_142 = tpu.memref_squeeze %dma_start3A_141 : memref<1x10000x64xf32, #tpu.memory_space<hbm>> -> memref<10000x64xf32, #tpu.memory_space<hbm>>
    %dma_start3A_143 = arith.constant 0 : i32
    %dma_start3A_144 = arith.constant 0 : i32
    %dma_start3A_145 = tpu.memref_slice %dma_start3A_142[%dma_start3A_143, %dma_start3A_144] : memref<10000x64xf32, #tpu.memory_space<hbm>> -> memref<10000x64xf32, #tpu.memory_space<hbm>>
    tpu.enqueue_indirect_dma source(%dma_start3A_145 : memref<10000x64xf32, #tpu.memory_space<hbm>>) target(%arg14 : memref<80x64xf32, #tpu.memory_space<vmem>>) offsets(%dma_start3A_138 : memref<80xi32, #tpu.memory_space<vmem>>) semaphore(%arg22 : memref<!tpu.dma_semaphore, #tpu.memory_space<semaphore_mem>>)
    %dma_wait3A_146 = arith.constant 1 : i32
    %dma_wait3A_147 = arith.constant 0 : i32
    %dma_wait3A_148 = tpu.memref_slice %arg6[%dma_wait3A_146, %dma_wait3A_147] : memref<250x80xi32, #tpu.memory_space<vmem>> -> memref<1x80xi32, #tpu.memory_space<vmem>>
    %dma_wait3A_149 = tpu.memref_squeeze %dma_wait3A_148 : memref<1x80xi32, #tpu.memory_space<vmem>> -> memref<80xi32, #tpu.memory_space<vmem>>
    %dma_wait3A_150 = arith.constant 0 : i32
    %dma_wait3A_151 = arith.constant 0 : i32
    %dma_wait3A_152 = tpu.memref_slice %arg2[%arg0, %dma_wait3A_150, %dma_wait3A_151] : memref<2x10000x64xf32, #tpu.memory_space<hbm>> -> memref<1x10000x64xf32, #tpu.memory_space<hbm>>
    %dma_wait3A_153 = tpu.memref_squeeze %dma_wait3A_152 : memref<1x10000x64xf32, #tpu.memory_space<hbm>> -> memref<10000x64xf32, #tpu.memory_space<hbm>>
    %dma_wait3A_154 = arith.constant 0 : i32
    %dma_wait3A_155 = arith.constant 0 : i32
    %dma_wait3A_156 = tpu.memref_slice %dma_wait3A_153[%dma_wait3A_154, %dma_wait3A_155] : memref<10000x64xf32, #tpu.memory_space<hbm>> -> memref<10000x64xf32, #tpu.memory_space<hbm>>
    tpu.wait_indirect_dma semaphore(%arg17 : memref<!tpu.dma_semaphore, #tpu.memory_space<semaphore_mem>>) src(%dma_wait3A_156 : memref<10000x64xf32, #tpu.memory_space<hbm>>) dst(%arg9 : memref<80x64xf32, #tpu.memory_space<vmem>>)
    %dma_start3A_157 = arith.constant 1 : i32
    %dma_start3A_158 = arith.constant 0 : i32
    %dma_start3A_159 = tpu.memref_slice %arg7[%dma_start3A_157, %dma_start3A_158] : memref<250x80xi32, #tpu.memory_space<vmem>> -> memref<1x80xi32, #tpu.memory_space<vmem>>
    %dma_start3A_160 = tpu.memref_squeeze %dma_start3A_159 : memref<1x80xi32, #tpu.memory_space<vmem>> -> memref<80xi32, #tpu.memory_space<vmem>>
    %dma_start3A_161 = arith.constant 0 : i32
    %dma_start3A_162 = arith.constant 0 : i32
    %dma_start3A_163 = tpu.memref_slice %arg32[%dma_start3A_161, %dma_start3A_162] : memref<10000x64xf32, #tpu.memory_space<vmem_shared>> -> memref<10000x64xf32, #tpu.memory_space<vmem_shared>>
    tpu.enqueue_indirect_dma source(%arg9 : memref<80x64xf32, #tpu.memory_space<vmem>>) target(%dma_start3A_163 : memref<10000x64xf32, #tpu.memory_space<vmem_shared>>) offsets(%dma_start3A_160 : memref<80xi32, #tpu.memory_space<vmem>>) semaphore(%arg25 : memref<!tpu.dma_semaphore, #tpu.memory_space<semaphore_mem>>) {add = true}
    %dma_start3A_164 = arith.constant 7 : i32
    %dma_start3A_165 = arith.constant 0 : i32
    %dma_start3A_166 = tpu.memref_slice %arg6[%dma_start3A_164, %dma_start3A_165] : memref<250x80xi32, #tpu.memory_space<vmem>> -> memref<1x80xi32, #tpu.memory_space<vmem>>
    %dma_start3A_167 = tpu.memref_squeeze %dma_start3A_166 : memref<1x80xi32, #tpu.memory_space<vmem>> -> memref<80xi32, #tpu.memory_space<vmem>>
    %dma_start3A_168 = arith.constant 0 : i32
    %dma_start3A_169 = arith.constant 0 : i32
    %dma_start3A_170 = tpu.memref_slice %arg2[%arg0, %dma_start3A_168, %dma_start3A_169] : memref<2x10000x64xf32, #tpu.memory_space<hbm>> -> memref<1x10000x64xf32, #tpu.memory_space<hbm>>
    %dma_start3A_171 = tpu.memref_squeeze %dma_start3A_170 : memref<1x10000x64xf32, #tpu.memory_space<hbm>> -> memref<10000x64xf32, #tpu.memory_space<hbm>>
    %dma_start3A_172 = arith.constant 0 : i32
    %dma_start3A_173 = arith.constant 0 : i32
    %dma_start3A_174 = tpu.memref_slice %dma_start3A_171[%dma_start3A_172, %dma_start3A_173] : memref<10000x64xf32, #tpu.memory_space<hbm>> -> memref<10000x64xf32, #tpu.memory_space<hbm>>
    tpu.enqueue_indirect_dma source(%dma_start3A_174 : memref<10000x64xf32, #tpu.memory_space<hbm>>) target(%arg15 : memref<80x64xf32, #tpu.memory_space<vmem>>) offsets(%dma_start3A_167 : memref<80xi32, #tpu.memory_space<vmem>>) semaphore(%arg23 : memref<!tpu.dma_semaphore, #tpu.memory_space<semaphore_mem>>)
    %scan3A = arith.constant 0 : i32
    %scan3A_175 = arith.constant 0 : i32
    %scan3A_176 = arith.constant 30 : i32
    %scan3A_177 = arith.addi %scan3A_175, %scan3A_176 : i32
    %scan3A_178 = arith.constant 1 : i32
    scf.for %scan3A_426 = %scan3A_175 to %scan3A_177 step %scan3A_178  : i32 {
      %mul3A_427 = arith.constant 8 : i32
      %mul3A_428 = arith.muli %mul3A_427, %scan3A_426 : i32
      %add3A = arith.constant 2 : i32
      %add3A_429 = arith.addi %add3A, %mul3A_428 : i32
      %add3A_430 = arith.constant 0 : i32
      %add3A_431 = arith.addi %add3A_429, %add3A_430 : i32
      %dma_wait3A_432 = arith.constant 0 : i32
      %dma_wait3A_433 = tpu.memref_slice %arg6[%add3A_431, %dma_wait3A_432] : memref<250x80xi32, #tpu.memory_space<vmem>> -> memref<1x80xi32, #tpu.memory_space<vmem>>
      %dma_wait3A_434 = tpu.memref_squeeze %dma_wait3A_433 : memref<1x80xi32, #tpu.memory_space<vmem>> -> memref<80xi32, #tpu.memory_space<vmem>>
      %dma_wait3A_435 = arith.constant 0 : i32
      %dma_wait3A_436 = arith.constant 0 : i32
      %dma_wait3A_437 = tpu.memref_slice %arg2[%arg0, %dma_wait3A_435, %dma_wait3A_436] : memref<2x10000x64xf32, #tpu.memory_space<hbm>> -> memref<1x10000x64xf32, #tpu.memory_space<hbm>>
      %dma_wait3A_438 = tpu.memref_squeeze %dma_wait3A_437 : memref<1x10000x64xf32, #tpu.memory_space<hbm>> -> memref<10000x64xf32, #tpu.memory_space<hbm>>
      %dma_wait3A_439 = arith.constant 0 : i32
      %dma_wait3A_440 = arith.constant 0 : i32
      %dma_wait3A_441 = tpu.memref_slice %dma_wait3A_438[%dma_wait3A_439, %dma_wait3A_440] : memref<10000x64xf32, #tpu.memory_space<hbm>> -> memref<10000x64xf32, #tpu.memory_space<hbm>>
      tpu.wait_indirect_dma semaphore(%arg18 : memref<!tpu.dma_semaphore, #tpu.memory_space<semaphore_mem>>) src(%dma_wait3A_441 : memref<10000x64xf32, #tpu.memory_space<hbm>>) dst(%arg10 : memref<80x64xf32, #tpu.memory_space<vmem>>)
      %dma_start3A_442 = arith.constant 0 : i32
      %dma_start3A_443 = tpu.memref_slice %arg7[%add3A_431, %dma_start3A_442] : memref<250x80xi32, #tpu.memory_space<vmem>> -> memref<1x80xi32, #tpu.memory_space<vmem>>
      %dma_start3A_444 = tpu.memref_squeeze %dma_start3A_443 : memref<1x80xi32, #tpu.memory_space<vmem>> -> memref<80xi32, #tpu.memory_space<vmem>>
      %dma_start3A_445 = arith.constant 0 : i32
      %dma_start3A_446 = arith.constant 0 : i32
      %dma_start3A_447 = tpu.memref_slice %arg32[%dma_start3A_445, %dma_start3A_446] : memref<10000x64xf32, #tpu.memory_space<vmem_shared>> -> memref<10000x64xf32, #tpu.memory_space<vmem_shared>>
      tpu.enqueue_indirect_dma source(%arg10 : memref<80x64xf32, #tpu.memory_space<vmem>>) target(%dma_start3A_447 : memref<10000x64xf32, #tpu.memory_space<vmem_shared>>) offsets(%dma_start3A_444 : memref<80xi32, #tpu.memory_space<vmem>>) semaphore(%arg26 : memref<!tpu.dma_semaphore, #tpu.memory_space<semaphore_mem>>) {add = true}
      %sub3A = arith.constant 2 : i32
      %sub3A_448 = arith.subi %add3A_431, %sub3A : i32
      %dma_wait3A_449 = arith.constant 0 : i32
      %dma_wait3A_450 = tpu.memref_slice %arg7[%sub3A_448, %dma_wait3A_449] : memref<250x80xi32, #tpu.memory_space<vmem>> -> memref<1x80xi32, #tpu.memory_space<vmem>>
      %dma_wait3A_451 = tpu.memref_squeeze %dma_wait3A_450 : memref<1x80xi32, #tpu.memory_space<vmem>> -> memref<80xi32, #tpu.memory_space<vmem>>
      %dma_wait3A_452 = arith.constant 0 : i32
      %dma_wait3A_453 = arith.constant 0 : i32
      %dma_wait3A_454 = tpu.memref_slice %arg32[%dma_wait3A_452, %dma_wait3A_453] : memref<10000x64xf32, #tpu.memory_space<vmem_shared>> -> memref<10000x64xf32, #tpu.memory_space<vmem_shared>>
      tpu.wait_indirect_dma semaphore(%arg24 : memref<!tpu.dma_semaphore, #tpu.memory_space<semaphore_mem>>) src(%arg8 : memref<80x64xf32, #tpu.memory_space<vmem>>) dst(%dma_wait3A_454 : memref<10000x64xf32, #tpu.memory_space<vmem_shared>>)
      %add3A_455 = arith.constant 6 : i32
      %add3A_456 = arith.addi %add3A_431, %add3A_455 : i32
      %dma_start3A_457 = arith.constant 0 : i32
      %dma_start3A_458 = tpu.memref_slice %arg6[%add3A_456, %dma_start3A_457] : memref<250x80xi32, #tpu.memory_space<vmem>> -> memref<1x80xi32, #tpu.memory_space<vmem>>
      %dma_start3A_459 = tpu.memref_squeeze %dma_start3A_458 : memref<1x80xi32, #tpu.memory_space<vmem>> -> memref<80xi32, #tpu.memory_space<vmem>>
      %dma_start3A_460 = arith.constant 0 : i32
      %dma_start3A_461 = arith.constant 0 : i32
      %dma_start3A_462 = tpu.memref_slice %arg2[%arg0, %dma_start3A_460, %dma_start3A_461] : memref<2x10000x64xf32, #tpu.memory_space<hbm>> -> memref<1x10000x64xf32, #tpu.memory_space<hbm>>
      %dma_start3A_463 = tpu.memref_squeeze %dma_start3A_462 : memref<1x10000x64xf32, #tpu.memory_space<hbm>> -> memref<10000x64xf32, #tpu.memory_space<hbm>>
      %dma_start3A_464 = arith.constant 0 : i32
      %dma_start3A_465 = arith.constant 0 : i32
      %dma_start3A_466 = tpu.memref_slice %dma_start3A_463[%dma_start3A_464, %dma_start3A_465] : memref<10000x64xf32, #tpu.memory_space<hbm>> -> memref<10000x64xf32, #tpu.memory_space<hbm>>
      tpu.enqueue_indirect_dma source(%dma_start3A_466 : memref<10000x64xf32, #tpu.memory_space<hbm>>) target(%arg8 : memref<80x64xf32, #tpu.memory_space<vmem>>) offsets(%dma_start3A_459 : memref<80xi32, #tpu.memory_space<vmem>>) semaphore(%arg16 : memref<!tpu.dma_semaphore, #tpu.memory_space<semaphore_mem>>)
      %add3A_467 = arith.constant 1 : i32
      %add3A_468 = arith.addi %add3A_429, %add3A_467 : i32
      %dma_wait3A_469 = arith.constant 0 : i32
      %dma_wait3A_470 = tpu.memref_slice %arg6[%add3A_468, %dma_wait3A_469] : memref<250x80xi32, #tpu.memory_space<vmem>> -> memref<1x80xi32, #tpu.memory_space<vmem>>
      %dma_wait3A_471 = tpu.memref_squeeze %dma_wait3A_470 : memref<1x80xi32, #tpu.memory_space<vmem>> -> memref<80xi32, #tpu.memory_space<vmem>>
      %dma_wait3A_472 = arith.constant 0 : i32
      %dma_wait3A_473 = arith.constant 0 : i32
      %dma_wait3A_474 = tpu.memref_slice %arg2[%arg0, %dma_wait3A_472, %dma_wait3A_473] : memref<2x10000x64xf32, #tpu.memory_space<hbm>> -> memref<1x10000x64xf32, #tpu.memory_space<hbm>>
      %dma_wait3A_475 = tpu.memref_squeeze %dma_wait3A_474 : memref<1x10000x64xf32, #tpu.memory_space<hbm>> -> memref<10000x64xf32, #tpu.memory_space<hbm>>
      %dma_wait3A_476 = arith.constant 0 : i32
      %dma_wait3A_477 = arith.constant 0 : i32
      %dma_wait3A_478 = tpu.memref_slice %dma_wait3A_475[%dma_wait3A_476, %dma_wait3A_477] : memref<10000x64xf32, #tpu.memory_space<hbm>> -> memref<10000x64xf32, #tpu.memory_space<hbm>>
      tpu.wait_indirect_dma semaphore(%arg19 : memref<!tpu.dma_semaphore, #tpu.memory_space<semaphore_mem>>) src(%dma_wait3A_478 : memref<10000x64xf32, #tpu.memory_space<hbm>>) dst(%arg11 : memref<80x64xf32, #tpu.memory_space<vmem>>)
      %dma_start3A_479 = arith.constant 0 : i32
      %dma_start3A_480 = tpu.memref_slice %arg7[%add3A_468, %dma_start3A_479] : memref<250x80xi32, #tpu.memory_space<vmem>> -> memref<1x80xi32, #tpu.memory_space<vmem>>
      %dma_start3A_481 = tpu.memref_squeeze %dma_start3A_480 : memref<1x80xi32, #tpu.memory_space<vmem>> -> memref<80xi32, #tpu.memory_space<vmem>>
      %dma_start3A_482 = arith.constant 0 : i32
      %dma_start3A_483 = arith.constant 0 : i32
      %dma_start3A_484 = tpu.memref_slice %arg32[%dma_start3A_482, %dma_start3A_483] : memref<10000x64xf32, #tpu.memory_space<vmem_shared>> -> memref<10000x64xf32, #tpu.memory_space<vmem_shared>>
      tpu.enqueue_indirect_dma source(%arg11 : memref<80x64xf32, #tpu.memory_space<vmem>>) target(%dma_start3A_484 : memref<10000x64xf32, #tpu.memory_space<vmem_shared>>) offsets(%dma_start3A_481 : memref<80xi32, #tpu.memory_space<vmem>>) semaphore(%arg27 : memref<!tpu.dma_semaphore, #tpu.memory_space<semaphore_mem>>) {add = true}
      %sub3A_485 = arith.constant 2 : i32
      %sub3A_486 = arith.subi %add3A_468, %sub3A_485 : i32
      %dma_wait3A_487 = arith.constant 0 : i32
      %dma_wait3A_488 = tpu.memref_slice %arg7[%sub3A_486, %dma_wait3A_487] : memref<250x80xi32, #tpu.memory_space<vmem>> -> memref<1x80xi32, #tpu.memory_space<vmem>>
      %dma_wait3A_489 = tpu.memref_squeeze %dma_wait3A_488 : memref<1x80xi32, #tpu.memory_space<vmem>> -> memref<80xi32, #tpu.memory_space<vmem>>
      %dma_wait3A_490 = arith.constant 0 : i32
      %dma_wait3A_491 = arith.constant 0 : i32
      %dma_wait3A_492 = tpu.memref_slice %arg32[%dma_wait3A_490, %dma_wait3A_491] : memref<10000x64xf32, #tpu.memory_space<vmem_shared>> -> memref<10000x64xf32, #tpu.memory_space<vmem_shared>>
      tpu.wait_indirect_dma semaphore(%arg25 : memref<!tpu.dma_semaphore, #tpu.memory_space<semaphore_mem>>) src(%arg9 : memref<80x64xf32, #tpu.memory_space<vmem>>) dst(%dma_wait3A_492 : memref<10000x64xf32, #tpu.memory_space<vmem_shared>>)
      %add3A_493 = arith.constant 6 : i32
      %add3A_494 = arith.addi %add3A_468, %add3A_493 : i32
      %dma_start3A_495 = arith.constant 0 : i32
      %dma_start3A_496 = tpu.memref_slice %arg6[%add3A_494, %dma_start3A_495] : memref<250x80xi32, #tpu.memory_space<vmem>> -> memref<1x80xi32, #tpu.memory_space<vmem>>
      %dma_start3A_497 = tpu.memref_squeeze %dma_start3A_496 : memref<1x80xi32, #tpu.memory_space<vmem>> -> memref<80xi32, #tpu.memory_space<vmem>>
      %dma_start3A_498 = arith.constant 0 : i32
      %dma_start3A_499 = arith.constant 0 : i32
      %dma_start3A_500 = tpu.memref_slice %arg2[%arg0, %dma_start3A_498, %dma_start3A_499] : memref<2x10000x64xf32, #tpu.memory_space<hbm>> -> memref<1x10000x64xf32, #tpu.memory_space<hbm>>
      %dma_start3A_501 = tpu.memref_squeeze %dma_start3A_500 : memref<1x10000x64xf32, #tpu.memory_space<hbm>> -> memref<10000x64xf32, #tpu.memory_space<hbm>>
      %dma_start3A_502 = arith.constant 0 : i32
      %dma_start3A_503 = arith.constant 0 : i32
      %dma_start3A_504 = tpu.memref_slice %dma_start3A_501[%dma_start3A_502, %dma_start3A_503] : memref<10000x64xf32, #tpu.memory_space<hbm>> -> memref<10000x64xf32, #tpu.memory_space<hbm>>
      tpu.enqueue_indirect_dma source(%dma_start3A_504 : memref<10000x64xf32, #tpu.memory_space<hbm>>) target(%arg9 : memref<80x64xf32, #tpu.memory_space<vmem>>) offsets(%dma_start3A_497 : memref<80xi32, #tpu.memory_space<vmem>>) semaphore(%arg17 : memref<!tpu.dma_semaphore, #tpu.memory_space<semaphore_mem>>)
      %add3A_505 = arith.constant 2 : i32
      %add3A_506 = arith.addi %add3A_429, %add3A_505 : i32
      %dma_wait3A_507 = arith.constant 0 : i32
      %dma_wait3A_508 = tpu.memref_slice %arg6[%add3A_506, %dma_wait3A_507] : memref<250x80xi32, #tpu.memory_space<vmem>> -> memref<1x80xi32, #tpu.memory_space<vmem>>
      %dma_wait3A_509 = tpu.memref_squeeze %dma_wait3A_508 : memref<1x80xi32, #tpu.memory_space<vmem>> -> memref<80xi32, #tpu.memory_space<vmem>>
      %dma_wait3A_510 = arith.constant 0 : i32
      %dma_wait3A_511 = arith.constant 0 : i32
      %dma_wait3A_512 = tpu.memref_slice %arg2[%arg0, %dma_wait3A_510, %dma_wait3A_511] : memref<2x10000x64xf32, #tpu.memory_space<hbm>> -> memref<1x10000x64xf32, #tpu.memory_space<hbm>>
      %dma_wait3A_513 = tpu.memref_squeeze %dma_wait3A_512 : memref<1x10000x64xf32, #tpu.memory_space<hbm>> -> memref<10000x64xf32, #tpu.memory_space<hbm>>
      %dma_wait3A_514 = arith.constant 0 : i32
      %dma_wait3A_515 = arith.constant 0 : i32
      %dma_wait3A_516 = tpu.memref_slice %dma_wait3A_513[%dma_wait3A_514, %dma_wait3A_515] : memref<10000x64xf32, #tpu.memory_space<hbm>> -> memref<10000x64xf32, #tpu.memory_space<hbm>>
      tpu.wait_indirect_dma semaphore(%arg20 : memref<!tpu.dma_semaphore, #tpu.memory_space<semaphore_mem>>) src(%dma_wait3A_516 : memref<10000x64xf32, #tpu.memory_space<hbm>>) dst(%arg12 : memref<80x64xf32, #tpu.memory_space<vmem>>)
      %dma_start3A_517 = arith.constant 0 : i32
      %dma_start3A_518 = tpu.memref_slice %arg7[%add3A_506, %dma_start3A_517] : memref<250x80xi32, #tpu.memory_space<vmem>> -> memref<1x80xi32, #tpu.memory_space<vmem>>
      %dma_start3A_519 = tpu.memref_squeeze %dma_start3A_518 : memref<1x80xi32, #tpu.memory_space<vmem>> -> memref<80xi32, #tpu.memory_space<vmem>>
      %dma_start3A_520 = arith.constant 0 : i32
      %dma_start3A_521 = arith.constant 0 : i32
      %dma_start3A_522 = tpu.memref_slice %arg32[%dma_start3A_520, %dma_start3A_521] : memref<10000x64xf32, #tpu.memory_space<vmem_shared>> -> memref<10000x64xf32, #tpu.memory_space<vmem_shared>>
      tpu.enqueue_indirect_dma source(%arg12 : memref<80x64xf32, #tpu.memory_space<vmem>>) target(%dma_start3A_522 : memref<10000x64xf32, #tpu.memory_space<vmem_shared>>) offsets(%dma_start3A_519 : memref<80xi32, #tpu.memory_space<vmem>>) semaphore(%arg28 : memref<!tpu.dma_semaphore, #tpu.memory_space<semaphore_mem>>) {add = true}
      %sub3A_523 = arith.constant 2 : i32
      %sub3A_524 = arith.subi %add3A_506, %sub3A_523 : i32
      %dma_wait3A_525 = arith.constant 0 : i32
      %dma_wait3A_526 = tpu.memref_slice %arg7[%sub3A_524, %dma_wait3A_525] : memref<250x80xi32, #tpu.memory_space<vmem>> -> memref<1x80xi32, #tpu.memory_space<vmem>>
      %dma_wait3A_527 = tpu.memref_squeeze %dma_wait3A_526 : memref<1x80xi32, #tpu.memory_space<vmem>> -> memref<80xi32, #tpu.memory_space<vmem>>
      %dma_wait3A_528 = arith.constant 0 : i32
      %dma_wait3A_529 = arith.constant 0 : i32
      %dma_wait3A_530 = tpu.memref_slice %arg32[%dma_wait3A_528, %dma_wait3A_529] : memref<10000x64xf32, #tpu.memory_space<vmem_shared>> -> memref<10000x64xf32, #tpu.memory_space<vmem_shared>>
      tpu.wait_indirect_dma semaphore(%arg26 : memref<!tpu.dma_semaphore, #tpu.memory_space<semaphore_mem>>) src(%arg10 : memref<80x64xf32, #tpu.memory_space<vmem>>) dst(%dma_wait3A_530 : memref<10000x64xf32, #tpu.memory_space<vmem_shared>>)
      %add3A_531 = arith.constant 6 : i32
      %add3A_532 = arith.addi %add3A_506, %add3A_531 : i32
      %dma_start3A_533 = arith.constant 0 : i32
      %dma_start3A_534 = tpu.memref_slice %arg6[%add3A_532, %dma_start3A_533] : memref<250x80xi32, #tpu.memory_space<vmem>> -> memref<1x80xi32, #tpu.memory_space<vmem>>
      %dma_start3A_535 = tpu.memref_squeeze %dma_start3A_534 : memref<1x80xi32, #tpu.memory_space<vmem>> -> memref<80xi32, #tpu.memory_space<vmem>>
      %dma_start3A_536 = arith.constant 0 : i32
      %dma_start3A_537 = arith.constant 0 : i32
      %dma_start3A_538 = tpu.memref_slice %arg2[%arg0, %dma_start3A_536, %dma_start3A_537] : memref<2x10000x64xf32, #tpu.memory_space<hbm>> -> memref<1x10000x64xf32, #tpu.memory_space<hbm>>
      %dma_start3A_539 = tpu.memref_squeeze %dma_start3A_538 : memref<1x10000x64xf32, #tpu.memory_space<hbm>> -> memref<10000x64xf32, #tpu.memory_space<hbm>>
      %dma_start3A_540 = arith.constant 0 : i32
      %dma_start3A_541 = arith.constant 0 : i32
      %dma_start3A_542 = tpu.memref_slice %dma_start3A_539[%dma_start3A_540, %dma_start3A_541] : memref<10000x64xf32, #tpu.memory_space<hbm>> -> memref<10000x64xf32, #tpu.memory_space<hbm>>
      tpu.enqueue_indirect_dma source(%dma_start3A_542 : memref<10000x64xf32, #tpu.memory_space<hbm>>) target(%arg10 : memref<80x64xf32, #tpu.memory_space<vmem>>) offsets(%dma_start3A_535 : memref<80xi32, #tpu.memory_space<vmem>>) semaphore(%arg18 : memref<!tpu.dma_semaphore, #tpu.memory_space<semaphore_mem>>)
      %add3A_543 = arith.constant 3 : i32
      %add3A_544 = arith.addi %add3A_429, %add3A_543 : i32
      %dma_wait3A_545 = arith.constant 0 : i32
      %dma_wait3A_546 = tpu.memref_slice %arg6[%add3A_544, %dma_wait3A_545] : memref<250x80xi32, #tpu.memory_space<vmem>> -> memref<1x80xi32, #tpu.memory_space<vmem>>
      %dma_wait3A_547 = tpu.memref_squeeze %dma_wait3A_546 : memref<1x80xi32, #tpu.memory_space<vmem>> -> memref<80xi32, #tpu.memory_space<vmem>>
      %dma_wait3A_548 = arith.constant 0 : i32
      %dma_wait3A_549 = arith.constant 0 : i32
      %dma_wait3A_550 = tpu.memref_slice %arg2[%arg0, %dma_wait3A_548, %dma_wait3A_549] : memref<2x10000x64xf32, #tpu.memory_space<hbm>> -> memref<1x10000x64xf32, #tpu.memory_space<hbm>>
      %dma_wait3A_551 = tpu.memref_squeeze %dma_wait3A_550 : memref<1x10000x64xf32, #tpu.memory_space<hbm>> -> memref<10000x64xf32, #tpu.memory_space<hbm>>
      %dma_wait3A_552 = arith.constant 0 : i32
      %dma_wait3A_553 = arith.constant 0 : i32
      %dma_wait3A_554 = tpu.memref_slice %dma_wait3A_551[%dma_wait3A_552, %dma_wait3A_553] : memref<10000x64xf32, #tpu.memory_space<hbm>> -> memref<10000x64xf32, #tpu.memory_space<hbm>>
      tpu.wait_indirect_dma semaphore(%arg21 : memref<!tpu.dma_semaphore, #tpu.memory_space<semaphore_mem>>) src(%dma_wait3A_554 : memref<10000x64xf32, #tpu.memory_space<hbm>>) dst(%arg13 : memref<80x64xf32, #tpu.memory_space<vmem>>)
      %dma_start3A_555 = arith.constant 0 : i32
      %dma_start3A_556 = tpu.memref_slice %arg7[%add3A_544, %dma_start3A_555] : memref<250x80xi32, #tpu.memory_space<vmem>> -> memref<1x80xi32, #tpu.memory_space<vmem>>
      %dma_start3A_557 = tpu.memref_squeeze %dma_start3A_556 : memref<1x80xi32, #tpu.memory_space<vmem>> -> memref<80xi32, #tpu.memory_space<vmem>>
      %dma_start3A_558 = arith.constant 0 : i32
      %dma_start3A_559 = arith.constant 0 : i32
      %dma_start3A_560 = tpu.memref_slice %arg32[%dma_start3A_558, %dma_start3A_559] : memref<10000x64xf32, #tpu.memory_space<vmem_shared>> -> memref<10000x64xf32, #tpu.memory_space<vmem_shared>>
      tpu.enqueue_indirect_dma source(%arg13 : memref<80x64xf32, #tpu.memory_space<vmem>>) target(%dma_start3A_560 : memref<10000x64xf32, #tpu.memory_space<vmem_shared>>) offsets(%dma_start3A_557 : memref<80xi32, #tpu.memory_space<vmem>>) semaphore(%arg29 : memref<!tpu.dma_semaphore, #tpu.memory_space<semaphore_mem>>) {add = true}
      %sub3A_561 = arith.constant 2 : i32
      %sub3A_562 = arith.subi %add3A_544, %sub3A_561 : i32
      %dma_wait3A_563 = arith.constant 0 : i32
      %dma_wait3A_564 = tpu.memref_slice %arg7[%sub3A_562, %dma_wait3A_563] : memref<250x80xi32, #tpu.memory_space<vmem>> -> memref<1x80xi32, #tpu.memory_space<vmem>>
      %dma_wait3A_565 = tpu.memref_squeeze %dma_wait3A_564 : memref<1x80xi32, #tpu.memory_space<vmem>> -> memref<80xi32, #tpu.memory_space<vmem>>
      %dma_wait3A_566 = arith.constant 0 : i32
      %dma_wait3A_567 = arith.constant 0 : i32
      %dma_wait3A_568 = tpu.memref_slice %arg32[%dma_wait3A_566, %dma_wait3A_567] : memref<10000x64xf32, #tpu.memory_space<vmem_shared>> -> memref<10000x64xf32, #tpu.memory_space<vmem_shared>>
      tpu.wait_indirect_dma semaphore(%arg27 : memref<!tpu.dma_semaphore, #tpu.memory_space<semaphore_mem>>) src(%arg11 : memref<80x64xf32, #tpu.memory_space<vmem>>) dst(%dma_wait3A_568 : memref<10000x64xf32, #tpu.memory_space<vmem_shared>>)
      %add3A_569 = arith.constant 6 : i32
      %add3A_570 = arith.addi %add3A_544, %add3A_569 : i32
      %dma_start3A_571 = arith.constant 0 : i32
      %dma_start3A_572 = tpu.memref_slice %arg6[%add3A_570, %dma_start3A_571] : memref<250x80xi32, #tpu.memory_space<vmem>> -> memref<1x80xi32, #tpu.memory_space<vmem>>
      %dma_start3A_573 = tpu.memref_squeeze %dma_start3A_572 : memref<1x80xi32, #tpu.memory_space<vmem>> -> memref<80xi32, #tpu.memory_space<vmem>>
      %dma_start3A_574 = arith.constant 0 : i32
      %dma_start3A_575 = arith.constant 0 : i32
      %dma_start3A_576 = tpu.memref_slice %arg2[%arg0, %dma_start3A_574, %dma_start3A_575] : memref<2x10000x64xf32, #tpu.memory_space<hbm>> -> memref<1x10000x64xf32, #tpu.memory_space<hbm>>
      %dma_start3A_577 = tpu.memref_squeeze %dma_start3A_576 : memref<1x10000x64xf32, #tpu.memory_space<hbm>> -> memref<10000x64xf32, #tpu.memory_space<hbm>>
      %dma_start3A_578 = arith.constant 0 : i32
      %dma_start3A_579 = arith.constant 0 : i32
      %dma_start3A_580 = tpu.memref_slice %dma_start3A_577[%dma_start3A_578, %dma_start3A_579] : memref<10000x64xf32, #tpu.memory_space<hbm>> -> memref<10000x64xf32, #tpu.memory_space<hbm>>
      tpu.enqueue_indirect_dma source(%dma_start3A_580 : memref<10000x64xf32, #tpu.memory_space<hbm>>) target(%arg11 : memref<80x64xf32, #tpu.memory_space<vmem>>) offsets(%dma_start3A_573 : memref<80xi32, #tpu.memory_space<vmem>>) semaphore(%arg19 : memref<!tpu.dma_semaphore, #tpu.memory_space<semaphore_mem>>)
      %add3A_581 = arith.constant 4 : i32
      %add3A_582 = arith.addi %add3A_429, %add3A_581 : i32
      %dma_wait3A_583 = arith.constant 0 : i32
      %dma_wait3A_584 = tpu.memref_slice %arg6[%add3A_582, %dma_wait3A_583] : memref<250x80xi32, #tpu.memory_space<vmem>> -> memref<1x80xi32, #tpu.memory_space<vmem>>
      %dma_wait3A_585 = tpu.memref_squeeze %dma_wait3A_584 : memref<1x80xi32, #tpu.memory_space<vmem>> -> memref<80xi32, #tpu.memory_space<vmem>>
      %dma_wait3A_586 = arith.constant 0 : i32
      %dma_wait3A_587 = arith.constant 0 : i32
      %dma_wait3A_588 = tpu.memref_slice %arg2[%arg0, %dma_wait3A_586, %dma_wait3A_587] : memref<2x10000x64xf32, #tpu.memory_space<hbm>> -> memref<1x10000x64xf32, #tpu.memory_space<hbm>>
      %dma_wait3A_589 = tpu.memref_squeeze %dma_wait3A_588 : memref<1x10000x64xf32, #tpu.memory_space<hbm>> -> memref<10000x64xf32, #tpu.memory_space<hbm>>
      %dma_wait3A_590 = arith.constant 0 : i32
      %dma_wait3A_591 = arith.constant 0 : i32
      %dma_wait3A_592 = tpu.memref_slice %dma_wait3A_589[%dma_wait3A_590, %dma_wait3A_591] : memref<10000x64xf32, #tpu.memory_space<hbm>> -> memref<10000x64xf32, #tpu.memory_space<hbm>>
      tpu.wait_indirect_dma semaphore(%arg22 : memref<!tpu.dma_semaphore, #tpu.memory_space<semaphore_mem>>) src(%dma_wait3A_592 : memref<10000x64xf32, #tpu.memory_space<hbm>>) dst(%arg14 : memref<80x64xf32, #tpu.memory_space<vmem>>)
      %dma_start3A_593 = arith.constant 0 : i32
      %dma_start3A_594 = tpu.memref_slice %arg7[%add3A_582, %dma_start3A_593] : memref<250x80xi32, #tpu.memory_space<vmem>> -> memref<1x80xi32, #tpu.memory_space<vmem>>
      %dma_start3A_595 = tpu.memref_squeeze %dma_start3A_594 : memref<1x80xi32, #tpu.memory_space<vmem>> -> memref<80xi32, #tpu.memory_space<vmem>>
      %dma_start3A_596 = arith.constant 0 : i32
      %dma_start3A_597 = arith.constant 0 : i32
      %dma_start3A_598 = tpu.memref_slice %arg32[%dma_start3A_596, %dma_start3A_597] : memref<10000x64xf32, #tpu.memory_space<vmem_shared>> -> memref<10000x64xf32, #tpu.memory_space<vmem_shared>>
      tpu.enqueue_indirect_dma source(%arg14 : memref<80x64xf32, #tpu.memory_space<vmem>>) target(%dma_start3A_598 : memref<10000x64xf32, #tpu.memory_space<vmem_shared>>) offsets(%dma_start3A_595 : memref<80xi32, #tpu.memory_space<vmem>>) semaphore(%arg30 : memref<!tpu.dma_semaphore, #tpu.memory_space<semaphore_mem>>) {add = true}
      %sub3A_599 = arith.constant 2 : i32
      %sub3A_600 = arith.subi %add3A_582, %sub3A_599 : i32
      %dma_wait3A_601 = arith.constant 0 : i32
      %dma_wait3A_602 = tpu.memref_slice %arg7[%sub3A_600, %dma_wait3A_601] : memref<250x80xi32, #tpu.memory_space<vmem>> -> memref<1x80xi32, #tpu.memory_space<vmem>>
      %dma_wait3A_603 = tpu.memref_squeeze %dma_wait3A_602 : memref<1x80xi32, #tpu.memory_space<vmem>> -> memref<80xi32, #tpu.memory_space<vmem>>
      %dma_wait3A_604 = arith.constant 0 : i32
      %dma_wait3A_605 = arith.constant 0 : i32
      %dma_wait3A_606 = tpu.memref_slice %arg32[%dma_wait3A_604, %dma_wait3A_605] : memref<10000x64xf32, #tpu.memory_space<vmem_shared>> -> memref<10000x64xf32, #tpu.memory_space<vmem_shared>>
      tpu.wait_indirect_dma semaphore(%arg28 : memref<!tpu.dma_semaphore, #tpu.memory_space<semaphore_mem>>) src(%arg12 : memref<80x64xf32, #tpu.memory_space<vmem>>) dst(%dma_wait3A_606 : memref<10000x64xf32, #tpu.memory_space<vmem_shared>>)
      %add3A_607 = arith.constant 6 : i32
      %add3A_608 = arith.addi %add3A_582, %add3A_607 : i32
      %dma_start3A_609 = arith.constant 0 : i32
      %dma_start3A_610 = tpu.memref_slice %arg6[%add3A_608, %dma_start3A_609] : memref<250x80xi32, #tpu.memory_space<vmem>> -> memref<1x80xi32, #tpu.memory_space<vmem>>
      %dma_start3A_611 = tpu.memref_squeeze %dma_start3A_610 : memref<1x80xi32, #tpu.memory_space<vmem>> -> memref<80xi32, #tpu.memory_space<vmem>>
      %dma_start3A_612 = arith.constant 0 : i32
      %dma_start3A_613 = arith.constant 0 : i32
      %dma_start3A_614 = tpu.memref_slice %arg2[%arg0, %dma_start3A_612, %dma_start3A_613] : memref<2x10000x64xf32, #tpu.memory_space<hbm>> -> memref<1x10000x64xf32, #tpu.memory_space<hbm>>
      %dma_start3A_615 = tpu.memref_squeeze %dma_start3A_614 : memref<1x10000x64xf32, #tpu.memory_space<hbm>> -> memref<10000x64xf32, #tpu.memory_space<hbm>>
      %dma_start3A_616 = arith.constant 0 : i32
      %dma_start3A_617 = arith.constant 0 : i32
      %dma_start3A_618 = tpu.memref_slice %dma_start3A_615[%dma_start3A_616, %dma_start3A_617] : memref<10000x64xf32, #tpu.memory_space<hbm>> -> memref<10000x64xf32, #tpu.memory_space<hbm>>
      tpu.enqueue_indirect_dma source(%dma_start3A_618 : memref<10000x64xf32, #tpu.memory_space<hbm>>) target(%arg12 : memref<80x64xf32, #tpu.memory_space<vmem>>) offsets(%dma_start3A_611 : memref<80xi32, #tpu.memory_space<vmem>>) semaphore(%arg20 : memref<!tpu.dma_semaphore, #tpu.memory_space<semaphore_mem>>)
      %add3A_619 = arith.constant 5 : i32
      %add3A_620 = arith.addi %add3A_429, %add3A_619 : i32
      %dma_wait3A_621 = arith.constant 0 : i32
      %dma_wait3A_622 = tpu.memref_slice %arg6[%add3A_620, %dma_wait3A_621] : memref<250x80xi32, #tpu.memory_space<vmem>> -> memref<1x80xi32, #tpu.memory_space<vmem>>
      %dma_wait3A_623 = tpu.memref_squeeze %dma_wait3A_622 : memref<1x80xi32, #tpu.memory_space<vmem>> -> memref<80xi32, #tpu.memory_space<vmem>>
      %dma_wait3A_624 = arith.constant 0 : i32
      %dma_wait3A_625 = arith.constant 0 : i32
      %dma_wait3A_626 = tpu.memref_slice %arg2[%arg0, %dma_wait3A_624, %dma_wait3A_625] : memref<2x10000x64xf32, #tpu.memory_space<hbm>> -> memref<1x10000x64xf32, #tpu.memory_space<hbm>>
      %dma_wait3A_627 = tpu.memref_squeeze %dma_wait3A_626 : memref<1x10000x64xf32, #tpu.memory_space<hbm>> -> memref<10000x64xf32, #tpu.memory_space<hbm>>
      %dma_wait3A_628 = arith.constant 0 : i32
      %dma_wait3A_629 = arith.constant 0 : i32
      %dma_wait3A_630 = tpu.memref_slice %dma_wait3A_627[%dma_wait3A_628, %dma_wait3A_629] : memref<10000x64xf32, #tpu.memory_space<hbm>> -> memref<10000x64xf32, #tpu.memory_space<hbm>>
      tpu.wait_indirect_dma semaphore(%arg23 : memref<!tpu.dma_semaphore, #tpu.memory_space<semaphore_mem>>) src(%dma_wait3A_630 : memref<10000x64xf32, #tpu.memory_space<hbm>>) dst(%arg15 : memref<80x64xf32, #tpu.memory_space<vmem>>)
      %dma_start3A_631 = arith.constant 0 : i32
      %dma_start3A_632 = tpu.memref_slice %arg7[%add3A_620, %dma_start3A_631] : memref<250x80xi32, #tpu.memory_space<vmem>> -> memref<1x80xi32, #tpu.memory_space<vmem>>
      %dma_start3A_633 = tpu.memref_squeeze %dma_start3A_632 : memref<1x80xi32, #tpu.memory_space<vmem>> -> memref<80xi32, #tpu.memory_space<vmem>>
      %dma_start3A_634 = arith.constant 0 : i32
      %dma_start3A_635 = arith.constant 0 : i32
      %dma_start3A_636 = tpu.memref_slice %arg32[%dma_start3A_634, %dma_start3A_635] : memref<10000x64xf32, #tpu.memory_space<vmem_shared>> -> memref<10000x64xf32, #tpu.memory_space<vmem_shared>>
      tpu.enqueue_indirect_dma source(%arg15 : memref<80x64xf32, #tpu.memory_space<vmem>>) target(%dma_start3A_636 : memref<10000x64xf32, #tpu.memory_space<vmem_shared>>) offsets(%dma_start3A_633 : memref<80xi32, #tpu.memory_space<vmem>>) semaphore(%arg31 : memref<!tpu.dma_semaphore, #tpu.memory_space<semaphore_mem>>) {add = true}
      %sub3A_637 = arith.constant 2 : i32
      %sub3A_638 = arith.subi %add3A_620, %sub3A_637 : i32
      %dma_wait3A_639 = arith.constant 0 : i32
      %dma_wait3A_640 = tpu.memref_slice %arg7[%sub3A_638, %dma_wait3A_639] : memref<250x80xi32, #tpu.memory_space<vmem>> -> memref<1x80xi32, #tpu.memory_space<vmem>>
      %dma_wait3A_641 = tpu.memref_squeeze %dma_wait3A_640 : memref<1x80xi32, #tpu.memory_space<vmem>> -> memref<80xi32, #tpu.memory_space<vmem>>
      %dma_wait3A_642 = arith.constant 0 : i32
      %dma_wait3A_643 = arith.constant 0 : i32
      %dma_wait3A_644 = tpu.memref_slice %arg32[%dma_wait3A_642, %dma_wait3A_643] : memref<10000x64xf32, #tpu.memory_space<vmem_shared>> -> memref<10000x64xf32, #tpu.memory_space<vmem_shared>>
      tpu.wait_indirect_dma semaphore(%arg29 : memref<!tpu.dma_semaphore, #tpu.memory_space<semaphore_mem>>) src(%arg13 : memref<80x64xf32, #tpu.memory_space<vmem>>) dst(%dma_wait3A_644 : memref<10000x64xf32, #tpu.memory_space<vmem_shared>>)
      %add3A_645 = arith.constant 6 : i32
      %add3A_646 = arith.addi %add3A_620, %add3A_645 : i32
      %dma_start3A_647 = arith.constant 0 : i32
      %dma_start3A_648 = tpu.memref_slice %arg6[%add3A_646, %dma_start3A_647] : memref<250x80xi32, #tpu.memory_space<vmem>> -> memref<1x80xi32, #tpu.memory_space<vmem>>
      %dma_start3A_649 = tpu.memref_squeeze %dma_start3A_648 : memref<1x80xi32, #tpu.memory_space<vmem>> -> memref<80xi32, #tpu.memory_space<vmem>>
      %dma_start3A_650 = arith.constant 0 : i32
      %dma_start3A_651 = arith.constant 0 : i32
      %dma_start3A_652 = tpu.memref_slice %arg2[%arg0, %dma_start3A_650, %dma_start3A_651] : memref<2x10000x64xf32, #tpu.memory_space<hbm>> -> memref<1x10000x64xf32, #tpu.memory_space<hbm>>
      %dma_start3A_653 = tpu.memref_squeeze %dma_start3A_652 : memref<1x10000x64xf32, #tpu.memory_space<hbm>> -> memref<10000x64xf32, #tpu.memory_space<hbm>>
      %dma_start3A_654 = arith.constant 0 : i32
      %dma_start3A_655 = arith.constant 0 : i32
      %dma_start3A_656 = tpu.memref_slice %dma_start3A_653[%dma_start3A_654, %dma_start3A_655] : memref<10000x64xf32, #tpu.memory_space<hbm>> -> memref<10000x64xf32, #tpu.memory_space<hbm>>
      tpu.enqueue_indirect_dma source(%dma_start3A_656 : memref<10000x64xf32, #tpu.memory_space<hbm>>) target(%arg13 : memref<80x64xf32, #tpu.memory_space<vmem>>) offsets(%dma_start3A_649 : memref<80xi32, #tpu.memory_space<vmem>>) semaphore(%arg21 : memref<!tpu.dma_semaphore, #tpu.memory_space<semaphore_mem>>)
      %add3A_657 = arith.constant 6 : i32
      %add3A_658 = arith.addi %add3A_429, %add3A_657 : i32
      %dma_wait3A_659 = arith.constant 0 : i32
      %dma_wait3A_660 = tpu.memref_slice %arg6[%add3A_658, %dma_wait3A_659] : memref<250x80xi32, #tpu.memory_space<vmem>> -> memref<1x80xi32, #tpu.memory_space<vmem>>
      %dma_wait3A_661 = tpu.memref_squeeze %dma_wait3A_660 : memref<1x80xi32, #tpu.memory_space<vmem>> -> memref<80xi32, #tpu.memory_space<vmem>>
      %dma_wait3A_662 = arith.constant 0 : i32
      %dma_wait3A_663 = arith.constant 0 : i32
      %dma_wait3A_664 = tpu.memref_slice %arg2[%arg0, %dma_wait3A_662, %dma_wait3A_663] : memref<2x10000x64xf32, #tpu.memory_space<hbm>> -> memref<1x10000x64xf32, #tpu.memory_space<hbm>>
      %dma_wait3A_665 = tpu.memref_squeeze %dma_wait3A_664 : memref<1x10000x64xf32, #tpu.memory_space<hbm>> -> memref<10000x64xf32, #tpu.memory_space<hbm>>
      %dma_wait3A_666 = arith.constant 0 : i32
      %dma_wait3A_667 = arith.constant 0 : i32
      %dma_wait3A_668 = tpu.memref_slice %dma_wait3A_665[%dma_wait3A_666, %dma_wait3A_667] : memref<10000x64xf32, #tpu.memory_space<hbm>> -> memref<10000x64xf32, #tpu.memory_space<hbm>>
      tpu.wait_indirect_dma semaphore(%arg16 : memref<!tpu.dma_semaphore, #tpu.memory_space<semaphore_mem>>) src(%dma_wait3A_668 : memref<10000x64xf32, #tpu.memory_space<hbm>>) dst(%arg8 : memref<80x64xf32, #tpu.memory_space<vmem>>)
      %dma_start3A_669 = arith.constant 0 : i32
      %dma_start3A_670 = tpu.memref_slice %arg7[%add3A_658, %dma_start3A_669] : memref<250x80xi32, #tpu.memory_space<vmem>> -> memref<1x80xi32, #tpu.memory_space<vmem>>
      %dma_start3A_671 = tpu.memref_squeeze %dma_start3A_670 : memref<1x80xi32, #tpu.memory_space<vmem>> -> memref<80xi32, #tpu.memory_space<vmem>>
      %dma_start3A_672 = arith.constant 0 : i32
      %dma_start3A_673 = arith.constant 0 : i32
      %dma_start3A_674 = tpu.memref_slice %arg32[%dma_start3A_672, %dma_start3A_673] : memref<10000x64xf32, #tpu.memory_space<vmem_shared>> -> memref<10000x64xf32, #tpu.memory_space<vmem_shared>>
      tpu.enqueue_indirect_dma source(%arg8 : memref<80x64xf32, #tpu.memory_space<vmem>>) target(%dma_start3A_674 : memref<10000x64xf32, #tpu.memory_space<vmem_shared>>) offsets(%dma_start3A_671 : memref<80xi32, #tpu.memory_space<vmem>>) semaphore(%arg24 : memref<!tpu.dma_semaphore, #tpu.memory_space<semaphore_mem>>) {add = true}
      %sub3A_675 = arith.constant 2 : i32
      %sub3A_676 = arith.subi %add3A_658, %sub3A_675 : i32
      %dma_wait3A_677 = arith.constant 0 : i32
      %dma_wait3A_678 = tpu.memref_slice %arg7[%sub3A_676, %dma_wait3A_677] : memref<250x80xi32, #tpu.memory_space<vmem>> -> memref<1x80xi32, #tpu.memory_space<vmem>>
      %dma_wait3A_679 = tpu.memref_squeeze %dma_wait3A_678 : memref<1x80xi32, #tpu.memory_space<vmem>> -> memref<80xi32, #tpu.memory_space<vmem>>
      %dma_wait3A_680 = arith.constant 0 : i32
      %dma_wait3A_681 = arith.constant 0 : i32
      %dma_wait3A_682 = tpu.memref_slice %arg32[%dma_wait3A_680, %dma_wait3A_681] : memref<10000x64xf32, #tpu.memory_space<vmem_shared>> -> memref<10000x64xf32, #tpu.memory_space<vmem_shared>>
      tpu.wait_indirect_dma semaphore(%arg30 : memref<!tpu.dma_semaphore, #tpu.memory_space<semaphore_mem>>) src(%arg14 : memref<80x64xf32, #tpu.memory_space<vmem>>) dst(%dma_wait3A_682 : memref<10000x64xf32, #tpu.memory_space<vmem_shared>>)
      %add3A_683 = arith.constant 6 : i32
      %add3A_684 = arith.addi %add3A_658, %add3A_683 : i32
      %dma_start3A_685 = arith.constant 0 : i32
      %dma_start3A_686 = tpu.memref_slice %arg6[%add3A_684, %dma_start3A_685] : memref<250x80xi32, #tpu.memory_space<vmem>> -> memref<1x80xi32, #tpu.memory_space<vmem>>
      %dma_start3A_687 = tpu.memref_squeeze %dma_start3A_686 : memref<1x80xi32, #tpu.memory_space<vmem>> -> memref<80xi32, #tpu.memory_space<vmem>>
      %dma_start3A_688 = arith.constant 0 : i32
      %dma_start3A_689 = arith.constant 0 : i32
      %dma_start3A_690 = tpu.memref_slice %arg2[%arg0, %dma_start3A_688, %dma_start3A_689] : memref<2x10000x64xf32, #tpu.memory_space<hbm>> -> memref<1x10000x64xf32, #tpu.memory_space<hbm>>
      %dma_start3A_691 = tpu.memref_squeeze %dma_start3A_690 : memref<1x10000x64xf32, #tpu.memory_space<hbm>> -> memref<10000x64xf32, #tpu.memory_space<hbm>>
      %dma_start3A_692 = arith.constant 0 : i32
      %dma_start3A_693 = arith.constant 0 : i32
      %dma_start3A_694 = tpu.memref_slice %dma_start3A_691[%dma_start3A_692, %dma_start3A_693] : memref<10000x64xf32, #tpu.memory_space<hbm>> -> memref<10000x64xf32, #tpu.memory_space<hbm>>
      tpu.enqueue_indirect_dma source(%dma_start3A_694 : memref<10000x64xf32, #tpu.memory_space<hbm>>) target(%arg14 : memref<80x64xf32, #tpu.memory_space<vmem>>) offsets(%dma_start3A_687 : memref<80xi32, #tpu.memory_space<vmem>>) semaphore(%arg22 : memref<!tpu.dma_semaphore, #tpu.memory_space<semaphore_mem>>)
      %add3A_695 = arith.constant 7 : i32
      %add3A_696 = arith.addi %add3A_429, %add3A_695 : i32
      %dma_wait3A_697 = arith.constant 0 : i32
      %dma_wait3A_698 = tpu.memref_slice %arg6[%add3A_696, %dma_wait3A_697] : memref<250x80xi32, #tpu.memory_space<vmem>> -> memref<1x80xi32, #tpu.memory_space<vmem>>
      %dma_wait3A_699 = tpu.memref_squeeze %dma_wait3A_698 : memref<1x80xi32, #tpu.memory_space<vmem>> -> memref<80xi32, #tpu.memory_space<vmem>>
      %dma_wait3A_700 = arith.constant 0 : i32
      %dma_wait3A_701 = arith.constant 0 : i32
      %dma_wait3A_702 = tpu.memref_slice %arg2[%arg0, %dma_wait3A_700, %dma_wait3A_701] : memref<2x10000x64xf32, #tpu.memory_space<hbm>> -> memref<1x10000x64xf32, #tpu.memory_space<hbm>>
      %dma_wait3A_703 = tpu.memref_squeeze %dma_wait3A_702 : memref<1x10000x64xf32, #tpu.memory_space<hbm>> -> memref<10000x64xf32, #tpu.memory_space<hbm>>
      %dma_wait3A_704 = arith.constant 0 : i32
      %dma_wait3A_705 = arith.constant 0 : i32
      %dma_wait3A_706 = tpu.memref_slice %dma_wait3A_703[%dma_wait3A_704, %dma_wait3A_705] : memref<10000x64xf32, #tpu.memory_space<hbm>> -> memref<10000x64xf32, #tpu.memory_space<hbm>>
      tpu.wait_indirect_dma semaphore(%arg17 : memref<!tpu.dma_semaphore, #tpu.memory_space<semaphore_mem>>) src(%dma_wait3A_706 : memref<10000x64xf32, #tpu.memory_space<hbm>>) dst(%arg9 : memref<80x64xf32, #tpu.memory_space<vmem>>)
      %dma_start3A_707 = arith.constant 0 : i32
      %dma_start3A_708 = tpu.memref_slice %arg7[%add3A_696, %dma_start3A_707] : memref<250x80xi32, #tpu.memory_space<vmem>> -> memref<1x80xi32, #tpu.memory_space<vmem>>
      %dma_start3A_709 = tpu.memref_squeeze %dma_start3A_708 : memref<1x80xi32, #tpu.memory_space<vmem>> -> memref<80xi32, #tpu.memory_space<vmem>>
      %dma_start3A_710 = arith.constant 0 : i32
      %dma_start3A_711 = arith.constant 0 : i32
      %dma_start3A_712 = tpu.memref_slice %arg32[%dma_start3A_710, %dma_start3A_711] : memref<10000x64xf32, #tpu.memory_space<vmem_shared>> -> memref<10000x64xf32, #tpu.memory_space<vmem_shared>>
      tpu.enqueue_indirect_dma source(%arg9 : memref<80x64xf32, #tpu.memory_space<vmem>>) target(%dma_start3A_712 : memref<10000x64xf32, #tpu.memory_space<vmem_shared>>) offsets(%dma_start3A_709 : memref<80xi32, #tpu.memory_space<vmem>>) semaphore(%arg25 : memref<!tpu.dma_semaphore, #tpu.memory_space<semaphore_mem>>) {add = true}
      %sub3A_713 = arith.constant 2 : i32
      %sub3A_714 = arith.subi %add3A_696, %sub3A_713 : i32
      %dma_wait3A_715 = arith.constant 0 : i32
      %dma_wait3A_716 = tpu.memref_slice %arg7[%sub3A_714, %dma_wait3A_715] : memref<250x80xi32, #tpu.memory_space<vmem>> -> memref<1x80xi32, #tpu.memory_space<vmem>>
      %dma_wait3A_717 = tpu.memref_squeeze %dma_wait3A_716 : memref<1x80xi32, #tpu.memory_space<vmem>> -> memref<80xi32, #tpu.memory_space<vmem>>
      %dma_wait3A_718 = arith.constant 0 : i32
      %dma_wait3A_719 = arith.constant 0 : i32
      %dma_wait3A_720 = tpu.memref_slice %arg32[%dma_wait3A_718, %dma_wait3A_719] : memref<10000x64xf32, #tpu.memory_space<vmem_shared>> -> memref<10000x64xf32, #tpu.memory_space<vmem_shared>>
      tpu.wait_indirect_dma semaphore(%arg31 : memref<!tpu.dma_semaphore, #tpu.memory_space<semaphore_mem>>) src(%arg15 : memref<80x64xf32, #tpu.memory_space<vmem>>) dst(%dma_wait3A_720 : memref<10000x64xf32, #tpu.memory_space<vmem_shared>>)
      %add3A_721 = arith.constant 6 : i32
      %add3A_722 = arith.addi %add3A_696, %add3A_721 : i32
      %dma_start3A_723 = arith.constant 0 : i32
      %dma_start3A_724 = tpu.memref_slice %arg6[%add3A_722, %dma_start3A_723] : memref<250x80xi32, #tpu.memory_space<vmem>> -> memref<1x80xi32, #tpu.memory_space<vmem>>
      %dma_start3A_725 = tpu.memref_squeeze %dma_start3A_724 : memref<1x80xi32, #tpu.memory_space<vmem>> -> memref<80xi32, #tpu.memory_space<vmem>>
      %dma_start3A_726 = arith.constant 0 : i32
      %dma_start3A_727 = arith.constant 0 : i32
      %dma_start3A_728 = tpu.memref_slice %arg2[%arg0, %dma_start3A_726, %dma_start3A_727] : memref<2x10000x64xf32, #tpu.memory_space<hbm>> -> memref<1x10000x64xf32, #tpu.memory_space<hbm>>
      %dma_start3A_729 = tpu.memref_squeeze %dma_start3A_728 : memref<1x10000x64xf32, #tpu.memory_space<hbm>> -> memref<10000x64xf32, #tpu.memory_space<hbm>>
      %dma_start3A_730 = arith.constant 0 : i32
      %dma_start3A_731 = arith.constant 0 : i32
      %dma_start3A_732 = tpu.memref_slice %dma_start3A_729[%dma_start3A_730, %dma_start3A_731] : memref<10000x64xf32, #tpu.memory_space<hbm>> -> memref<10000x64xf32, #tpu.memory_space<hbm>>
      tpu.enqueue_indirect_dma source(%dma_start3A_732 : memref<10000x64xf32, #tpu.memory_space<hbm>>) target(%arg15 : memref<80x64xf32, #tpu.memory_space<vmem>>) offsets(%dma_start3A_725 : memref<80xi32, #tpu.memory_space<vmem>>) semaphore(%arg23 : memref<!tpu.dma_semaphore, #tpu.memory_space<semaphore_mem>>)
    }
    %scan3A_179 = arith.constant 30 : i32
    %dma_wait3A_180 = arith.constant 242 : i32
    %dma_wait3A_181 = arith.constant 0 : i32
    %dma_wait3A_182 = tpu.memref_slice %arg6[%dma_wait3A_180, %dma_wait3A_181] : memref<250x80xi32, #tpu.memory_space<vmem>> -> memref<1x80xi32, #tpu.memory_space<vmem>>
    %dma_wait3A_183 = tpu.memref_squeeze %dma_wait3A_182 : memref<1x80xi32, #tpu.memory_space<vmem>> -> memref<80xi32, #tpu.memory_space<vmem>>
    %dma_wait3A_184 = arith.constant 0 : i32
    %dma_wait3A_185 = arith.constant 0 : i32
    %dma_wait3A_186 = tpu.memref_slice %arg2[%arg0, %dma_wait3A_184, %dma_wait3A_185] : memref<2x10000x64xf32, #tpu.memory_space<hbm>> -> memref<1x10000x64xf32, #tpu.memory_space<hbm>>
    %dma_wait3A_187 = tpu.memref_squeeze %dma_wait3A_186 : memref<1x10000x64xf32, #tpu.memory_space<hbm>> -> memref<10000x64xf32, #tpu.memory_space<hbm>>
    %dma_wait3A_188 = arith.constant 0 : i32
    %dma_wait3A_189 = arith.constant 0 : i32
    %dma_wait3A_190 = tpu.memref_slice %dma_wait3A_187[%dma_wait3A_188, %dma_wait3A_189] : memref<10000x64xf32, #tpu.memory_space<hbm>> -> memref<10000x64xf32, #tpu.memory_space<hbm>>
    tpu.wait_indirect_dma semaphore(%arg18 : memref<!tpu.dma_semaphore, #tpu.memory_space<semaphore_mem>>) src(%dma_wait3A_190 : memref<10000x64xf32, #tpu.memory_space<hbm>>) dst(%arg10 : memref<80x64xf32, #tpu.memory_space<vmem>>)
    %dma_start3A_191 = arith.constant 242 : i32
    %dma_start3A_192 = arith.constant 0 : i32
    %dma_start3A_193 = tpu.memref_slice %arg7[%dma_start3A_191, %dma_start3A_192] : memref<250x80xi32, #tpu.memory_space<vmem>> -> memref<1x80xi32, #tpu.memory_space<vmem>>
    %dma_start3A_194 = tpu.memref_squeeze %dma_start3A_193 : memref<1x80xi32, #tpu.memory_space<vmem>> -> memref<80xi32, #tpu.memory_space<vmem>>
    %dma_start3A_195 = arith.constant 0 : i32
    %dma_start3A_196 = arith.constant 0 : i32
    %dma_start3A_197 = tpu.memref_slice %arg32[%dma_start3A_195, %dma_start3A_196] : memref<10000x64xf32, #tpu.memory_space<vmem_shared>> -> memref<10000x64xf32, #tpu.memory_space<vmem_shared>>
    tpu.enqueue_indirect_dma source(%arg10 : memref<80x64xf32, #tpu.memory_space<vmem>>) target(%dma_start3A_197 : memref<10000x64xf32, #tpu.memory_space<vmem_shared>>) offsets(%dma_start3A_194 : memref<80xi32, #tpu.memory_space<vmem>>) semaphore(%arg26 : memref<!tpu.dma_semaphore, #tpu.memory_space<semaphore_mem>>) {add = true}
    %dma_wait3A_198 = arith.constant 240 : i32
    %dma_wait3A_199 = arith.constant 0 : i32
    %dma_wait3A_200 = tpu.memref_slice %arg7[%dma_wait3A_198, %dma_wait3A_199] : memref<250x80xi32, #tpu.memory_space<vmem>> -> memref<1x80xi32, #tpu.memory_space<vmem>>
    %dma_wait3A_201 = tpu.memref_squeeze %dma_wait3A_200 : memref<1x80xi32, #tpu.memory_space<vmem>> -> memref<80xi32, #tpu.memory_space<vmem>>
    %dma_wait3A_202 = arith.constant 0 : i32
    %dma_wait3A_203 = arith.constant 0 : i32
    %dma_wait3A_204 = tpu.memref_slice %arg32[%dma_wait3A_202, %dma_wait3A_203] : memref<10000x64xf32, #tpu.memory_space<vmem_shared>> -> memref<10000x64xf32, #tpu.memory_space<vmem_shared>>
    tpu.wait_indirect_dma semaphore(%arg24 : memref<!tpu.dma_semaphore, #tpu.memory_space<semaphore_mem>>) src(%arg8 : memref<80x64xf32, #tpu.memory_space<vmem>>) dst(%dma_wait3A_204 : memref<10000x64xf32, #tpu.memory_space<vmem_shared>>)
    %dma_start3A_205 = arith.constant 248 : i32
    %dma_start3A_206 = arith.constant 0 : i32
    %dma_start3A_207 = tpu.memref_slice %arg6[%dma_start3A_205, %dma_start3A_206] : memref<250x80xi32, #tpu.memory_space<vmem>> -> memref<1x80xi32, #tpu.memory_space<vmem>>
    %dma_start3A_208 = tpu.memref_squeeze %dma_start3A_207 : memref<1x80xi32, #tpu.memory_space<vmem>> -> memref<80xi32, #tpu.memory_space<vmem>>
    %dma_start3A_209 = arith.constant 0 : i32
    %dma_start3A_210 = arith.constant 0 : i32
    %dma_start3A_211 = tpu.memref_slice %arg2[%arg0, %dma_start3A_209, %dma_start3A_210] : memref<2x10000x64xf32, #tpu.memory_space<hbm>> -> memref<1x10000x64xf32, #tpu.memory_space<hbm>>
    %dma_start3A_212 = tpu.memref_squeeze %dma_start3A_211 : memref<1x10000x64xf32, #tpu.memory_space<hbm>> -> memref<10000x64xf32, #tpu.memory_space<hbm>>
    %dma_start3A_213 = arith.constant 0 : i32
    %dma_start3A_214 = arith.constant 0 : i32
    %dma_start3A_215 = tpu.memref_slice %dma_start3A_212[%dma_start3A_213, %dma_start3A_214] : memref<10000x64xf32, #tpu.memory_space<hbm>> -> memref<10000x64xf32, #tpu.memory_space<hbm>>
    tpu.enqueue_indirect_dma source(%dma_start3A_215 : memref<10000x64xf32, #tpu.memory_space<hbm>>) target(%arg8 : memref<80x64xf32, #tpu.memory_space<vmem>>) offsets(%dma_start3A_208 : memref<80xi32, #tpu.memory_space<vmem>>) semaphore(%arg16 : memref<!tpu.dma_semaphore, #tpu.memory_space<semaphore_mem>>)
    %dma_wait3A_216 = arith.constant 243 : i32
    %dma_wait3A_217 = arith.constant 0 : i32
    %dma_wait3A_218 = tpu.memref_slice %arg6[%dma_wait3A_216, %dma_wait3A_217] : memref<250x80xi32, #tpu.memory_space<vmem>> -> memref<1x80xi32, #tpu.memory_space<vmem>>
    %dma_wait3A_219 = tpu.memref_squeeze %dma_wait3A_218 : memref<1x80xi32, #tpu.memory_space<vmem>> -> memref<80xi32, #tpu.memory_space<vmem>>
    %dma_wait3A_220 = arith.constant 0 : i32
    %dma_wait3A_221 = arith.constant 0 : i32
    %dma_wait3A_222 = tpu.memref_slice %arg2[%arg0, %dma_wait3A_220, %dma_wait3A_221] : memref<2x10000x64xf32, #tpu.memory_space<hbm>> -> memref<1x10000x64xf32, #tpu.memory_space<hbm>>
    %dma_wait3A_223 = tpu.memref_squeeze %dma_wait3A_222 : memref<1x10000x64xf32, #tpu.memory_space<hbm>> -> memref<10000x64xf32, #tpu.memory_space<hbm>>
    %dma_wait3A_224 = arith.constant 0 : i32
    %dma_wait3A_225 = arith.constant 0 : i32
    %dma_wait3A_226 = tpu.memref_slice %dma_wait3A_223[%dma_wait3A_224, %dma_wait3A_225] : memref<10000x64xf32, #tpu.memory_space<hbm>> -> memref<10000x64xf32, #tpu.memory_space<hbm>>
    tpu.wait_indirect_dma semaphore(%arg19 : memref<!tpu.dma_semaphore, #tpu.memory_space<semaphore_mem>>) src(%dma_wait3A_226 : memref<10000x64xf32, #tpu.memory_space<hbm>>) dst(%arg11 : memref<80x64xf32, #tpu.memory_space<vmem>>)
    %dma_start3A_227 = arith.constant 243 : i32
    %dma_start3A_228 = arith.constant 0 : i32
    %dma_start3A_229 = tpu.memref_slice %arg7[%dma_start3A_227, %dma_start3A_228] : memref<250x80xi32, #tpu.memory_space<vmem>> -> memref<1x80xi32, #tpu.memory_space<vmem>>
    %dma_start3A_230 = tpu.memref_squeeze %dma_start3A_229 : memref<1x80xi32, #tpu.memory_space<vmem>> -> memref<80xi32, #tpu.memory_space<vmem>>
    %dma_start3A_231 = arith.constant 0 : i32
    %dma_start3A_232 = arith.constant 0 : i32
    %dma_start3A_233 = tpu.memref_slice %arg32[%dma_start3A_231, %dma_start3A_232] : memref<10000x64xf32, #tpu.memory_space<vmem_shared>> -> memref<10000x64xf32, #tpu.memory_space<vmem_shared>>
    tpu.enqueue_indirect_dma source(%arg11 : memref<80x64xf32, #tpu.memory_space<vmem>>) target(%dma_start3A_233 : memref<10000x64xf32, #tpu.memory_space<vmem_shared>>) offsets(%dma_start3A_230 : memref<80xi32, #tpu.memory_space<vmem>>) semaphore(%arg27 : memref<!tpu.dma_semaphore, #tpu.memory_space<semaphore_mem>>) {add = true}
    %dma_wait3A_234 = arith.constant 241 : i32
    %dma_wait3A_235 = arith.constant 0 : i32
    %dma_wait3A_236 = tpu.memref_slice %arg7[%dma_wait3A_234, %dma_wait3A_235] : memref<250x80xi32, #tpu.memory_space<vmem>> -> memref<1x80xi32, #tpu.memory_space<vmem>>
    %dma_wait3A_237 = tpu.memref_squeeze %dma_wait3A_236 : memref<1x80xi32, #tpu.memory_space<vmem>> -> memref<80xi32, #tpu.memory_space<vmem>>
    %dma_wait3A_238 = arith.constant 0 : i32
    %dma_wait3A_239 = arith.constant 0 : i32
    %dma_wait3A_240 = tpu.memref_slice %arg32[%dma_wait3A_238, %dma_wait3A_239] : memref<10000x64xf32, #tpu.memory_space<vmem_shared>> -> memref<10000x64xf32, #tpu.memory_space<vmem_shared>>
    tpu.wait_indirect_dma semaphore(%arg25 : memref<!tpu.dma_semaphore, #tpu.memory_space<semaphore_mem>>) src(%arg9 : memref<80x64xf32, #tpu.memory_space<vmem>>) dst(%dma_wait3A_240 : memref<10000x64xf32, #tpu.memory_space<vmem_shared>>)
    %dma_start3A_241 = arith.constant 249 : i32
    %dma_start3A_242 = arith.constant 0 : i32
    %dma_start3A_243 = tpu.memref_slice %arg6[%dma_start3A_241, %dma_start3A_242] : memref<250x80xi32, #tpu.memory_space<vmem>> -> memref<1x80xi32, #tpu.memory_space<vmem>>
    %dma_start3A_244 = tpu.memref_squeeze %dma_start3A_243 : memref<1x80xi32, #tpu.memory_space<vmem>> -> memref<80xi32, #tpu.memory_space<vmem>>
    %dma_start3A_245 = arith.constant 0 : i32
    %dma_start3A_246 = arith.constant 0 : i32
    %dma_start3A_247 = tpu.memref_slice %arg2[%arg0, %dma_start3A_245, %dma_start3A_246] : memref<2x10000x64xf32, #tpu.memory_space<hbm>> -> memref<1x10000x64xf32, #tpu.memory_space<hbm>>
    %dma_start3A_248 = tpu.memref_squeeze %dma_start3A_247 : memref<1x10000x64xf32, #tpu.memory_space<hbm>> -> memref<10000x64xf32, #tpu.memory_space<hbm>>
    %dma_start3A_249 = arith.constant 0 : i32
    %dma_start3A_250 = arith.constant 0 : i32
    %dma_start3A_251 = tpu.memref_slice %dma_start3A_248[%dma_start3A_249, %dma_start3A_250] : memref<10000x64xf32, #tpu.memory_space<hbm>> -> memref<10000x64xf32, #tpu.memory_space<hbm>>
    tpu.enqueue_indirect_dma source(%dma_start3A_251 : memref<10000x64xf32, #tpu.memory_space<hbm>>) target(%arg9 : memref<80x64xf32, #tpu.memory_space<vmem>>) offsets(%dma_start3A_244 : memref<80xi32, #tpu.memory_space<vmem>>) semaphore(%arg17 : memref<!tpu.dma_semaphore, #tpu.memory_space<semaphore_mem>>)
    %dma_wait3A_252 = arith.constant 244 : i32
    %dma_wait3A_253 = arith.constant 0 : i32
    %dma_wait3A_254 = tpu.memref_slice %arg6[%dma_wait3A_252, %dma_wait3A_253] : memref<250x80xi32, #tpu.memory_space<vmem>> -> memref<1x80xi32, #tpu.memory_space<vmem>>
    %dma_wait3A_255 = tpu.memref_squeeze %dma_wait3A_254 : memref<1x80xi32, #tpu.memory_space<vmem>> -> memref<80xi32, #tpu.memory_space<vmem>>
    %dma_wait3A_256 = arith.constant 0 : i32
    %dma_wait3A_257 = arith.constant 0 : i32
    %dma_wait3A_258 = tpu.memref_slice %arg2[%arg0, %dma_wait3A_256, %dma_wait3A_257] : memref<2x10000x64xf32, #tpu.memory_space<hbm>> -> memref<1x10000x64xf32, #tpu.memory_space<hbm>>
    %dma_wait3A_259 = tpu.memref_squeeze %dma_wait3A_258 : memref<1x10000x64xf32, #tpu.memory_space<hbm>> -> memref<10000x64xf32, #tpu.memory_space<hbm>>
    %dma_wait3A_260 = arith.constant 0 : i32
    %dma_wait3A_261 = arith.constant 0 : i32
    %dma_wait3A_262 = tpu.memref_slice %dma_wait3A_259[%dma_wait3A_260, %dma_wait3A_261] : memref<10000x64xf32, #tpu.memory_space<hbm>> -> memref<10000x64xf32, #tpu.memory_space<hbm>>
    tpu.wait_indirect_dma semaphore(%arg20 : memref<!tpu.dma_semaphore, #tpu.memory_space<semaphore_mem>>) src(%dma_wait3A_262 : memref<10000x64xf32, #tpu.memory_space<hbm>>) dst(%arg12 : memref<80x64xf32, #tpu.memory_space<vmem>>)
    %dma_start3A_263 = arith.constant 244 : i32
    %dma_start3A_264 = arith.constant 0 : i32
    %dma_start3A_265 = tpu.memref_slice %arg7[%dma_start3A_263, %dma_start3A_264] : memref<250x80xi32, #tpu.memory_space<vmem>> -> memref<1x80xi32, #tpu.memory_space<vmem>>
    %dma_start3A_266 = tpu.memref_squeeze %dma_start3A_265 : memref<1x80xi32, #tpu.memory_space<vmem>> -> memref<80xi32, #tpu.memory_space<vmem>>
    %dma_start3A_267 = arith.constant 0 : i32
    %dma_start3A_268 = arith.constant 0 : i32
    %dma_start3A_269 = tpu.memref_slice %arg32[%dma_start3A_267, %dma_start3A_268] : memref<10000x64xf32, #tpu.memory_space<vmem_shared>> -> memref<10000x64xf32, #tpu.memory_space<vmem_shared>>
    tpu.enqueue_indirect_dma source(%arg12 : memref<80x64xf32, #tpu.memory_space<vmem>>) target(%dma_start3A_269 : memref<10000x64xf32, #tpu.memory_space<vmem_shared>>) offsets(%dma_start3A_266 : memref<80xi32, #tpu.memory_space<vmem>>) semaphore(%arg28 : memref<!tpu.dma_semaphore, #tpu.memory_space<semaphore_mem>>) {add = true}
    %dma_wait3A_270 = arith.constant 245 : i32
    %dma_wait3A_271 = arith.constant 0 : i32
    %dma_wait3A_272 = tpu.memref_slice %arg6[%dma_wait3A_270, %dma_wait3A_271] : memref<250x80xi32, #tpu.memory_space<vmem>> -> memref<1x80xi32, #tpu.memory_space<vmem>>
    %dma_wait3A_273 = tpu.memref_squeeze %dma_wait3A_272 : memref<1x80xi32, #tpu.memory_space<vmem>> -> memref<80xi32, #tpu.memory_space<vmem>>
    %dma_wait3A_274 = arith.constant 0 : i32
    %dma_wait3A_275 = arith.constant 0 : i32
    %dma_wait3A_276 = tpu.memref_slice %arg2[%arg0, %dma_wait3A_274, %dma_wait3A_275] : memref<2x10000x64xf32, #tpu.memory_space<hbm>> -> memref<1x10000x64xf32, #tpu.memory_space<hbm>>
    %dma_wait3A_277 = tpu.memref_squeeze %dma_wait3A_276 : memref<1x10000x64xf32, #tpu.memory_space<hbm>> -> memref<10000x64xf32, #tpu.memory_space<hbm>>
    %dma_wait3A_278 = arith.constant 0 : i32
    %dma_wait3A_279 = arith.constant 0 : i32
    %dma_wait3A_280 = tpu.memref_slice %dma_wait3A_277[%dma_wait3A_278, %dma_wait3A_279] : memref<10000x64xf32, #tpu.memory_space<hbm>> -> memref<10000x64xf32, #tpu.memory_space<hbm>>
    tpu.wait_indirect_dma semaphore(%arg21 : memref<!tpu.dma_semaphore, #tpu.memory_space<semaphore_mem>>) src(%dma_wait3A_280 : memref<10000x64xf32, #tpu.memory_space<hbm>>) dst(%arg13 : memref<80x64xf32, #tpu.memory_space<vmem>>)
    %dma_start3A_281 = arith.constant 245 : i32
    %dma_start3A_282 = arith.constant 0 : i32
    %dma_start3A_283 = tpu.memref_slice %arg7[%dma_start3A_281, %dma_start3A_282] : memref<250x80xi32, #tpu.memory_space<vmem>> -> memref<1x80xi32, #tpu.memory_space<vmem>>
    %dma_start3A_284 = tpu.memref_squeeze %dma_start3A_283 : memref<1x80xi32, #tpu.memory_space<vmem>> -> memref<80xi32, #tpu.memory_space<vmem>>
    %dma_start3A_285 = arith.constant 0 : i32
    %dma_start3A_286 = arith.constant 0 : i32
    %dma_start3A_287 = tpu.memref_slice %arg32[%dma_start3A_285, %dma_start3A_286] : memref<10000x64xf32, #tpu.memory_space<vmem_shared>> -> memref<10000x64xf32, #tpu.memory_space<vmem_shared>>
    tpu.enqueue_indirect_dma source(%arg13 : memref<80x64xf32, #tpu.memory_space<vmem>>) target(%dma_start3A_287 : memref<10000x64xf32, #tpu.memory_space<vmem_shared>>) offsets(%dma_start3A_284 : memref<80xi32, #tpu.memory_space<vmem>>) semaphore(%arg29 : memref<!tpu.dma_semaphore, #tpu.memory_space<semaphore_mem>>) {add = true}
    %dma_wait3A_288 = arith.constant 246 : i32
    %dma_wait3A_289 = arith.constant 0 : i32
    %dma_wait3A_290 = tpu.memref_slice %arg6[%dma_wait3A_288, %dma_wait3A_289] : memref<250x80xi32, #tpu.memory_space<vmem>> -> memref<1x80xi32, #tpu.memory_space<vmem>>
    %dma_wait3A_291 = tpu.memref_squeeze %dma_wait3A_290 : memref<1x80xi32, #tpu.memory_space<vmem>> -> memref<80xi32, #tpu.memory_space<vmem>>
    %dma_wait3A_292 = arith.constant 0 : i32
    %dma_wait3A_293 = arith.constant 0 : i32
    %dma_wait3A_294 = tpu.memref_slice %arg2[%arg0, %dma_wait3A_292, %dma_wait3A_293] : memref<2x10000x64xf32, #tpu.memory_space<hbm>> -> memref<1x10000x64xf32, #tpu.memory_space<hbm>>
    %dma_wait3A_295 = tpu.memref_squeeze %dma_wait3A_294 : memref<1x10000x64xf32, #tpu.memory_space<hbm>> -> memref<10000x64xf32, #tpu.memory_space<hbm>>
    %dma_wait3A_296 = arith.constant 0 : i32
    %dma_wait3A_297 = arith.constant 0 : i32
    %dma_wait3A_298 = tpu.memref_slice %dma_wait3A_295[%dma_wait3A_296, %dma_wait3A_297] : memref<10000x64xf32, #tpu.memory_space<hbm>> -> memref<10000x64xf32, #tpu.memory_space<hbm>>
    tpu.wait_indirect_dma semaphore(%arg22 : memref<!tpu.dma_semaphore, #tpu.memory_space<semaphore_mem>>) src(%dma_wait3A_298 : memref<10000x64xf32, #tpu.memory_space<hbm>>) dst(%arg14 : memref<80x64xf32, #tpu.memory_space<vmem>>)
    %dma_start3A_299 = arith.constant 246 : i32
    %dma_start3A_300 = arith.constant 0 : i32
    %dma_start3A_301 = tpu.memref_slice %arg7[%dma_start3A_299, %dma_start3A_300] : memref<250x80xi32, #tpu.memory_space<vmem>> -> memref<1x80xi32, #tpu.memory_space<vmem>>
    %dma_start3A_302 = tpu.memref_squeeze %dma_start3A_301 : memref<1x80xi32, #tpu.memory_space<vmem>> -> memref<80xi32, #tpu.memory_space<vmem>>
    %dma_start3A_303 = arith.constant 0 : i32
    %dma_start3A_304 = arith.constant 0 : i32
    %dma_start3A_305 = tpu.memref_slice %arg32[%dma_start3A_303, %dma_start3A_304] : memref<10000x64xf32, #tpu.memory_space<vmem_shared>> -> memref<10000x64xf32, #tpu.memory_space<vmem_shared>>
    tpu.enqueue_indirect_dma source(%arg14 : memref<80x64xf32, #tpu.memory_space<vmem>>) target(%dma_start3A_305 : memref<10000x64xf32, #tpu.memory_space<vmem_shared>>) offsets(%dma_start3A_302 : memref<80xi32, #tpu.memory_space<vmem>>) semaphore(%arg30 : memref<!tpu.dma_semaphore, #tpu.memory_space<semaphore_mem>>) {add = true}
    %dma_wait3A_306 = arith.constant 247 : i32
    %dma_wait3A_307 = arith.constant 0 : i32
    %dma_wait3A_308 = tpu.memref_slice %arg6[%dma_wait3A_306, %dma_wait3A_307] : memref<250x80xi32, #tpu.memory_space<vmem>> -> memref<1x80xi32, #tpu.memory_space<vmem>>
    %dma_wait3A_309 = tpu.memref_squeeze %dma_wait3A_308 : memref<1x80xi32, #tpu.memory_space<vmem>> -> memref<80xi32, #tpu.memory_space<vmem>>
    %dma_wait3A_310 = arith.constant 0 : i32
    %dma_wait3A_311 = arith.constant 0 : i32
    %dma_wait3A_312 = tpu.memref_slice %arg2[%arg0, %dma_wait3A_310, %dma_wait3A_311] : memref<2x10000x64xf32, #tpu.memory_space<hbm>> -> memref<1x10000x64xf32, #tpu.memory_space<hbm>>
    %dma_wait3A_313 = tpu.memref_squeeze %dma_wait3A_312 : memref<1x10000x64xf32, #tpu.memory_space<hbm>> -> memref<10000x64xf32, #tpu.memory_space<hbm>>
    %dma_wait3A_314 = arith.constant 0 : i32
    %dma_wait3A_315 = arith.constant 0 : i32
    %dma_wait3A_316 = tpu.memref_slice %dma_wait3A_313[%dma_wait3A_314, %dma_wait3A_315] : memref<10000x64xf32, #tpu.memory_space<hbm>> -> memref<10000x64xf32, #tpu.memory_space<hbm>>
    tpu.wait_indirect_dma semaphore(%arg23 : memref<!tpu.dma_semaphore, #tpu.memory_space<semaphore_mem>>) src(%dma_wait3A_316 : memref<10000x64xf32, #tpu.memory_space<hbm>>) dst(%arg15 : memref<80x64xf32, #tpu.memory_space<vmem>>)
    %dma_start3A_317 = arith.constant 247 : i32
    %dma_start3A_318 = arith.constant 0 : i32
    %dma_start3A_319 = tpu.memref_slice %arg7[%dma_start3A_317, %dma_start3A_318] : memref<250x80xi32, #tpu.memory_space<vmem>> -> memref<1x80xi32, #tpu.memory_space<vmem>>
    %dma_start3A_320 = tpu.memref_squeeze %dma_start3A_319 : memref<1x80xi32, #tpu.memory_space<vmem>> -> memref<80xi32, #tpu.memory_space<vmem>>
    %dma_start3A_321 = arith.constant 0 : i32
    %dma_start3A_322 = arith.constant 0 : i32
    %dma_start3A_323 = tpu.memref_slice %arg32[%dma_start3A_321, %dma_start3A_322] : memref<10000x64xf32, #tpu.memory_space<vmem_shared>> -> memref<10000x64xf32, #tpu.memory_space<vmem_shared>>
    tpu.enqueue_indirect_dma source(%arg15 : memref<80x64xf32, #tpu.memory_space<vmem>>) target(%dma_start3A_323 : memref<10000x64xf32, #tpu.memory_space<vmem_shared>>) offsets(%dma_start3A_320 : memref<80xi32, #tpu.memory_space<vmem>>) semaphore(%arg31 : memref<!tpu.dma_semaphore, #tpu.memory_space<semaphore_mem>>) {add = true}
    %dma_wait3A_324 = arith.constant 248 : i32
    %dma_wait3A_325 = arith.constant 0 : i32
    %dma_wait3A_326 = tpu.memref_slice %arg6[%dma_wait3A_324, %dma_wait3A_325] : memref<250x80xi32, #tpu.memory_space<vmem>> -> memref<1x80xi32, #tpu.memory_space<vmem>>
    %dma_wait3A_327 = tpu.memref_squeeze %dma_wait3A_326 : memref<1x80xi32, #tpu.memory_space<vmem>> -> memref<80xi32, #tpu.memory_space<vmem>>
    %dma_wait3A_328 = arith.constant 0 : i32
    %dma_wait3A_329 = arith.constant 0 : i32
    %dma_wait3A_330 = tpu.memref_slice %arg2[%arg0, %dma_wait3A_328, %dma_wait3A_329] : memref<2x10000x64xf32, #tpu.memory_space<hbm>> -> memref<1x10000x64xf32, #tpu.memory_space<hbm>>
    %dma_wait3A_331 = tpu.memref_squeeze %dma_wait3A_330 : memref<1x10000x64xf32, #tpu.memory_space<hbm>> -> memref<10000x64xf32, #tpu.memory_space<hbm>>
    %dma_wait3A_332 = arith.constant 0 : i32
    %dma_wait3A_333 = arith.constant 0 : i32
    %dma_wait3A_334 = tpu.memref_slice %dma_wait3A_331[%dma_wait3A_332, %dma_wait3A_333] : memref<10000x64xf32, #tpu.memory_space<hbm>> -> memref<10000x64xf32, #tpu.memory_space<hbm>>
    tpu.wait_indirect_dma semaphore(%arg16 : memref<!tpu.dma_semaphore, #tpu.memory_space<semaphore_mem>>) src(%dma_wait3A_334 : memref<10000x64xf32, #tpu.memory_space<hbm>>) dst(%arg8 : memref<80x64xf32, #tpu.memory_space<vmem>>)
    %dma_start3A_335 = arith.constant 248 : i32
    %dma_start3A_336 = arith.constant 0 : i32
    %dma_start3A_337 = tpu.memref_slice %arg7[%dma_start3A_335, %dma_start3A_336] : memref<250x80xi32, #tpu.memory_space<vmem>> -> memref<1x80xi32, #tpu.memory_space<vmem>>
    %dma_start3A_338 = tpu.memref_squeeze %dma_start3A_337 : memref<1x80xi32, #tpu.memory_space<vmem>> -> memref<80xi32, #tpu.memory_space<vmem>>
    %dma_start3A_339 = arith.constant 0 : i32
    %dma_start3A_340 = arith.constant 0 : i32
    %dma_start3A_341 = tpu.memref_slice %arg32[%dma_start3A_339, %dma_start3A_340] : memref<10000x64xf32, #tpu.memory_space<vmem_shared>> -> memref<10000x64xf32, #tpu.memory_space<vmem_shared>>
    tpu.enqueue_indirect_dma source(%arg8 : memref<80x64xf32, #tpu.memory_space<vmem>>) target(%dma_start3A_341 : memref<10000x64xf32, #tpu.memory_space<vmem_shared>>) offsets(%dma_start3A_338 : memref<80xi32, #tpu.memory_space<vmem>>) semaphore(%arg24 : memref<!tpu.dma_semaphore, #tpu.memory_space<semaphore_mem>>) {add = true}
    %dma_wait3A_342 = arith.constant 249 : i32
    %dma_wait3A_343 = arith.constant 0 : i32
    %dma_wait3A_344 = tpu.memref_slice %arg6[%dma_wait3A_342, %dma_wait3A_343] : memref<250x80xi32, #tpu.memory_space<vmem>> -> memref<1x80xi32, #tpu.memory_space<vmem>>
    %dma_wait3A_345 = tpu.memref_squeeze %dma_wait3A_344 : memref<1x80xi32, #tpu.memory_space<vmem>> -> memref<80xi32, #tpu.memory_space<vmem>>
    %dma_wait3A_346 = arith.constant 0 : i32
    %dma_wait3A_347 = arith.constant 0 : i32
    %dma_wait3A_348 = tpu.memref_slice %arg2[%arg0, %dma_wait3A_346, %dma_wait3A_347] : memref<2x10000x64xf32, #tpu.memory_space<hbm>> -> memref<1x10000x64xf32, #tpu.memory_space<hbm>>
    %dma_wait3A_349 = tpu.memref_squeeze %dma_wait3A_348 : memref<1x10000x64xf32, #tpu.memory_space<hbm>> -> memref<10000x64xf32, #tpu.memory_space<hbm>>
    %dma_wait3A_350 = arith.constant 0 : i32
    %dma_wait3A_351 = arith.constant 0 : i32
    %dma_wait3A_352 = tpu.memref_slice %dma_wait3A_349[%dma_wait3A_350, %dma_wait3A_351] : memref<10000x64xf32, #tpu.memory_space<hbm>> -> memref<10000x64xf32, #tpu.memory_space<hbm>>
    tpu.wait_indirect_dma semaphore(%arg17 : memref<!tpu.dma_semaphore, #tpu.memory_space<semaphore_mem>>) src(%dma_wait3A_352 : memref<10000x64xf32, #tpu.memory_space<hbm>>) dst(%arg9 : memref<80x64xf32, #tpu.memory_space<vmem>>)
    %dma_start3A_353 = arith.constant 249 : i32
    %dma_start3A_354 = arith.constant 0 : i32
    %dma_start3A_355 = tpu.memref_slice %arg7[%dma_start3A_353, %dma_start3A_354] : memref<250x80xi32, #tpu.memory_space<vmem>> -> memref<1x80xi32, #tpu.memory_space<vmem>>
    %dma_start3A_356 = tpu.memref_squeeze %dma_start3A_355 : memref<1x80xi32, #tpu.memory_space<vmem>> -> memref<80xi32, #tpu.memory_space<vmem>>
    %dma_start3A_357 = arith.constant 0 : i32
    %dma_start3A_358 = arith.constant 0 : i32
    %dma_start3A_359 = tpu.memref_slice %arg32[%dma_start3A_357, %dma_start3A_358] : memref<10000x64xf32, #tpu.memory_space<vmem_shared>> -> memref<10000x64xf32, #tpu.memory_space<vmem_shared>>
    tpu.enqueue_indirect_dma source(%arg9 : memref<80x64xf32, #tpu.memory_space<vmem>>) target(%dma_start3A_359 : memref<10000x64xf32, #tpu.memory_space<vmem_shared>>) offsets(%dma_start3A_356 : memref<80xi32, #tpu.memory_space<vmem>>) semaphore(%arg25 : memref<!tpu.dma_semaphore, #tpu.memory_space<semaphore_mem>>) {add = true}
    %dma_wait3A_360 = arith.constant 242 : i32
    %dma_wait3A_361 = arith.constant 0 : i32
    %dma_wait3A_362 = tpu.memref_slice %arg7[%dma_wait3A_360, %dma_wait3A_361] : memref<250x80xi32, #tpu.memory_space<vmem>> -> memref<1x80xi32, #tpu.memory_space<vmem>>
    %dma_wait3A_363 = tpu.memref_squeeze %dma_wait3A_362 : memref<1x80xi32, #tpu.memory_space<vmem>> -> memref<80xi32, #tpu.memory_space<vmem>>
    %dma_wait3A_364 = arith.constant 0 : i32
    %dma_wait3A_365 = arith.constant 0 : i32
    %dma_wait3A_366 = tpu.memref_slice %arg32[%dma_wait3A_364, %dma_wait3A_365] : memref<10000x64xf32, #tpu.memory_space<vmem_shared>> -> memref<10000x64xf32, #tpu.memory_space<vmem_shared>>
    tpu.wait_indirect_dma semaphore(%arg26 : memref<!tpu.dma_semaphore, #tpu.memory_space<semaphore_mem>>) src(%arg10 : memref<80x64xf32, #tpu.memory_space<vmem>>) dst(%dma_wait3A_366 : memref<10000x64xf32, #tpu.memory_space<vmem_shared>>)
    %dma_wait3A_367 = arith.constant 243 : i32
    %dma_wait3A_368 = arith.constant 0 : i32
    %dma_wait3A_369 = tpu.memref_slice %arg7[%dma_wait3A_367, %dma_wait3A_368] : memref<250x80xi32, #tpu.memory_space<vmem>> -> memref<1x80xi32, #tpu.memory_space<vmem>>
    %dma_wait3A_370 = tpu.memref_squeeze %dma_wait3A_369 : memref<1x80xi32, #tpu.memory_space<vmem>> -> memref<80xi32, #tpu.memory_space<vmem>>
    %dma_wait3A_371 = arith.constant 0 : i32
    %dma_wait3A_372 = arith.constant 0 : i32
    %dma_wait3A_373 = tpu.memref_slice %arg32[%dma_wait3A_371, %dma_wait3A_372] : memref<10000x64xf32, #tpu.memory_space<vmem_shared>> -> memref<10000x64xf32, #tpu.memory_space<vmem_shared>>
    tpu.wait_indirect_dma semaphore(%arg27 : memref<!tpu.dma_semaphore, #tpu.memory_space<semaphore_mem>>) src(%arg11 : memref<80x64xf32, #tpu.memory_space<vmem>>) dst(%dma_wait3A_373 : memref<10000x64xf32, #tpu.memory_space<vmem_shared>>)
    %dma_wait3A_374 = arith.constant 244 : i32
    %dma_wait3A_375 = arith.constant 0 : i32
    %dma_wait3A_376 = tpu.memref_slice %arg7[%dma_wait3A_374, %dma_wait3A_375] : memref<250x80xi32, #tpu.memory_space<vmem>> -> memref<1x80xi32, #tpu.memory_space<vmem>>
    %dma_wait3A_377 = tpu.memref_squeeze %dma_wait3A_376 : memref<1x80xi32, #tpu.memory_space<vmem>> -> memref<80xi32, #tpu.memory_space<vmem>>
    %dma_wait3A_378 = arith.constant 0 : i32
    %dma_wait3A_379 = arith.constant 0 : i32
    %dma_wait3A_380 = tpu.memref_slice %arg32[%dma_wait3A_378, %dma_wait3A_379] : memref<10000x64xf32, #tpu.memory_space<vmem_shared>> -> memref<10000x64xf32, #tpu.memory_space<vmem_shared>>
    tpu.wait_indirect_dma semaphore(%arg28 : memref<!tpu.dma_semaphore, #tpu.memory_space<semaphore_mem>>) src(%arg12 : memref<80x64xf32, #tpu.memory_space<vmem>>) dst(%dma_wait3A_380 : memref<10000x64xf32, #tpu.memory_space<vmem_shared>>)
    %dma_wait3A_381 = arith.constant 245 : i32
    %dma_wait3A_382 = arith.constant 0 : i32
    %dma_wait3A_383 = tpu.memref_slice %arg7[%dma_wait3A_381, %dma_wait3A_382] : memref<250x80xi32, #tpu.memory_space<vmem>> -> memref<1x80xi32, #tpu.memory_space<vmem>>
    %dma_wait3A_384 = tpu.memref_squeeze %dma_wait3A_383 : memref<1x80xi32, #tpu.memory_space<vmem>> -> memref<80xi32, #tpu.memory_space<vmem>>
    %dma_wait3A_385 = arith.constant 0 : i32
    %dma_wait3A_386 = arith.constant 0 : i32
    %dma_wait3A_387 = tpu.memref_slice %arg32[%dma_wait3A_385, %dma_wait3A_386] : memref<10000x64xf32, #tpu.memory_space<vmem_shared>> -> memref<10000x64xf32, #tpu.memory_space<vmem_shared>>
    tpu.wait_indirect_dma semaphore(%arg29 : memref<!tpu.dma_semaphore, #tpu.memory_space<semaphore_mem>>) src(%arg13 : memref<80x64xf32, #tpu.memory_space<vmem>>) dst(%dma_wait3A_387 : memref<10000x64xf32, #tpu.memory_space<vmem_shared>>)
    %dma_wait3A_388 = arith.constant 246 : i32
    %dma_wait3A_389 = arith.constant 0 : i32
    %dma_wait3A_390 = tpu.memref_slice %arg7[%dma_wait3A_388, %dma_wait3A_389] : memref<250x80xi32, #tpu.memory_space<vmem>> -> memref<1x80xi32, #tpu.memory_space<vmem>>
    %dma_wait3A_391 = tpu.memref_squeeze %dma_wait3A_390 : memref<1x80xi32, #tpu.memory_space<vmem>> -> memref<80xi32, #tpu.memory_space<vmem>>
    %dma_wait3A_392 = arith.constant 0 : i32
    %dma_wait3A_393 = arith.constant 0 : i32
    %dma_wait3A_394 = tpu.memref_slice %arg32[%dma_wait3A_392, %dma_wait3A_393] : memref<10000x64xf32, #tpu.memory_space<vmem_shared>> -> memref<10000x64xf32, #tpu.memory_space<vmem_shared>>
    tpu.wait_indirect_dma semaphore(%arg30 : memref<!tpu.dma_semaphore, #tpu.memory_space<semaphore_mem>>) src(%arg14 : memref<80x64xf32, #tpu.memory_space<vmem>>) dst(%dma_wait3A_394 : memref<10000x64xf32, #tpu.memory_space<vmem_shared>>)
    %dma_wait3A_395 = arith.constant 247 : i32
    %dma_wait3A_396 = arith.constant 0 : i32
    %dma_wait3A_397 = tpu.memref_slice %arg7[%dma_wait3A_395, %dma_wait3A_396] : memref<250x80xi32, #tpu.memory_space<vmem>> -> memref<1x80xi32, #tpu.memory_space<vmem>>
    %dma_wait3A_398 = tpu.memref_squeeze %dma_wait3A_397 : memref<1x80xi32, #tpu.memory_space<vmem>> -> memref<80xi32, #tpu.memory_space<vmem>>
    %dma_wait3A_399 = arith.constant 0 : i32
    %dma_wait3A_400 = arith.constant 0 : i32
    %dma_wait3A_401 = tpu.memref_slice %arg32[%dma_wait3A_399, %dma_wait3A_400] : memref<10000x64xf32, #tpu.memory_space<vmem_shared>> -> memref<10000x64xf32, #tpu.memory_space<vmem_shared>>
    tpu.wait_indirect_dma semaphore(%arg31 : memref<!tpu.dma_semaphore, #tpu.memory_space<semaphore_mem>>) src(%arg15 : memref<80x64xf32, #tpu.memory_space<vmem>>) dst(%dma_wait3A_401 : memref<10000x64xf32, #tpu.memory_space<vmem_shared>>)
    %dma_wait3A_402 = arith.constant 248 : i32
    %dma_wait3A_403 = arith.constant 0 : i32
    %dma_wait3A_404 = tpu.memref_slice %arg7[%dma_wait3A_402, %dma_wait3A_403] : memref<250x80xi32, #tpu.memory_space<vmem>> -> memref<1x80xi32, #tpu.memory_space<vmem>>
    %dma_wait3A_405 = tpu.memref_squeeze %dma_wait3A_404 : memref<1x80xi32, #tpu.memory_space<vmem>> -> memref<80xi32, #tpu.memory_space<vmem>>
    %dma_wait3A_406 = arith.constant 0 : i32
    %dma_wait3A_407 = arith.constant 0 : i32
    %dma_wait3A_408 = tpu.memref_slice %arg32[%dma_wait3A_406, %dma_wait3A_407] : memref<10000x64xf32, #tpu.memory_space<vmem_shared>> -> memref<10000x64xf32, #tpu.memory_space<vmem_shared>>
    tpu.wait_indirect_dma semaphore(%arg24 : memref<!tpu.dma_semaphore, #tpu.memory_space<semaphore_mem>>) src(%arg8 : memref<80x64xf32, #tpu.memory_space<vmem>>) dst(%dma_wait3A_408 : memref<10000x64xf32, #tpu.memory_space<vmem_shared>>)
    %dma_wait3A_409 = arith.constant 249 : i32
    %dma_wait3A_410 = arith.constant 0 : i32
    %dma_wait3A_411 = tpu.memref_slice %arg7[%dma_wait3A_409, %dma_wait3A_410] : memref<250x80xi32, #tpu.memory_space<vmem>> -> memref<1x80xi32, #tpu.memory_space<vmem>>
    %dma_wait3A_412 = tpu.memref_squeeze %dma_wait3A_411 : memref<1x80xi32, #tpu.memory_space<vmem>> -> memref<80xi32, #tpu.memory_space<vmem>>
    %dma_wait3A_413 = arith.constant 0 : i32
    %dma_wait3A_414 = arith.constant 0 : i32
    %dma_wait3A_415 = tpu.memref_slice %arg32[%dma_wait3A_413, %dma_wait3A_414] : memref<10000x64xf32, #tpu.memory_space<vmem_shared>> -> memref<10000x64xf32, #tpu.memory_space<vmem_shared>>
    tpu.wait_indirect_dma semaphore(%arg25 : memref<!tpu.dma_semaphore, #tpu.memory_space<semaphore_mem>>) src(%arg9 : memref<80x64xf32, #tpu.memory_space<vmem>>) dst(%dma_wait3A_415 : memref<10000x64xf32, #tpu.memory_space<vmem_shared>>)
    %barrier3A_416 = arith.constant 0 : index
    tpu.barrier barrier_id(%barrier3A_416)
    %mul3A_417 = arith.constant 624 : i32
    %mul3A_418 = arith.muli %arg1, %mul3A_417 : i32
    %mul3A_419 = arith.constant 624 : i32
    %mul3A_420 = arith.muli %arg1, %mul3A_419 : i32
    "tpu.region"() ({
      %run_scoped3A = tpu.sem_alloc : memref<!tpu.dma_semaphore, #tpu.memory_space<semaphore_mem>>
      %dma_start3A_426 = arith.constant 0 : i32
      %dma_start3A_427 = arith.constant 0 : i32
      %dma_start3A_428 = tpu.memref_slice %arg5[%arg0, %dma_start3A_426, %dma_start3A_427] : memref<2x10000x64xf32, #tpu.memory_space<hbm>> -> memref<1x10000x64xf32, #tpu.memory_space<hbm>>
      %dma_start3A_429 = tpu.memref_squeeze %dma_start3A_428 : memref<1x10000x64xf32, #tpu.memory_space<hbm>> -> memref<10000x64xf32, #tpu.memory_space<hbm>>
      %dma_start3A_430 = arith.constant 0 : i32
      %dma_start3A_431 = tpu.memref_slice %dma_start3A_429[%mul3A_420, %dma_start3A_430] : memref<10000x64xf32, #tpu.memory_space<hbm>> -> memref<624x64xf32, #tpu.memory_space<hbm>>
      %dma_start3A_432 = arith.constant 0 : i32
      %dma_start3A_433 = tpu.memref_slice %arg32[%mul3A_418, %dma_start3A_432] : memref<10000x64xf32, #tpu.memory_space<vmem_shared>> -> memref<624x64xf32, #tpu.memory_space<vmem_shared>>
      tpu.enqueue_dma source(%dma_start3A_433 : memref<624x64xf32, #tpu.memory_space<vmem_shared>>) target(%dma_start3A_431 : memref<624x64xf32, #tpu.memory_space<hbm>>) target_semaphore(%run_scoped3A : memref<!tpu.dma_semaphore, #tpu.memory_space<semaphore_mem>>)
      %dma_wait3A_434 = arith.constant 0 : i32
      %dma_wait3A_435 = arith.constant 0 : i32
      %dma_wait3A_436 = tpu.memref_slice %arg5[%arg0, %dma_wait3A_434, %dma_wait3A_435] : memref<2x10000x64xf32, #tpu.memory_space<hbm>> -> memref<1x10000x64xf32, #tpu.memory_space<hbm>>
      %dma_wait3A_437 = tpu.memref_squeeze %dma_wait3A_436 : memref<1x10000x64xf32, #tpu.memory_space<hbm>> -> memref<10000x64xf32, #tpu.memory_space<hbm>>
      %dma_wait3A_438 = arith.constant 0 : i32
      %dma_wait3A_439 = tpu.memref_slice %dma_wait3A_437[%mul3A_420, %dma_wait3A_438] : memref<10000x64xf32, #tpu.memory_space<hbm>> -> memref<624x64xf32, #tpu.memory_space<hbm>>
      %dma_wait3A_440 = arith.constant 0 : i32
      %dma_wait3A_441 = tpu.memref_slice %arg32[%mul3A_418, %dma_wait3A_440] : memref<10000x64xf32, #tpu.memory_space<vmem_shared>> -> memref<624x64xf32, #tpu.memory_space<vmem_shared>>
      tpu.wait_dma2 semaphore(%run_scoped3A : memref<!tpu.dma_semaphore, #tpu.memory_space<semaphore_mem>>) src(%dma_wait3A_441 : memref<624x64xf32, #tpu.memory_space<vmem_shared>>) dst(%dma_wait3A_439 : memref<624x64xf32, #tpu.memory_space<hbm>>)
      tpu.yield
    }) : () -> ()
    %eq3A_421 = arith.constant 15 : i32
    %eq3A_422 = arith.cmpi eq, %arg1, %eq3A_421 : i32
    %convert_element_type3A_423 = arith.extui %eq3A_422 : i1 to i32
    %cond3A_424 = arith.constant 0 : i32
    %cond3A_425 = arith.cmpi ne, %convert_element_type3A_423, %cond3A_424 : i32
    scf.if %cond3A_425 {
      "tpu.region"() ({
        %run_scoped3A = tpu.sem_alloc : memref<!tpu.dma_semaphore, #tpu.memory_space<semaphore_mem>>
        %dma_start3A_426 = arith.constant 0 : i32
        %dma_start3A_427 = arith.constant 0 : i32
        %dma_start3A_428 = tpu.memref_slice %arg5[%arg0, %dma_start3A_426, %dma_start3A_427] : memref<2x10000x64xf32, #tpu.memory_space<hbm>> -> memref<1x10000x64xf32, #tpu.memory_space<hbm>>
        %dma_start3A_429 = tpu.memref_squeeze %dma_start3A_428 : memref<1x10000x64xf32, #tpu.memory_space<hbm>> -> memref<10000x64xf32, #tpu.memory_space<hbm>>
        %dma_start3A_430 = arith.constant 9984 : i32
        %dma_start3A_431 = arith.constant 0 : i32
        %dma_start3A_432 = tpu.memref_slice %dma_start3A_429[%dma_start3A_430, %dma_start3A_431] : memref<10000x64xf32, #tpu.memory_space<hbm>> -> memref<16x64xf32, #tpu.memory_space<hbm>>
        %dma_start3A_433 = arith.constant 9984 : i32
        %dma_start3A_434 = arith.constant 0 : i32
        %dma_start3A_435 = tpu.memref_slice %arg32[%dma_start3A_433, %dma_start3A_434] : memref<10000x64xf32, #tpu.memory_space<vmem_shared>> -> memref<16x64xf32, #tpu.memory_space<vmem_shared>>
        tpu.enqueue_dma source(%dma_start3A_435 : memref<16x64xf32, #tpu.memory_space<vmem_shared>>) target(%dma_start3A_432 : memref<16x64xf32, #tpu.memory_space<hbm>>) target_semaphore(%run_scoped3A : memref<!tpu.dma_semaphore, #tpu.memory_space<semaphore_mem>>)
        %dma_wait3A_436 = arith.constant 0 : i32
        %dma_wait3A_437 = arith.constant 0 : i32
        %dma_wait3A_438 = tpu.memref_slice %arg5[%arg0, %dma_wait3A_436, %dma_wait3A_437] : memref<2x10000x64xf32, #tpu.memory_space<hbm>> -> memref<1x10000x64xf32, #tpu.memory_space<hbm>>
        %dma_wait3A_439 = tpu.memref_squeeze %dma_wait3A_438 : memref<1x10000x64xf32, #tpu.memory_space<hbm>> -> memref<10000x64xf32, #tpu.memory_space<hbm>>
        %dma_wait3A_440 = arith.constant 9984 : i32
        %dma_wait3A_441 = arith.constant 0 : i32
        %dma_wait3A_442 = tpu.memref_slice %dma_wait3A_439[%dma_wait3A_440, %dma_wait3A_441] : memref<10000x64xf32, #tpu.memory_space<hbm>> -> memref<16x64xf32, #tpu.memory_space<hbm>>
        %dma_wait3A_443 = arith.constant 9984 : i32
        %dma_wait3A_444 = arith.constant 0 : i32
        %dma_wait3A_445 = tpu.memref_slice %arg32[%dma_wait3A_443, %dma_wait3A_444] : memref<10000x64xf32, #tpu.memory_space<vmem_shared>> -> memref<16x64xf32, #tpu.memory_space<vmem_shared>>
        tpu.wait_dma2 semaphore(%run_scoped3A : memref<!tpu.dma_semaphore, #tpu.memory_space<semaphore_mem>>) src(%dma_wait3A_445 : memref<16x64xf32, #tpu.memory_space<vmem_shared>>) dst(%dma_wait3A_442 : memref<16x64xf32, #tpu.memory_space<hbm>>)
        tpu.yield
      }) : () -> ()
    } else {
    }
    return
  }
}

module attributes {stable_mosaic.version = 14 : i64} {
  func.func @_mm_body(%arg0: i32, %arg1: memref<2000x128xf32, #tpu.memory_space<vmem>>, %arg2: memref<128x128xf32, #tpu.memory_space<vmem>>, %arg3: memref<2x2000x1xf32, #tpu.memory_space<vmem>>, %arg4: memref<2x2000x64xf32, #tpu.memory_space<vmem>>) attributes {dimension_semantics = [#tpu.dimension_semantics<arbitrary>], iteration_bounds = array<i64: 5>, scalar_prefetch = 0 : i64, scratch_operands = 0 : i64, tpu.core_type = #tpu.core_type<tc>, window_params = [{transform_indices = @transform_0, window_bounds = array<i64: 2000, 128>}, {pipeline_mode = #tpu.pipeline_mode<synchronous>, transform_indices = @transform_1, window_bounds = array<i64: 128, 128>}, {transform_indices = @transform_2, window_bounds = array<i64: 2, 2000, 1>}, {transform_indices = @transform_3, window_bounds = array<i64: 2, 2000, 64>}]} {
    %get3A = arith.constant 0 : index
    %get3A_0 = arith.constant 0 : index
    %get3A_1 = arith.constant 0 : index
    %get3A_2 = vector.load %arg3[%get3A, %get3A_0, %get3A_1] : memref<2x2000x1xf32, #tpu.memory_space<vmem>>, vector<1x2000x1xf32>
    %get3A_3 = vector.shape_cast %get3A_2 : vector<1x2000x1xf32> to vector<2000x1xf32>
    %get3A_4 = arith.constant 1 : index
    %get3A_5 = arith.constant 0 : index
    %get3A_6 = arith.constant 0 : index
    %get3A_7 = vector.load %arg3[%get3A_4, %get3A_5, %get3A_6] : memref<2x2000x1xf32, #tpu.memory_space<vmem>>, vector<1x2000x1xf32>
    %get3A_8 = vector.shape_cast %get3A_7 : vector<1x2000x1xf32> to vector<2000x1xf32>
    %add3A = arith.addf %get3A_3, %get3A_8 : vector<2000x1xf32>
    %sub3A = arith.constant 1.000000e+00 : f32
    %sub3A_9 = vector.broadcast %sub3A : f32 to vector<2000x1xf32>
    %sub3A_10 = arith.subf %add3A, %sub3A_9 : vector<2000x1xf32>
    %rsqrt3A = math.rsqrt %sub3A_10 : vector<2000x1xf32>
    %get3A_11 = arith.constant 0 : index
    %get3A_12 = arith.constant 0 : index
    %get3A_13 = vector.load %arg1[%get3A_11, %get3A_12] : memref<2000x128xf32, #tpu.memory_space<vmem>>, vector<2000x128xf32>
    %get3A_14 = arith.constant 0 : index
    %get3A_15 = arith.constant 0 : index
    %get3A_16 = vector.load %arg2[%get3A_14, %get3A_15] : memref<128x128xf32, #tpu.memory_space<vmem>>, vector<128x128xf32>
    %dot_general3A = arith.constant dense<0.000000e+00> : vector<2000x128xf32>
    %dot_general3A_17 = tpu.matmul %get3A_13, %get3A_16, %dot_general3A {dimension_numbers = #tpu.dot_dimension_numbers<[1], [0], [0], [1], [0, 0, 1, 1], [], []>, transpose_lhs_hint = false} : vector<2000x128xf32>, vector<128x128xf32>, vector<2000x128xf32> -> vector<2000x128xf32>
    %mul3A = vector.broadcast %rsqrt3A : vector<2000x1xf32> to vector<2000x128xf32>
    %mul3A_18 = arith.mulf %dot_general3A_17, %mul3A : vector<2000x128xf32>
    %slice3A = vector.extract_strided_slice %mul3A_18 {offsets = [0, 0], sizes = [2000, 64], strides = [1, 1]} : vector<2000x128xf32> to vector<2000x64xf32>
    %swap3A = arith.constant 0 : index
    %swap3A_19 = arith.constant 0 : index
    %swap3A_20 = arith.constant 0 : index
    %swap3A_21 = vector.load %arg4[%swap3A, %swap3A_19, %swap3A_20] : memref<2x2000x64xf32, #tpu.memory_space<vmem>>, vector<1x2000x64xf32>
    %swap3A_22 = vector.shape_cast %swap3A_21 : vector<1x2000x64xf32> to vector<2000x64xf32>
    %swap3A_23 = vector.shape_cast %slice3A : vector<2000x64xf32> to vector<1x2000x64xf32>
    tpu.vector_store %arg4[%swap3A, %swap3A_19, %swap3A_20], %swap3A_23 {strides = array<i32>} : memref<2x2000x64xf32, #tpu.memory_space<vmem>>, vector<1x2000x64xf32>,
    %slice3A_24 = vector.extract_strided_slice %mul3A_18 {offsets = [0, 64], sizes = [2000, 64], strides = [1, 1]} : vector<2000x128xf32> to vector<2000x64xf32>
    %swap3A_25 = arith.constant 1 : index
    %swap3A_26 = arith.constant 0 : index
    %swap3A_27 = arith.constant 0 : index
    %swap3A_28 = vector.load %arg4[%swap3A_25, %swap3A_26, %swap3A_27] : memref<2x2000x64xf32, #tpu.memory_space<vmem>>, vector<1x2000x64xf32>
    %swap3A_29 = vector.shape_cast %swap3A_28 : vector<1x2000x64xf32> to vector<2000x64xf32>
    %swap3A_30 = vector.shape_cast %slice3A_24 : vector<2000x64xf32> to vector<1x2000x64xf32>
    tpu.vector_store %arg4[%swap3A_25, %swap3A_26, %swap3A_27], %swap3A_30 {strides = array<i32>} : memref<2x2000x64xf32, #tpu.memory_space<vmem>>, vector<1x2000x64xf32>,
    return
  }
  func.func @transform_0(%arg0: i32) -> (i32, i32) {
    %c0_i32 = arith.constant 0 : i32
    %c0_i32_0 = arith.constant 0 : i32
    return %arg0, %c0_i32 : i32, i32
  }
  func.func @transform_1(%arg0: i32) -> (i32, i32) {
    %c0_i32 = arith.constant 0 : i32
    %c0_i32_0 = arith.constant 0 : i32
    %c0_i32_1 = arith.constant 0 : i32
    return %c0_i32, %c0_i32_0 : i32, i32
  }
  func.func @transform_2(%arg0: i32) -> (i32, i32, i32) {
    %c0_i32 = arith.constant 0 : i32
    %c0_i32_0 = arith.constant 0 : i32
    %c0_i32_1 = arith.constant 0 : i32
    return %c0_i32, %arg0, %c0_i32_0 : i32, i32, i32
  }
  func.func @transform_3(%arg0: i32) -> (i32, i32, i32) {
    %c0_i32 = arith.constant 0 : i32
    %c0_i32_0 = arith.constant 0 : i32
    %c0_i32_1 = arith.constant 0 : i32
    return %c0_i32, %arg0, %c0_i32_0 : i32, i32, i32
  }
}

module attributes {stable_mosaic.version = 14 : i64} {
  func.func @_comb_body(%arg0: i32, %arg1: memref<2x2000x64xf32, #tpu.memory_space<vmem>>, %arg2: memref<2x2000x1xf32, #tpu.memory_space<vmem>>, %arg3: memref<1x128xf32, #tpu.memory_space<vmem>>, %arg4: memref<2000x128xf32, #tpu.memory_space<vmem>>) attributes {dimension_semantics = [#tpu.dimension_semantics<arbitrary>], iteration_bounds = array<i64: 5>, scalar_prefetch = 0 : i64, scratch_operands = 0 : i64, tpu.core_type = #tpu.core_type<tc>, window_params = [{transform_indices = @transform_0, window_bounds = array<i64: 2, 2000, 64>}, {transform_indices = @transform_1, window_bounds = array<i64: 2, 2000, 1>}, {pipeline_mode = #tpu.pipeline_mode<synchronous>, transform_indices = @transform_2, window_bounds = array<i64: 1, 128>}, {transform_indices = @transform_3, window_bounds = array<i64: 2000, 128>}]} {
    %get3A = arith.constant 0 : index
    %get3A_0 = arith.constant 0 : index
    %get3A_1 = arith.constant 0 : index
    %get3A_2 = vector.load %arg2[%get3A, %get3A_0, %get3A_1] : memref<2x2000x1xf32, #tpu.memory_space<vmem>>, vector<1x2000x1xf32>
    %get3A_3 = vector.shape_cast %get3A_2 : vector<1x2000x1xf32> to vector<2000x1xf32>
    %get3A_4 = arith.constant 1 : index
    %get3A_5 = arith.constant 0 : index
    %get3A_6 = arith.constant 0 : index
    %get3A_7 = vector.load %arg2[%get3A_4, %get3A_5, %get3A_6] : memref<2x2000x1xf32, #tpu.memory_space<vmem>>, vector<1x2000x1xf32>
    %get3A_8 = vector.shape_cast %get3A_7 : vector<1x2000x1xf32> to vector<2000x1xf32>
    %add3A = arith.addf %get3A_3, %get3A_8 : vector<2000x1xf32>
    %sub3A = arith.constant 1.000000e+00 : f32
    %sub3A_9 = vector.broadcast %sub3A : f32 to vector<2000x1xf32>
    %sub3A_10 = arith.subf %add3A, %sub3A_9 : vector<2000x1xf32>
    %rsqrt3A = math.rsqrt %sub3A_10 : vector<2000x1xf32>
    %get3A_11 = arith.constant 0 : index
    %get3A_12 = arith.constant 0 : index
    %get3A_13 = arith.constant 0 : index
    %get3A_14 = vector.load %arg1[%get3A_11, %get3A_12, %get3A_13] : memref<2x2000x64xf32, #tpu.memory_space<vmem>>, vector<1x2000x64xf32>
    %get3A_15 = vector.shape_cast %get3A_14 : vector<1x2000x64xf32> to vector<2000x64xf32>
    %get3A_16 = arith.constant 1 : index
    %get3A_17 = arith.constant 0 : index
    %get3A_18 = arith.constant 0 : index
    %get3A_19 = vector.load %arg1[%get3A_16, %get3A_17, %get3A_18] : memref<2x2000x64xf32, #tpu.memory_space<vmem>>, vector<1x2000x64xf32>
    %get3A_20 = vector.shape_cast %get3A_19 : vector<1x2000x64xf32> to vector<2000x64xf32>
    %concatenate3A = tpu.concatenate %get3A_15, %get3A_20 in 1 : vector<2000x64xf32>, vector<2000x64xf32> -> vector<2000x128xf32>
    %mul3A = vector.broadcast %rsqrt3A : vector<2000x1xf32> to vector<2000x128xf32>
    %mul3A_21 = arith.mulf %concatenate3A, %mul3A : vector<2000x128xf32>
    %get3A_22 = arith.constant 0 : index
    %get3A_23 = arith.constant 0 : index
    %get3A_24 = vector.load %arg3[%get3A_22, %get3A_23] : memref<1x128xf32, #tpu.memory_space<vmem>>, vector<1x128xf32>
    %add3A_25 = vector.broadcast %get3A_24 : vector<1x128xf32> to vector<2000x128xf32>
    %add3A_26 = arith.addf %mul3A_21, %add3A_25 : vector<2000x128xf32>
    %swap3A = arith.constant 0 : index
    %swap3A_27 = arith.constant 0 : index
    %swap3A_28 = vector.load %arg4[%swap3A, %swap3A_27] : memref<2000x128xf32, #tpu.memory_space<vmem>>, vector<2000x128xf32>
    tpu.vector_store %arg4[%swap3A, %swap3A_27], %add3A_26 {strides = array<i32>} : memref<2000x128xf32, #tpu.memory_space<vmem>>, vector<2000x128xf32>,
    return
  }
  func.func @transform_0(%arg0: i32) -> (i32, i32, i32) {
    %c0_i32 = arith.constant 0 : i32
    %c0_i32_0 = arith.constant 0 : i32
    %c0_i32_1 = arith.constant 0 : i32
    return %c0_i32, %arg0, %c0_i32_0 : i32, i32, i32
  }
  func.func @transform_1(%arg0: i32) -> (i32, i32, i32) {
    %c0_i32 = arith.constant 0 : i32
    %c0_i32_0 = arith.constant 0 : i32
    %c0_i32_1 = arith.constant 0 : i32
    return %c0_i32, %arg0, %c0_i32_0 : i32, i32, i32
  }
  func.func @transform_2(%arg0: i32) -> (i32, i32) {
    %c0_i32 = arith.constant 0 : i32
    %c0_i32_0 = arith.constant 0 : i32
    %c0_i32_1 = arith.constant 0 : i32
    return %c0_i32, %c0_i32_0 : i32, i32
  }
  func.func @transform_3(%arg0: i32) -> (i32, i32) {
    %c0_i32 = arith.constant 0 : i32
    %c0_i32_0 = arith.constant 0 : i32
    return %arg0, %c0_i32 : i32, i32
  }
}

</mosaic_0001>

<sc_bundles>
// kernel: kernel.6.cloned.1.call-start
scs
__scs_entry_jumppad:
0x0: {  	(pc) =	sbr.rel $0x88, $3  }
0x1: {  	(tag) =	ssettag $0x0;
	lr =	simm.s32 $0x1  }
0x2: {  	[smem:$0x3F9D] =	sst lr;
	_ =	strace $0xD0000000  }
0x3: {  	_ = 	snop  }
0x4: {  	_ = 	snop  }
0x5: {  	_ = 	snop  }
0x6: {  	_ = 	snop  }
0x7: {  	_ = 	snop  }
__scs_overlays_trampoline_lowered:
0x8: {  	[smem:$0x3FAC] =	sst s0  }
0x9: {  	[smem:$0x3FAD] =	sst s1  }
0xa: {  	[smem:$0x3FAE] =	sst s2  }
0xb: {  	[smem:$0x3FAF] =	sst s3  }
0xc: {  	[smem:$0x3FB0] =	sst s4  }
0xd: {  	[smem:$0x3FB1] =	sst s5  }
0xe: {  	[smem:$0x3FB2] =	sst s6  }
0xf: {  	[smem:$0x3FB3] =	sst s7  }
0x10: {  	[smem:$0x3FB4] =	sst s8  }
0x11: {  	[smem:$0x3FB5] =	sst s9;
	s0 =	simm.s32 @!p0 $0x0  }
0x12: {  	s1 =	sld [smem:$0x3F9B];
	s0 =	simm.s32 @p0 $0x1  }
0x13: {  	[smem:$0x3FB6] =	sst s0;
	s0 =	simm.s32 @!p1 $0x0  }
0x14: {  	s2 =	sld [smem:$0x3F9A];
	s0 =	simm.s32 @p1 $0x1  }
0x15: {  	[smem:$0x3FB7] =	sst s0;
	s0 =	simm.s32 @!p2 $0x0  }
0x16: {  	s3 =	sld [smem:$0x3FDB];
	s0 =	simm.s32 @p2 $0x1  }
0x17: {  	s4 =	simm.s32 $0x1BF5;
	[smem:$0x3FB9] =	sst s0  }
0x18: {  	s0 =	sld [smem:$0x3F9C];
	_ =	swait.ge [sflag:s4], $0x0  }
0x19: {  	s7 =	sld [smem:$0x3F9D]  }
0x1a: {  	s8 =	sadd.s32 $0xFFFFE003, lr  }
0x1b: {  	s9 =	sadd.s32 $0xFFFFFEF7, lr;
	s5 =	simm.s32 $0xFFFFFFFF;
	p2 =	slt.u32 s8, $0xFFFFF086  }
0x1c: {  	p1 =	slt.u32 s9, $0xF7A;
	s5 =	simm.s32 @!p2 $0x0  }
0x1d: {  	s5 =	simm.s32 @p1 $0x1;
	p0 =	seq.s32 s7, s2  }
0x1e: {  	s7 =	smul.u32 @!p0 $0xF7A, s2;
	p2 =	seq.s32 @!p0 s5, $0x0  }
0x1f: {  	s9 =	smul.u32 $0xF7A, s1;
	s8 =	simm.s32 @!p0 $0x1BF5;
	p2 =	por !p2, p0  }
0x20: {  	[sflag:s8] =	ssyncset.s32 @!p0 $0xFFFFF086;
	s6 =	sadd.s32 @!p0 s3, s7;
	s7 =	simm.s32 @!p0 $0x108  }
0x21: {  	s3 =	sadd.s32 s3, s9;
	s6 =	sadd.s32 @!p0 $0x88, s6;
	s7 =	simm.s32 @p2 $0x1082  }
0x22: {  	[simem:s7], [sflag:s8] =	dma.local @!p0 [hbm:s6], $0xF7A  }
0x23: {  	s9 =	sor.u32 $0xD0000000, s2;
	s6 =	simm.s32 $0x108;
	_ =	swait.ge @!p0 [sflag:s8], $0x0  }
0x24: {  	s3 =	sadd.s32 $0x88, s3;
	s6 =	simm.s32 @!p1 $0x1082;
	[sflag:s4] =	ssyncset.s32 $0xFFFFF086  }
0x25: {  	[simem:s6], [sflag:s4] =	dma.local [hbm:s3], $0xF7A  }
0x26: {  	[smem:$0x3F9D] =	sst s1;
	(tag) =	ssettag s2;
	_ =	strace s9  }
0x27: {  	s1 =	sld [smem:$0x3FAD]  }
0x28: {  	s2 =	sld [smem:$0x3FAE]  }
0x29: {  	s4 =	sld [smem:$0x3FB0]  }
0x2a: {  	p0 =	seq.s32 s5, $0x0;
	s5 =	sld [smem:$0x3FB1]  }
0x2b: {  	s6 =	sld [smem:$0x3FB2]  }
0x2c: {  	s7 =	sld [smem:$0x3FB3]  }
0x2d: {  	s3 =	simm.s32 $0x108;
	s8 =	sld [smem:$0x3FB4]  }
0x2e: {  	s3 =	simm.s32 @!p0 $0x1082;
	s9 =	sld [smem:$0x3FB5]  }
0x2f: {  	lr =	sadd.s32 s0, s3;
	s0 =	sld [smem:$0x3FAC]  }
0x30: {  	s3 =	sld [smem:$0x3FAF]  }
0x31: {  	[smem:$0x3FB8] =	sst s10  }
0x32: {  	s10 =	sld [smem:$0x3FB6];
	_ =	sdelay $0x3  }
0x33: {  	p0 =	seq.s32 s10, $0x1;
	s10 =	sld [smem:$0x3FB8];
	_ =	sdelay $0x3  }
0x34: {  	[smem:$0x3FB8] =	sst s10  }
0x35: {  	s10 =	sld [smem:$0x3FB7];
	_ =	sdelay $0x3  }
0x36: {  	p1 =	seq.s32 s10, $0x1;
	s10 =	sld [smem:$0x3FB8];
	_ =	sdelay $0x3  }
0x37: {  	[smem:$0x3FB8] =	sst s10  }
0x38: {  	s10 =	sld [smem:$0x3FB9]  }
0x39: {  	_ = 	snop;
	(pc) =	sbr.ind lr, $3  }
0x3a: {  	_ = 	snop  }
0x3b: {  	_ = 	snop  }
0x3c: {  	p2 =	seq.s32 s10, $0x1;
	s10 =	sld [smem:$0x3FB8]  }
0x3d: {  	_ =	shalt  }
0x3e: {  	_ =	shalt  }
0x3f: {  	_ =	shalt  }
0x40: {  	_ =	shalt  }
0x41: {  	_ =	shalt  }
0x42: {  	_ =	shalt  }
0x43: {  	_ =	shalt  }
0x44: {  	_ =	shalt  }
0x45: {  	_ =	shalt  }
0x46: {  	_ =	shalt  }
0x47: {  	_ =	shalt  }
0x48: {  	_ =	shalt  }
0x49: {  	_ =	shalt  }
0x4a: {  	_ =	shalt  }
0x4b: {  	_ =	shalt  }
0x4c: {  	_ =	shalt  }
0x4d: {  	_ =	shalt  }
0x4e: {  	_ =	shalt  }
0x4f: {  	_ =	shalt  }
0x50: {  	_ =	shalt  }
0x51: {  	_ =	shalt  }
0x52: {  	_ =	shalt  }
0x53: {  	_ =	shalt  }
0x54: {  	_ =	shalt  }
0x55: {  	_ =	shalt  }
0x56: {  	_ =	shalt  }
0x57: {  	_ =	shalt  }
0x58: {  	_ =	shalt  }
0x59: {  	_ =	shalt  }
0x5a: {  	_ =	shalt  }
0x5b: {  	_ =	shalt  }
0x5c: {  	_ =	shalt  }
0x5d: {  	_ =	shalt  }
0x5e: {  	_ =	shalt  }
0x5f: {  	_ =	shalt  }
0x60: {  	_ =	shalt  }
0x61: {  	_ =	shalt  }
0x62: {  	_ =	shalt  }
0x63: {  	_ =	shalt  }
0x64: {  	_ =	shalt  }
0x65: {  	_ =	shalt  }
0x66: {  	_ =	shalt  }
0x67: {  	_ =	shalt  }
0x68: {  	_ =	shalt  }
0x69: {  	_ =	shalt  }
0x6a: {  	_ =	shalt  }
0x6b: {  	_ =	shalt  }
0x6c: {  	_ =	shalt  }
0x6d: {  	_ =	shalt  }
0x6e: {  	_ =	shalt  }
0x6f: {  	_ =	shalt  }
0x70: {  	_ =	shalt  }
0x71: {  	_ =	shalt  }
0x72: {  	_ =	shalt  }
0x73: {  	_ =	shalt  }
0x74: {  	_ =	shalt  }
0x75: {  	_ =	shalt  }
0x76: {  	_ =	shalt  }
0x77: {  	_ =	shalt  }
0x78: {  	_ =	shalt  }
0x79: {  	_ =	shalt  }
0x7a: {  	_ =	shalt  }
0x7b: {  	_ =	shalt  }
0x7c: {  	_ =	shalt  }
0x7d: {  	_ =	shalt  }
0x7e: {  	_ =	shalt  }
0x7f: {  	_ =	shalt  }
0x80: {  	_ =	shalt  }
0x81: {  	_ =	shalt  }
0x82: {  	_ =	shalt  }
0x83: {  	_ =	shalt  }
0x84: {  	_ =	shalt  }
0x85: {  	_ =	shalt  }
0x86: {  	_ =	shalt  }
0x87: {  	_ =	shalt  }
.Lfunc_end0:
.L_simem_size_0:
called_computation_lowered:
.L_overlay_start_0:
0x88: {  	s2 =	sld [smem:$0x3FD9]  }
0x89: {  	s3 =	sld [smem:$0x3FFE];
	_ =	sdelay $0x1  }
0x8a: {  	s1 =	srdreg.scid  }
0x8b: {  	s0 =	sand.u32 $0x1, s1  }
0x8c: {  	s14 =	sshll.u32 s0, $0xA;
	s2 =	sadd.s32 s3, s2  }
0x8d: {  	s2 =	sadd.s32 s2, s14  }
0x8e: {  	[smem:$0x3FC4] =	sst s2  }
0x8f: {  	_ = 	snop  }
0x90: {  	s2 =	sld [smem:$0x3FD0];
	_ =	sdelay $0x2  }
0x91: {  	s15 =	simm.s32 $0xA;
	s4 =	simm.s32 $0x10  }
0x92: {  	[smem:s4], [sflag:s15] =	dma.local [hbm:s2], $0x1  }
0x93: {  	_ =	swait.eq [sflag:s15], $0x1  }
0x94: {  	[sflag:s15] =	ssyncset.done $0x0  }
0x95: {  	[sflag:s15] =	ssyncadd.s32 $0xFFFFFFFF  }
0x96: {  	s16 =	sld [smem:$0x10];
	(tm) =	ssettm $0x1  }
0x97: {  	s17 =	sld [smem:$0x3FFB];
	_ =	sdelay $0x3  }
0x98: {  	_ =	strace s17  }
0x99: {  	s3 =	sld [smem:$0x3FFC];
	_ =	sdelay $0x3  }
0x9a: {  	_ =	strace s3  }
0x9b: {  	s3 =	sld [smem:$0x3FFD];
	_ =	sdelay $0x3  }
0x9c: {  	_ =	strace s3  }
0x9d: {  	_ =	strace $0x8FFFFFFF  }
0x9e: {  	s18 =	sld [smem:$0x3FDB];
	_ =	sdelay $0x1  }
0x9f: {  	s19 =	simm.s32 $_scs_section_size  }
0xa0: {  	s5 =	simm.s32 $_size__tile_overlayer_lowered;
	s6 =	simm.s32 $_tile_overlayer_lowered  }
0xa1: {  	s22 =	simm.s32 $0x1BFF;
	s21 =	sshll.u32 s6, $0x1;
	s3 =	sadd.s32 s19, s18  }
0xa2: {  	s7 =	simm.s32 $0x0;
	s20 =	sshll.u32 s5, $0x1;
	s5 =	sadd.s32 s21, s3  }
0xa3: {  	[timem:s7], [sflag:s22] =	dma.local [hbm:s5], s20  }
0xa4: {  	_ =	swait.ge [sflag:s22], s20  }
0xa5: {  	s4 =	ssub.s32 $0x0, s20;
	[sflag:s22] =	ssyncset.done $0x0  }
0xa6: {  	[sflag:s22] =	ssyncadd.s32 s4;
	_ =	sdelay $0x1  }
0xa7: {  	s23 =	simm.s32 $0x1B8B  }
0xa8: {  	_ =	swait.ge [sflag:s23], $0x1  }
0xa9: {  	[sflag:s23] =	ssyncset.done $0x0  }
0xaa: {  	s25 =	simm.s32 $0x1B8E;
	s24 =	sld [smem:$0x3FFE];
	[sflag:s23] =	ssyncadd.s32 $0xFFFFFFFF  }
0xab: {  	s26 =	simm.s32 $execute0_lowered;
	[smem:$0x3FD2] =	sst s25  }
0xac: {  	s5 =	sshll.u32 s26, $0x1;
	_ =	strace $0x80000046;
	[dreg:$0x1] =	wrdreg $0xFFFFFFFF  }
0xad: {  	s28 =	simm.s32 $_size_execute0_lowered;
	s3 =	sadd.s32 s3, s5;
	[dreg:$0x0] =	wrdreg $0x0  }
0xae: {  	s5 =	sshll.u32 s28, $0x1;
	[dreg:$0x2] =	wrdreg s3  }
0xaf: {  	[dreg:$0x3] =	wrdreg s5  }
0xb0: {  	[dreg:$0x4] =	wrdreg $0xC0  }
0xb1: {  	_ =	task [dreg:s7], $0x5FFFF  }
0xb2: {  	[dreg:$0x1] =	wrdreg $0xFFFFFFFF  }
0xb3: {  	[dreg:$0x0] =	wrdreg $0x60  }
0xb4: {  	[dreg:$0x2] =	wrdreg s16  }
0xb5: {  	[dreg:$0x3] =	wrdreg s24  }
0xb6: {  	[dreg:$0x4] =	wrdreg $0x42800  }
0xb7: {  	[dreg:$0x5] =	wrdreg $0x9  }
0xb8: {  	_ =	task.clear_ibuf [dreg:s7], $0x6FFFF;
	_ =	strace $0x90000046  }
0xb9: {  	s29 =	simm.s32 $0x9;
	_ =	strace $0x80000048  }
0xba: {  	_ =	swait.ge [sflag:s29], $0x1  }
0xbb: {  	[sflag:s29] =	ssyncadd.s32 $0xFFFFFFFF  }
0xbc: {  	_ =	strace $0x90000048  }
0xbd: {  	_ =	sfence  }
0xbe: {  	s30 =	sld [smem:$0x0];
	_ =	sdelay $0x2  }
0xbf: {  	s31 =	sshll.u32 s1, $0xD;
	s1 =	sshrl.u32 s1, $0x2  }
0xc0: {  	s3 =	sand.u32 $0x4000, s31;
	s1 =	sadd.s32 s1, s30  }
0xc1: {  	s0 =	sor.u32 s3, s0;
	s1 =	sshll.u32 s1, $0x11  }
0xc2: {  	s0 =	sor.u32 s1, s0  }
0xc3: {  	s0 =	sadd.s32 $0x8F2B, s0  }
0xc4: {  	[sflag:s0] =	ssyncadd.remote.s32 $0x1  }
0xc5: {  	_ =	sfence.sel $0xFFFF  }
0xc6: {  	[dreg:$0x0] =	wrdreg $0xFFFFFFFF;
	(pc) =	sbr.abs _section_cstart, $3  }
0xc7: {  	[dreg:$0x1] =	wrdreg $0xFFFFFFFF  }
0xc8: {  	_ =	task.clear_ibuf [dreg:s7], $0x2FFFF;
	_ =	strace $0x9FFFFFFF  }
0xc9: {  	(tm) =	ssettm $0x7FFFFFFF  }
tec
execute0_lowered:
.L_overlay_start_1:
0x0: {  	(tag) =	ssettag $0x1  }
0x1: {  	s0 =	rddreg [dreg:$0x0]  }
0x2: {  	s4 =	rddreg [dreg:$0x1]  }
0x3: {  	s1 =	rddreg [dreg:$0x2];
	s2 =	simm.s32 $0x0  }
0x4: {  	s3 =	srdreg.scid;
	s10 =	simm.s32 $0x50;
	s16 =	simm.s32 $0x300  }
0x5: {  	s17 =	simm.s32 $0x380;
	s18 =	simm.s32 $0x2;
	s19 =	simm.s32 $0x3  }
0x6: {  	s20 =	simm.s32 $0x4;
	s21 =	simm.s32 $0x5;
	s22 =	simm.s32 $0x6  }
0x7: {  	s23 =	simm.s32 $0x7;
	s28 =	simm.s32 $0x3C80;
	s29 =	simm.s32 $0x3D00  }
0x8: {  	s30 =	simm.s32 $0x3D80;
	s31 =	simm.s32 $0x3E00;
	s12 =	simm.s32 $0x0  }
0x9: {  	[smem:$0x7FF] =	sst s2;
	s5 =	sand.u32 $0x1, s3;
	s3 =	stileid.u32  }
0xa: {  	_ =	strace $0x80000047;
	s6 =	sshll.u32 s5, $0x4;
	s7 =	ssub.s32 $0x2, s5  }
0xb: {  	s8 =	smul.u32 $0xA00, s3;
	s9 =	sshll.u32 s3, $0xB;
	s5 =	sshll.u32 s5, $0xF  }
0xc: {  	s11 =	smul.u32 $0xA0, s3;
	s6 =	sadd.s32 s6, s4;
	s25 =	sshrl.u32 s7, $0x1  }
0xd: {  	s0 =	sadd.s32 s0, s9;
	s9 =	simm.s32 $0x1;
	s8 =	sshrl.u32 s8, $0x2  }
0xe: {  	s7 =	ssub.s32 s7, s25;
	s4 =	sadd.s32 s5, s0;
	s26 =	sadd.s32 $0x15600, s6  }
0xf: {  	s25 =	simm.s32 $0x8;
	s0 =	simm.s32 $0x20;
	s5 =	sadd.s32 s8, s1  }
0x10: {  	s6 =	smax.u32 s7, $0x1;
	s7 =	simm.s32 $0x4000;
	s8 =	simm.s32 $0x9  }
0x11: {  	v0 =	vimm.f32 $1.000000000e+00;
	s24 =	sadd.s32 s11, s26;
	s26 =	simm.s32 $0x3C00;
	s11 =	simm.s32 $0x10  }
.LBB2_1:
0x12: {  	[tilespmem:s2], [sflag:$0x1] =	stream.linear.gather [hbm4b:s4+s2], $0x3E80, $0x38;
	[tilespmem:$0x4500] =	vst v63  }
0x13: {  	[tilespmem:$0x4000] =	vst v0  }
0x14: {  	[tilespmem:$0x4010] =	vst v0  }
0x15: {  	[tilespmem:$0x4020] =	vst v0  }
0x16: {  	[tilespmem:$0x4030] =	vst v0  }
0x17: {  	[tilespmem:$0x4040] =	vst v0  }
0x18: {  	[tilespmem:$0x4050] =	vst v0  }
0x19: {  	[tilespmem:$0x4060] =	vst v0  }
0x1a: {  	[tilespmem:$0x4070] =	vst v0  }
0x1b: {  	[tilespmem:$0x4080] =	vst v0  }
0x1c: {  	[tilespmem:$0x4090] =	vst v0  }
0x1d: {  	[tilespmem:$0x40A0] =	vst v0  }
0x1e: {  	[tilespmem:$0x40B0] =	vst v0  }
0x1f: {  	[tilespmem:$0x40C0] =	vst v0  }
0x20: {  	[tilespmem:$0x40D0] =	vst v0  }
0x21: {  	[tilespmem:$0x40E0] =	vst v0  }
0x22: {  	[tilespmem:$0x40F0] =	vst v0  }
0x23: {  	[tilespmem:$0x4100] =	vst v0  }
0x24: {  	[tilespmem:$0x4110] =	vst v0  }
0x25: {  	[tilespmem:$0x4120] =	vst v0  }
0x26: {  	[tilespmem:$0x4130] =	vst v0  }
0x27: {  	[tilespmem:$0x4140] =	vst v0  }
0x28: {  	[tilespmem:$0x4150] =	vst v0  }
0x29: {  	[tilespmem:$0x4160] =	vst v0  }
0x2a: {  	[tilespmem:$0x4170] =	vst v0  }
0x2b: {  	[tilespmem:$0x4180] =	vst v0  }
0x2c: {  	[tilespmem:$0x4190] =	vst v0  }
0x2d: {  	[tilespmem:$0x41A0] =	vst v0  }
0x2e: {  	[tilespmem:$0x41B0] =	vst v0  }
0x2f: {  	[tilespmem:$0x41C0] =	vst v0  }
0x30: {  	[tilespmem:$0x41D0] =	vst v0  }
0x31: {  	[tilespmem:$0x41E0] =	vst v0  }
0x32: {  	[tilespmem:$0x41F0] =	vst v0  }
0x33: {  	[tilespmem:$0x4200] =	vst v0  }
0x34: {  	[tilespmem:$0x4210] =	vst v0  }
0x35: {  	[tilespmem:$0x4220] =	vst v0  }
0x36: {  	[tilespmem:$0x4230] =	vst v0  }
0x37: {  	[tilespmem:$0x4240] =	vst v0  }
0x38: {  	[tilespmem:$0x4250] =	vst v0  }
0x39: {  	[tilespmem:$0x4260] =	vst v0  }
0x3a: {  	[tilespmem:$0x4270] =	vst v0  }
0x3b: {  	[spmem:s5] =	stream.linear.scatter [tilespmem:s7], [sflag:$0x9], $0x280, $0x38;
	[tilespmem:$0x4500] =	vst v63  }
0x3c: {  	_ =	swait.ge [sflag:s8], $0x280  }
0x3d: {  	[sflag:s8] =	ssyncset.done $0x0  }
0x3e: {  	[sflag:s8] =	ssyncadd.s32 $0xFFFFFD80  }
0x3f: {  	_ =	swait.ge [sflag:s9], $0x3E80  }
0x40: {  	[sflag:s9] =	ssyncset.done $0x0  }
0x41: {  	[sflag:s9] =	ssyncadd.s32 $0xFFFFC180  }
0x42: {  	[bflag:$0x0] =	sbarrier.arrive $0xFFFF  }
0x43: {  	[spmem:s1] =	stream.indirect.scatter.add.f32 [tilespmem:s7], [sflag:$0x1], $0x1, s2, s10, $0xb8;
	[tilespmem:$0x4500] =	vst v63  }
0x44: {  	s13 =	simm.s32 $0x80  }
0x45: {  	[spmem:s1] =	stream.indirect.scatter.add.f32 [tilespmem:s7], [sflag:$0x2], $0x1, s13, s10, $0xb8;
	[tilespmem:$0x4500] =	vst v63  }
0x46: {  	s15 =	simm.s32 $0x100  }
0x47: {  	[spmem:s1] =	stream.indirect.scatter.add.f32 [tilespmem:s7], [sflag:$0x3], $0x1, s15, s10, $0xb8;
	[tilespmem:$0x4500] =	vst v63  }
0x48: {  	s14 =	simm.s32 $0x180  }
0x49: {  	[spmem:s1] =	stream.indirect.scatter.add.f32 [tilespmem:s7], [sflag:$0x4], $0x1, s14, s10, $0xb8;
	[tilespmem:$0x4500] =	vst v63  }
0x4a: {  	s15 =	simm.s32 $0x200  }
0x4b: {  	[spmem:s1] =	stream.indirect.scatter.add.f32 [tilespmem:s7], [sflag:$0x5], $0x1, s15, s10, $0xb8;
	[tilespmem:$0x4500] =	vst v63  }
0x4c: {  	s14 =	simm.s32 $0x280  }
0x4d: {  	[spmem:s1] =	stream.indirect.scatter.add.f32 [tilespmem:s7], [sflag:$0x6], $0x1, s14, s10, $0xb8;
	[tilespmem:$0x4500] =	vst v63  }
0x4e: {  	_ = 	snop  }
0x4f: {  	[spmem:s1] =	stream.indirect.scatter.add.f32 [tilespmem:s7], [sflag:$0x7], $0x1, s16, s10, $0xb8;
	[tilespmem:$0x4500] =	vst v63  }
0x50: {  	_ = 	snop  }
0x51: {  	[spmem:s1] =	stream.indirect.scatter.add.f32 [tilespmem:s7], [sflag:$0x8], $0x1, s17, s10, $0xb8;
	[tilespmem:$0x4500] =	vst v63  }
0x52: {  	_ =	swait.ge [sflag:s9], $0x50  }
0x53: {  	[sflag:s9] =	ssyncset.done $0x0  }
0x54: {  	s15 =	simm.s32 $0x400;
	[sflag:s9] =	ssyncadd.s32 $0xFFFFFFB0  }
0x55: {  	[spmem:s1] =	stream.indirect.scatter.add.f32 [tilespmem:s7], [sflag:$0x1], $0x1, s15, s10, $0xb8;
	[tilespmem:$0x4500] =	vst v63  }
0x56: {  	_ =	swait.ge [sflag:s18], $0x50  }
0x57: {  	[sflag:s18] =	ssyncset.done $0x0  }
0x58: {  	s14 =	simm.s32 $0x480;
	[sflag:s18] =	ssyncadd.s32 $0xFFFFFFB0  }
0x59: {  	[spmem:s1] =	stream.indirect.scatter.add.f32 [tilespmem:s7], [sflag:$0x2], $0x1, s14, s10, $0xb8;
	[tilespmem:$0x4500] =	vst v63  }
0x5a: {  	_ =	swait.ge [sflag:s19], $0x50  }
0x5b: {  	[sflag:s19] =	ssyncset.done $0x0  }
0x5c: {  	s15 =	simm.s32 $0x500;
	[sflag:s19] =	ssyncadd.s32 $0xFFFFFFB0  }
0x5d: {  	[spmem:s1] =	stream.indirect.scatter.add.f32 [tilespmem:s7], [sflag:$0x3], $0x1, s15, s10, $0xb8;
	[tilespmem:$0x4500] =	vst v63  }
0x5e: {  	_ =	swait.ge [sflag:s20], $0x50  }
0x5f: {  	[sflag:s20] =	ssyncset.done $0x0  }
0x60: {  	s14 =	simm.s32 $0x580;
	[sflag:s20] =	ssyncadd.s32 $0xFFFFFFB0  }
0x61: {  	[spmem:s1] =	stream.indirect.scatter.add.f32 [tilespmem:s7], [sflag:$0x4], $0x1, s14, s10, $0xb8;
	[tilespmem:$0x4500] =	vst v63  }
0x62: {  	_ =	swait.ge [sflag:s21], $0x50  }
0x63: {  	[sflag:s21] =	ssyncset.done $0x0  }
0x64: {  	s15 =	simm.s32 $0x600;
	[sflag:s21] =	ssyncadd.s32 $0xFFFFFFB0  }
0x65: {  	[spmem:s1] =	stream.indirect.scatter.add.f32 [tilespmem:s7], [sflag:$0x5], $0x1, s15, s10, $0xb8;
	[tilespmem:$0x4500] =	vst v63  }
0x66: {  	_ =	swait.ge [sflag:s22], $0x50  }
0x67: {  	[sflag:s22] =	ssyncset.done $0x0  }
0x68: {  	s14 =	simm.s32 $0x680;
	[sflag:s22] =	ssyncadd.s32 $0xFFFFFFB0  }
0x69: {  	[spmem:s1] =	stream.indirect.scatter.add.f32 [tilespmem:s7], [sflag:$0x6], $0x1, s14, s10, $0xb8;
	[tilespmem:$0x4500] =	vst v63  }
0x6a: {  	_ =	swait.ge [sflag:s23], $0x50  }
0x6b: {  	[sflag:s23] =	ssyncset.done $0x0  }
0x6c: {  	s15 =	simm.s32 $0x700;
	[sflag:s23] =	ssyncadd.s32 $0xFFFFFFB0  }
0x6d: {  	[spmem:s1] =	stream.indirect.scatter.add.f32 [tilespmem:s7], [sflag:$0x7], $0x1, s15, s10, $0xb8;
	[tilespmem:$0x4500] =	vst v63  }
0x6e: {  	_ =	swait.ge [sflag:s25], $0x50  }
0x6f: {  	[sflag:s25] =	ssyncset.done $0x0  }
0x70: {  	s13 =	simm.s32 $0x1000;
	s14 =	simm.s32 $0x780;
	[sflag:s25] =	ssyncadd.s32 $0xFFFFFFB0  }
.LBB2_2:
0x71: {  	[spmem:s1] =	stream.indirect.scatter.add.f32 [tilespmem:s7], [sflag:$0x8], $0x1, s14, s10, $0xb8;
	[tilespmem:$0x4500] =	vst v63  }
0x72: {  	s14 =	smov.u32 s13  }
0x73: {  	p0 =	sne.s32 s13, $0xD000;
	s13 =	sadd.s32 $0x1000, s13;
	_ =	swait.ge [sflag:s9], $0x50  }
0x74: {  	s14 =	sshra.s32 s14, $0x2;
	[sflag:s9] =	ssyncset.done $0x0  }
0x75: {  	s15 =	sadd.s32 $0x400, s14;
	[sflag:s9] =	ssyncadd.s32 $0xFFFFFFB0  }
0x76: {  	[spmem:s1] =	stream.indirect.scatter.add.f32 [tilespmem:s7], [sflag:$0x1], $0x1, s15, s10, $0xb8;
	[tilespmem:$0x4500] =	vst v63  }
0x77: {  	_ =	swait.ge [sflag:s18], $0x50  }
0x78: {  	[sflag:s18] =	ssyncset.done $0x0  }
0x79: {  	s15 =	sadd.s32 $0x480, s14;
	[sflag:s18] =	ssyncadd.s32 $0xFFFFFFB0  }
0x7a: {  	[spmem:s1] =	stream.indirect.scatter.add.f32 [tilespmem:s7], [sflag:$0x2], $0x1, s15, s10, $0xb8;
	[tilespmem:$0x4500] =	vst v63  }
0x7b: {  	_ =	swait.ge [sflag:s19], $0x50  }
0x7c: {  	[sflag:s19] =	ssyncset.done $0x0  }
0x7d: {  	s15 =	sadd.s32 $0x500, s14;
	[sflag:s19] =	ssyncadd.s32 $0xFFFFFFB0  }
0x7e: {  	[spmem:s1] =	stream.indirect.scatter.add.f32 [tilespmem:s7], [sflag:$0x3], $0x1, s15, s10, $0xb8;
	[tilespmem:$0x4500] =	vst v63  }
0x7f: {  	_ =	swait.ge [sflag:s20], $0x50  }
0x80: {  	[sflag:s20] =	ssyncset.done $0x0  }
0x81: {  	s15 =	sadd.s32 $0x580, s14;
	[sflag:s20] =	ssyncadd.s32 $0xFFFFFFB0  }
0x82: {  	[spmem:s1] =	stream.indirect.scatter.add.f32 [tilespmem:s7], [sflag:$0x4], $0x1, s15, s10, $0xb8;
	[tilespmem:$0x4500] =	vst v63  }
0x83: {  	_ =	swait.ge [sflag:s21], $0x50  }
0x84: {  	[sflag:s21] =	ssyncset.done $0x0  }
0x85: {  	s15 =	sadd.s32 $0x600, s14;
	[sflag:s21] =	ssyncadd.s32 $0xFFFFFFB0  }
0x86: {  	[spmem:s1] =	stream.indirect.scatter.add.f32 [tilespmem:s7], [sflag:$0x5], $0x1, s15, s10, $0xb8;
	[tilespmem:$0x4500] =	vst v63  }
0x87: {  	_ =	swait.ge [sflag:s22], $0x50  }
0x88: {  	[sflag:s22] =	ssyncset.done $0x0  }
0x89: {  	s15 =	sadd.s32 $0x680, s14;
	[sflag:s22] =	ssyncadd.s32 $0xFFFFFFB0  }
0x8a: {  	[spmem:s1] =	stream.indirect.scatter.add.f32 [tilespmem:s7], [sflag:$0x6], $0x1, s15, s10, $0xb8;
	[tilespmem:$0x4500] =	vst v63  }
0x8b: {  	_ =	swait.ge [sflag:s23], $0x50  }
0x8c: {  	[sflag:s23] =	ssyncset.done $0x0  }
.Ltmp0:
0x8d: {  	s15 =	sadd.s32 $0x700, s14;
	[sflag:s23] =	ssyncadd.s32 $0xFFFFFFB0;
	(pc) =	sbr.rel @p0 .LBB2_2-.Ltmp0, $4  }
0x8e: {  	[spmem:s1] =	stream.indirect.scatter.add.f32 [tilespmem:s7], [sflag:$0x7], $0x1, s15, s10, $0xb8;
	[tilespmem:$0x4500] =	vst v63  }
0x8f: {  	_ =	swait.ge [sflag:s25], $0x50  }
0x90: {  	[sflag:s25] =	ssyncset.done $0x0  }
0x91: {  	s14 =	sadd.s32 $0x780, s14;
	[sflag:s25] =	ssyncadd.s32 $0xFFFFFFB0  }
0x92: {  	[spmem:s1] =	stream.indirect.scatter.add.f32 [tilespmem:s7], [sflag:$0x8], $0x1, s14, s10, $0xb8;
	[tilespmem:$0x4500] =	vst v63  }
0x93: {  	_ =	swait.ge [sflag:s9], $0x50  }
0x94: {  	[sflag:s9] =	ssyncset.done $0x0  }
0x95: {  	[sflag:s9] =	ssyncadd.s32 $0xFFFFFFB0  }
0x96: {  	[spmem:s1] =	stream.indirect.scatter.add.f32 [tilespmem:s7], [sflag:$0x1], $0x1, s26, s10, $0xb8;
	[tilespmem:$0x4500] =	vst v63  }
0x97: {  	_ =	swait.ge [sflag:s18], $0x50  }
0x98: {  	[sflag:s18] =	ssyncset.done $0x0  }
0x99: {  	[sflag:s18] =	ssyncadd.s32 $0xFFFFFFB0  }
0x9a: {  	[spmem:s1] =	stream.indirect.scatter.add.f32 [tilespmem:s7], [sflag:$0x2], $0x1, s28, s10, $0xb8;
	[tilespmem:$0x4500] =	vst v63  }
0x9b: {  	_ =	swait.ge [sflag:s19], $0x50  }
0x9c: {  	[sflag:s19] =	ssyncset.done $0x0  }
0x9d: {  	[sflag:s19] =	ssyncadd.s32 $0xFFFFFFB0  }
0x9e: {  	[spmem:s1] =	stream.indirect.scatter.add.f32 [tilespmem:s7], [sflag:$0x3], $0x1, s29, s10, $0xb8;
	[tilespmem:$0x4500] =	vst v63  }
0x9f: {  	_ =	swait.ge [sflag:s20], $0x50  }
0xa0: {  	[sflag:s20] =	ssyncset.done $0x0  }
0xa1: {  	[sflag:s20] =	ssyncadd.s32 $0xFFFFFFB0  }
0xa2: {  	[spmem:s1] =	stream.indirect.scatter.add.f32 [tilespmem:s7], [sflag:$0x4], $0x1, s30, s10, $0xb8;
	[tilespmem:$0x4500] =	vst v63  }
0xa3: {  	_ =	swait.ge [sflag:s21], $0x50  }
0xa4: {  	[sflag:s21] =	ssyncset.done $0x0  }
0xa5: {  	[sflag:s21] =	ssyncadd.s32 $0xFFFFFFB0  }
0xa6: {  	[spmem:s1] =	stream.indirect.scatter.add.f32 [tilespmem:s7], [sflag:$0x5], $0x1, s31, s10, $0xb8;
	[tilespmem:$0x4500] =	vst v63  }
0xa7: {  	_ =	swait.ge [sflag:s22], $0x50  }
0xa8: {  	[sflag:s22] =	ssyncset.done $0x0  }
0xa9: {  	[sflag:s22] =	ssyncadd.s32 $0xFFFFFFB0  }
0xaa: {  	_ =	swait.ge [sflag:s23], $0x50  }
0xab: {  	[sflag:s23] =	ssyncset.done $0x0  }
0xac: {  	[sflag:s23] =	ssyncadd.s32 $0xFFFFFFB0  }
0xad: {  	_ =	swait.ge [sflag:s25], $0x50  }
0xae: {  	[sflag:s25] =	ssyncset.done $0x0  }
0xaf: {  	[sflag:s25] =	ssyncadd.s32 $0xFFFFFFB0  }
0xb0: {  	_ =	swait.ge [sflag:s9], $0x50  }
0xb1: {  	[sflag:s9] =	ssyncset.done $0x0  }
0xb2: {  	[sflag:s9] =	ssyncadd.s32 $0xFFFFFFB0  }
0xb3: {  	_ =	swait.ge [sflag:s18], $0x50  }
0xb4: {  	[sflag:s18] =	ssyncset.done $0x0  }
0xb5: {  	[sflag:s18] =	ssyncadd.s32 $0xFFFFFFB0  }
0xb6: {  	_ =	swait.ge [sflag:s19], $0x50  }
0xb7: {  	[sflag:s19] =	ssyncset.done $0x0  }
0xb8: {  	[sflag:s19] =	ssyncadd.s32 $0xFFFFFFB0  }
0xb9: {  	_ =	swait.ge [sflag:s20], $0x50  }
0xba: {  	[sflag:s20] =	ssyncset.done $0x0  }
0xbb: {  	[sflag:s20] =	ssyncadd.s32 $0xFFFFFFB0  }
0xbc: {  	_ =	swait.ge [sflag:s21], $0x50  }
0xbd: {  	s13 =	sshll.u32 s3, $0x6;
	s12 =	sadd.s32 $0x1, s12;
	[sflag:s21] =	ssyncset.done $0x0  }
0xbe: {  	s15 =	sshrl.u32 s5, $0x3;
	p0 =	sne.s32 s12, s6;
	[sflag:s21] =	ssyncadd.s32 $0xFFFFFFB0  }
.Ltmp1:
0xbf: {  	s13 =	sor.u32 $0x1C09, s13;
	[bflag:$0x0] =	sbarrier.arrive $0xFFFF;
	(pc) =	sbr.rel @p0 .LBB2_1-.Ltmp1, $4  }
0xc0: {  	[hbm:s24@s0], [sflag:s13] =	dma.strided [spmem:s15@s11], $0x50, s9, $0x10   }
0xc1: {  	_ =	swait.ge [sflag:s8], $0x50  }
0xc2: {  	[sflag:s8] =	ssyncset.done $0x0  }
0xc3: {  	[sflag:s8] =	ssyncadd.s32 $0xFFFFFFB0  }
0xc4: {  	_ =	sfence.sel $0x180000  }
0xc5: {  	[bflag:$0x0] =	sbarrier.arrive $0xFFFF  }
0xc6: {  	_ =	strace $0x90000047  }
0xc7: {  	[bflag:$0x2] =	sbarrier.arrive $0xFFFF  }
0xc8: {  	p0 =	sne.s32 s3, $0x0;
	s0 =	rddreg [dreg:$0x3]  }
0xc9: {  	s0 =	sadd.s32 @!p0 $0x100000, s0  }
0xca: {  	[sflag:s0] =	ssyncadd.tile.s32 @!p0 $0x1;
	_ =	shalt  }
.Lfunc_end2:
_tile_overlayer_lowered:
.L_overlay_start_2:
0xcb: {  	(tag) =	ssettag $0x2  }
0xcc: {  	s0 =	rddreg [dreg:$0x0];
	s2 =	stileid.u32  }
0xcd: {  	s1 =	rddreg [dreg:$0x1];
	p0 =	sne.s32 s2, $0x0  }
0xce: {  	s3 =	rddreg [dreg:$0x2];
	[bflag:$0x3] =	sbarrier.arrive $0xFFFF;
	s2 =	simm.s32 @!p0 $0x1C09  }
0xcf: {  	[timem:s3], [sflag:s2] =	dma.local @!p0 [hbm:s0], s1  }
0xd0: {  	s0 =	simm.s32 @!p0 $0x9  }
0xd1: {  	_ =	swait.ge @!p0 [sflag:s0], s1  }
0xd2: {  	s1 =	ssub.s32 @!p0 $0x0, s1;
	[sflag:s0] =	ssyncset.done @!p0 $0x0  }
0xd3: {  	[sflag:s0] =	ssyncadd.s32 @!p0 s1  }
0xd4: {  	[bflag:$0x3] =	sbarrier.arrive $0xFFFF  }
0xd5: {  	_ =	shalt  }

// kernel: kernel.9.cloned.1.call-start
scs
__scs_entry_jumppad:
0x0: {  	(pc) =	sbr.rel $0x88, $3  }
0x1: {  	(tag) =	ssettag $0x0;
	lr =	simm.s32 $0x1  }
0x2: {  	[smem:$0x3F9D] =	sst lr;
	_ =	strace $0xD0000000  }
0x3: {  	_ = 	snop  }
0x4: {  	_ = 	snop  }
0x5: {  	_ = 	snop  }
0x6: {  	_ = 	snop  }
0x7: {  	_ = 	snop  }
__scs_overlays_trampoline_lowered:
0x8: {  	[smem:$0x3FAC] =	sst s0  }
0x9: {  	[smem:$0x3FAD] =	sst s1  }
0xa: {  	[smem:$0x3FAE] =	sst s2  }
0xb: {  	[smem:$0x3FAF] =	sst s3  }
0xc: {  	[smem:$0x3FB0] =	sst s4  }
0xd: {  	[smem:$0x3FB1] =	sst s5  }
0xe: {  	[smem:$0x3FB2] =	sst s6  }
0xf: {  	[smem:$0x3FB3] =	sst s7  }
0x10: {  	[smem:$0x3FB4] =	sst s8  }
0x11: {  	[smem:$0x3FB5] =	sst s9;
	s0 =	simm.s32 @!p0 $0x0  }
0x12: {  	s1 =	sld [smem:$0x3F9B];
	s0 =	simm.s32 @p0 $0x1  }
0x13: {  	[smem:$0x3FB6] =	sst s0;
	s0 =	simm.s32 @!p1 $0x0  }
0x14: {  	s2 =	sld [smem:$0x3F9A];
	s0 =	simm.s32 @p1 $0x1  }
0x15: {  	[smem:$0x3FB7] =	sst s0;
	s0 =	simm.s32 @!p2 $0x0  }
0x16: {  	s3 =	sld [smem:$0x3FDB];
	s0 =	simm.s32 @p2 $0x1  }
0x17: {  	s4 =	simm.s32 $0x1BF5;
	[smem:$0x3FB9] =	sst s0  }
0x18: {  	s0 =	sld [smem:$0x3F9C];
	_ =	swait.ge [sflag:s4], $0x0  }
0x19: {  	s7 =	sld [smem:$0x3F9D]  }
0x1a: {  	s8 =	sadd.s32 $0xFFFFE003, lr  }
0x1b: {  	s9 =	sadd.s32 $0xFFFFFEF7, lr;
	s5 =	simm.s32 $0xFFFFFFFF;
	p2 =	slt.u32 s8, $0xFFFFF086  }
0x1c: {  	p1 =	slt.u32 s9, $0xF7A;
	s5 =	simm.s32 @!p2 $0x0  }
0x1d: {  	s5 =	simm.s32 @p1 $0x1;
	p0 =	seq.s32 s7, s2  }
0x1e: {  	s7 =	smul.u32 @!p0 $0xF7A, s2;
	p2 =	seq.s32 @!p0 s5, $0x0  }
0x1f: {  	s9 =	smul.u32 $0xF7A, s1;
	s8 =	simm.s32 @!p0 $0x1BF5;
	p2 =	por !p2, p0  }
0x20: {  	[sflag:s8] =	ssyncset.s32 @!p0 $0xFFFFF086;
	s6 =	sadd.s32 @!p0 s3, s7;
	s7 =	simm.s32 @!p0 $0x108  }
0x21: {  	s3 =	sadd.s32 s3, s9;
	s6 =	sadd.s32 @!p0 $0x88, s6;
	s7 =	simm.s32 @p2 $0x1082  }
0x22: {  	[simem:s7], [sflag:s8] =	dma.local @!p0 [hbm:s6], $0xF7A  }
0x23: {  	s9 =	sor.u32 $0xD0000000, s2;
	s6 =	simm.s32 $0x108;
	_ =	swait.ge @!p0 [sflag:s8], $0x0  }
0x24: {  	s3 =	sadd.s32 $0x88, s3;
	s6 =	simm.s32 @!p1 $0x1082;
	[sflag:s4] =	ssyncset.s32 $0xFFFFF086  }
0x25: {  	[simem:s6], [sflag:s4] =	dma.local [hbm:s3], $0xF7A  }
0x26: {  	[smem:$0x3F9D] =	sst s1;
	(tag) =	ssettag s2;
	_ =	strace s9  }
0x27: {  	s1 =	sld [smem:$0x3FAD]  }
0x28: {  	s2 =	sld [smem:$0x3FAE]  }
0x29: {  	s4 =	sld [smem:$0x3FB0]  }
0x2a: {  	p0 =	seq.s32 s5, $0x0;
	s5 =	sld [smem:$0x3FB1]  }
0x2b: {  	s6 =	sld [smem:$0x3FB2]  }
0x2c: {  	s7 =	sld [smem:$0x3FB3]  }
0x2d: {  	s3 =	simm.s32 $0x108;
	s8 =	sld [smem:$0x3FB4]  }
0x2e: {  	s3 =	simm.s32 @!p0 $0x1082;
	s9 =	sld [smem:$0x3FB5]  }
0x2f: {  	lr =	sadd.s32 s0, s3;
	s0 =	sld [smem:$0x3FAC]  }
0x30: {  	s3 =	sld [smem:$0x3FAF]  }
0x31: {  	[smem:$0x3FB8] =	sst s10  }
0x32: {  	s10 =	sld [smem:$0x3FB6];
	_ =	sdelay $0x3  }
0x33: {  	p0 =	seq.s32 s10, $0x1;
	s10 =	sld [smem:$0x3FB8];
	_ =	sdelay $0x3  }
0x34: {  	[smem:$0x3FB8] =	sst s10  }
0x35: {  	s10 =	sld [smem:$0x3FB7];
	_ =	sdelay $0x3  }
0x36: {  	p1 =	seq.s32 s10, $0x1;
	s10 =	sld [smem:$0x3FB8];
	_ =	sdelay $0x3  }
0x37: {  	[smem:$0x3FB8] =	sst s10  }
0x38: {  	s10 =	sld [smem:$0x3FB9]  }
0x39: {  	_ = 	snop;
	(pc) =	sbr.ind lr, $3  }
0x3a: {  	_ = 	snop  }
0x3b: {  	_ = 	snop  }
0x3c: {  	p2 =	seq.s32 s10, $0x1;
	s10 =	sld [smem:$0x3FB8]  }
0x3d: {  	_ =	shalt  }
0x3e: {  	_ =	shalt  }
0x3f: {  	_ =	shalt  }
0x40: {  	_ =	shalt  }
0x41: {  	_ =	shalt  }
0x42: {  	_ =	shalt  }
0x43: {  	_ =	shalt  }
0x44: {  	_ =	shalt  }
0x45: {  	_ =	shalt  }
0x46: {  	_ =	shalt  }
0x47: {  	_ =	shalt  }
0x48: {  	_ =	shalt  }
0x49: {  	_ =	shalt  }
0x4a: {  	_ =	shalt  }
0x4b: {  	_ =	shalt  }
0x4c: {  	_ =	shalt  }
0x4d: {  	_ =	shalt  }
0x4e: {  	_ =	shalt  }
0x4f: {  	_ =	shalt  }
0x50: {  	_ =	shalt  }
0x51: {  	_ =	shalt  }
0x52: {  	_ =	shalt  }
0x53: {  	_ =	shalt  }
0x54: {  	_ =	shalt  }
0x55: {  	_ =	shalt  }
0x56: {  	_ =	shalt  }
0x57: {  	_ =	shalt  }
0x58: {  	_ =	shalt  }
0x59: {  	_ =	shalt  }
0x5a: {  	_ =	shalt  }
0x5b: {  	_ =	shalt  }
0x5c: {  	_ =	shalt  }
0x5d: {  	_ =	shalt  }
0x5e: {  	_ =	shalt  }
0x5f: {  	_ =	shalt  }
0x60: {  	_ =	shalt  }
0x61: {  	_ =	shalt  }
0x62: {  	_ =	shalt  }
0x63: {  	_ =	shalt  }
0x64: {  	_ =	shalt  }
0x65: {  	_ =	shalt  }
0x66: {  	_ =	shalt  }
0x67: {  	_ =	shalt  }
0x68: {  	_ =	shalt  }
0x69: {  	_ =	shalt  }
0x6a: {  	_ =	shalt  }
0x6b: {  	_ =	shalt  }
0x6c: {  	_ =	shalt  }
0x6d: {  	_ =	shalt  }
0x6e: {  	_ =	shalt  }
0x6f: {  	_ =	shalt  }
0x70: {  	_ =	shalt  }
0x71: {  	_ =	shalt  }
0x72: {  	_ =	shalt  }
0x73: {  	_ =	shalt  }
0x74: {  	_ =	shalt  }
0x75: {  	_ =	shalt  }
0x76: {  	_ =	shalt  }
0x77: {  	_ =	shalt  }
0x78: {  	_ =	shalt  }
0x79: {  	_ =	shalt  }
0x7a: {  	_ =	shalt  }
0x7b: {  	_ =	shalt  }
0x7c: {  	_ =	shalt  }
0x7d: {  	_ =	shalt  }
0x7e: {  	_ =	shalt  }
0x7f: {  	_ =	shalt  }
0x80: {  	_ =	shalt  }
0x81: {  	_ =	shalt  }
0x82: {  	_ =	shalt  }
0x83: {  	_ =	shalt  }
0x84: {  	_ =	shalt  }
0x85: {  	_ =	shalt  }
0x86: {  	_ =	shalt  }
0x87: {  	_ =	shalt  }
.Lfunc_end0:
.L_simem_size_0:
called_computation.1_lowered:
.L_overlay_start_0:
0x88: {  	s2 =	sld [smem:$0x3FD9]  }
0x89: {  	s3 =	sld [smem:$0x3FFE];
	_ =	sdelay $0x1  }
0x8a: {  	s1 =	srdreg.scid  }
0x8b: {  	s0 =	sand.u32 $0x1, s1  }
0x8c: {  	s14 =	sshll.u32 s0, $0xA;
	s2 =	sadd.s32 s3, s2  }
0x8d: {  	s2 =	sadd.s32 s2, s14  }
0x8e: {  	[smem:$0x3FC4] =	sst s2  }
0x8f: {  	_ = 	snop  }
0x90: {  	s2 =	sld [smem:$0x3FD0];
	_ =	sdelay $0x2  }
0x91: {  	s15 =	simm.s32 $0xA;
	s4 =	simm.s32 $0x10  }
0x92: {  	[smem:s4], [sflag:s15] =	dma.local [hbm:s2], $0x1  }
0x93: {  	_ =	swait.eq [sflag:s15], $0x1  }
0x94: {  	[sflag:s15] =	ssyncset.done $0x0  }
0x95: {  	[sflag:s15] =	ssyncadd.s32 $0xFFFFFFFF  }
0x96: {  	s16 =	sld [smem:$0x10];
	(tm) =	ssettm $0x1  }
0x97: {  	s17 =	sld [smem:$0x3FFB];
	_ =	sdelay $0x3  }
0x98: {  	_ =	strace s17  }
0x99: {  	s3 =	sld [smem:$0x3FFC];
	_ =	sdelay $0x3  }
0x9a: {  	_ =	strace s3  }
0x9b: {  	s3 =	sld [smem:$0x3FFD];
	_ =	sdelay $0x3  }
0x9c: {  	_ =	strace s3  }
0x9d: {  	_ =	strace $0x8FFFFFFF  }
0x9e: {  	s18 =	sld [smem:$0x3FDB];
	_ =	sdelay $0x1  }
0x9f: {  	s19 =	simm.s32 $_scs_section_size  }
0xa0: {  	s5 =	simm.s32 $_size__tile_overlayer_lowered;
	s6 =	simm.s32 $_tile_overlayer_lowered  }
0xa1: {  	s22 =	simm.s32 $0x1BFF;
	s21 =	sshll.u32 s6, $0x1;
	s3 =	sadd.s32 s19, s18  }
0xa2: {  	s7 =	simm.s32 $0x0;
	s20 =	sshll.u32 s5, $0x1;
	s5 =	sadd.s32 s21, s3  }
0xa3: {  	[timem:s7], [sflag:s22] =	dma.local [hbm:s5], s20  }
0xa4: {  	_ =	swait.ge [sflag:s22], s20  }
0xa5: {  	s4 =	ssub.s32 $0x0, s20;
	[sflag:s22] =	ssyncset.done $0x0  }
0xa6: {  	[sflag:s22] =	ssyncadd.s32 s4;
	_ =	sdelay $0x1  }
0xa7: {  	s23 =	simm.s32 $0x1B8B  }
0xa8: {  	_ =	swait.ge [sflag:s23], $0x1  }
0xa9: {  	[sflag:s23] =	ssyncset.done $0x0  }
0xaa: {  	s25 =	simm.s32 $0x1B8E;
	s24 =	sld [smem:$0x3FFE];
	[sflag:s23] =	ssyncadd.s32 $0xFFFFFFFF  }
0xab: {  	s26 =	simm.s32 $execute0_lowered;
	[smem:$0x3FD2] =	sst s25  }
0xac: {  	s5 =	sshll.u32 s26, $0x1;
	_ =	strace $0x80000049;
	[dreg:$0x1] =	wrdreg $0xFFFFFFFF  }
0xad: {  	s28 =	simm.s32 $_size_execute0_lowered;
	s3 =	sadd.s32 s3, s5;
	[dreg:$0x0] =	wrdreg $0x0  }
0xae: {  	s5 =	sshll.u32 s28, $0x1;
	[dreg:$0x2] =	wrdreg s3  }
0xaf: {  	[dreg:$0x3] =	wrdreg s5  }
0xb0: {  	[dreg:$0x4] =	wrdreg $0xC0  }
0xb1: {  	_ =	task [dreg:s7], $0x5FFFF  }
0xb2: {  	[dreg:$0x1] =	wrdreg $0xFFFFFFFF  }
0xb3: {  	[dreg:$0x0] =	wrdreg $0x60  }
0xb4: {  	[dreg:$0x2] =	wrdreg s16  }
0xb5: {  	[dreg:$0x3] =	wrdreg s24  }
0xb6: {  	[dreg:$0x4] =	wrdreg $0x13C400  }
0xb7: {  	[dreg:$0x5] =	wrdreg $0x9  }
0xb8: {  	_ =	task.clear_ibuf [dreg:s7], $0x6FFFF;
	_ =	strace $0x90000049  }
0xb9: {  	s29 =	simm.s32 $0x9;
	_ =	strace $0x8000004B  }
0xba: {  	_ =	swait.ge [sflag:s29], $0x1  }
0xbb: {  	[sflag:s29] =	ssyncadd.s32 $0xFFFFFFFF  }
0xbc: {  	_ =	strace $0x9000004B  }
0xbd: {  	_ =	sfence  }
0xbe: {  	s30 =	sld [smem:$0x0];
	_ =	sdelay $0x2  }
0xbf: {  	s31 =	sshll.u32 s1, $0xD;
	s1 =	sshrl.u32 s1, $0x2  }
0xc0: {  	s3 =	sand.u32 $0x4000, s31;
	s1 =	sadd.s32 s1, s30  }
0xc1: {  	s0 =	sor.u32 s3, s0;
	s1 =	sshll.u32 s1, $0x11  }
0xc2: {  	s0 =	sor.u32 s1, s0  }
0xc3: {  	s0 =	sadd.s32 $0x8F2B, s0  }
0xc4: {  	[sflag:s0] =	ssyncadd.remote.s32 $0x1  }
0xc5: {  	_ =	sfence.sel $0xFFFF  }
0xc6: {  	[dreg:$0x0] =	wrdreg $0xFFFFFFFF;
	(pc) =	sbr.abs _section_cstart, $3  }
0xc7: {  	[dreg:$0x1] =	wrdreg $0xFFFFFFFF  }
0xc8: {  	_ =	task.clear_ibuf [dreg:s7], $0x2FFFF;
	_ =	strace $0x9FFFFFFF  }
0xc9: {  	(tm) =	ssettm $0x7FFFFFFF  }
tec
execute0_lowered:
.L_overlay_start_1:
0x0: {  	(tag) =	ssettag $0x1  }
0x1: {  	s0 =	rddreg [dreg:$0x0]  }
0x2: {  	s1 =	rddreg [dreg:$0x1]  }
0x3: {  	s2 =	rddreg [dreg:$0x2];
	s8 =	stileid.u32  }
0x4: {  	s3 =	srdreg.scid;
	s5 =	simm.s32 $0x0;
	s17 =	simm.s32 $0x1  }
0x5: {  	s18 =	simm.s32 $0x2;
	s29 =	simm.s32 $0xEC40;
	s31 =	simm.s32 $0x10040  }
0x6: {  	s28 =	simm.s32 $0x12840;
	s30 =	simm.s32 $0x9;
	s9 =	simm.s32 $0xC  }
0x7: {  	s14 =	simm.s32 $0x7;
	s10 =	simm.s32 $0xD;
	s11 =	simm.s32 $0x8  }
0x8: {  	s13 =	simm.s32 $0xE;
	s12 =	simm.s32 $0x0;
	s4 =	smul.u32 $0x9C4, s8  }
0x9: {  	s3 =	sand.u32 $0x1, s3;
	[smem:$0x7FF] =	sst s5;
	s7 =	smul.u32 $0x9C00, s8  }
0xa: {  	s23 =	sshll.u32 s8, $0x6;
	p0 =	sne.s32 s8, $0xF;
	s5 =	simm.s32 $0x6  }
0xb: {  	s8 =	simm.s32 $0x10;
	s19 =	smul.u32 $0x13880, s3;
	s3 =	ssub.s32 $0x2, s3  }
0xc: {  	_ =	strace $0x8000004A;
	[dreg:$0x7] =	wrdreg s23;
	s24 =	sor.u32 $0x1C03, s23  }
0xd: {  	s23 =	simm.s32 $0xA;
	[dreg:$0xf] =	wrdreg s12;
	s6 =	sshrl.u32 s3, $0x1  }
0xe: {  	s4 =	sadd.s32 s4, s1;
	s21 =	sadd.s32 s7, s2;
	s22 =	sshrl.u32 s7, $0x3  }
0xf: {  	[dreg:$0x9] =	wrdreg s24;
	s24 =	simm.s32 $0xC440;
	s7 =	simm.s32 $0xF  }
0x10: {  	s1 =	sadd.s32 s19, s1;
	s20 =	sadd.s32 $0x1A00, s4;
	[dreg:$0x6] =	wrdreg s22  }
0x11: {  	s3 =	ssub.s32 s3, s6;
	s4 =	sadd.s32 $0xB800, s4;
	[dreg:$0x4] =	wrdreg s20  }
0x12: {  	s6 =	sadd.s32 s0, s19;
	s15 =	sshrl.u32 s21, $0x3;
	[dreg:$0x5] =	wrdreg s4  }
0x13: {  	s19 =	simm.s32 $0x3;
	s0 =	sadd.s32 s22, s6;
	[dreg:$0xd] =	wrdreg s15  }
0x14: {  	s21 =	simm.s32 $0x9C40;
	s25 =	sadd.s32 $0x13800, s6;
	[dreg:$0x8] =	wrdreg s0  }
0x15: {  	s1 =	sadd.s32 $0x66000, s1;
	s26 =	smax.u32 s3, $0x1;
	[dreg:$0xa] =	wrdreg s25  }
0x16: {  	s20 =	simm.s32 $0x50;
	s22 =	simm.s32 $0xB040;
	[dreg:$0xb] =	wrdreg s1  }
0x17: {  	s4 =	simm.s32 $0xB;
	s0 =	sadd.s32 $0x9C000, s2;
	[dreg:$0xc] =	wrdreg s26  }
0x18: {  	s26 =	simm.s32 $0xD840;
	s1 =	simm.s32 $0x11440;
	s16 =	sshrl.u32 @!p0 s0, $0x3  }
0x19: {  	s25 =	simm.s32 $0x5;
	s0 =	simm.s32 $0x4;
	[dreg:$0xe] =	wrdreg s16  }
.LBB2_1:
0x1a: {  	s3 =	simm.s32 $0x0;
	s12 =	rddreg [dreg:$0x4]  }
0x1b: {  	[tilespmem:s3], [sflag:$0x1] =	stream.linear.gather [hbm4b:s12+s3], $0x4E20, $0x38;
	[tilespmem:$0x1D880] =	vst v63  }
0x1c: {  	s16 =	simm.s32 $0x0;
	s12 =	rddreg [dreg:$0x5];
	s3 =	simm.s32 $0x4E20  }
0x1d: {  	[tilespmem:s3], [sflag:$0x2] =	stream.linear.gather [hbm4b:s12+s16], $0x4E20, $0x38;
	[tilespmem:$0x1D880] =	vst v63  }
0x1e: {  	s12 =	rddreg [dreg:$0x8]  }
0x1f: {  	s3 =	rddreg [dreg:$0xe]  }
0x20: {  	s16 =	rddreg [dreg:$0x9]  }
0x21: {  	[spmem:s15], [sflag:s16] =	dma.local [hbm:s12], $0x1380  }
0x22: {  	s12 =	simm.s32 @!p0 $0x1FD1;
	s16 =	rddreg [dreg:$0xa]  }
0x23: {  	[spmem:s3], [sflag:s12] =	dma.local @!p0 [hbm:s16], $0x80  }
0x24: {  	s12 =	simm.s32 @!p0 $0x11  }
0x25: {  	_ =	swait.ge @!p0 [sflag:s12], $0x80  }
0x26: {  	[sflag:s12] =	ssyncset.done @!p0 $0x0  }
0x27: {  	[sflag:s12] =	ssyncadd.s32 @!p0 $0xFFFFFF80  }
0x28: {  	_ =	swait.ge [sflag:s17], $0x4E20  }
0x29: {  	[sflag:s17] =	ssyncset.done $0x0  }
0x2a: {  	[sflag:s17] =	ssyncadd.s32 $0xFFFFB1E0  }
0x2b: {  	_ =	swait.ge [sflag:s18], $0x4E20  }
0x2c: {  	[sflag:s18] =	ssyncset.done $0x0  }
0x2d: {  	[sflag:s18] =	ssyncadd.s32 $0xFFFFB1E0  }
0x2e: {  	_ =	swait.ge [sflag:s19], $0x1380  }
0x2f: {  	[sflag:s19] =	ssyncset.done $0x0  }
0x30: {  	[sflag:s19] =	ssyncadd.s32 $0xFFFFEC80  }
0x31: {  	s12 =	simm.s32 $0x0;
	[bflag:$0x0] =	sbarrier.arrive $0xFFFF  }
0x32: {  	[tilespmem:s21], [sflag:$0x1] =	stream.indirect.gather [hbm4b:s6+s20], $0x40, s12, s20, $0xb8;
	[tilespmem:$0x1D880] =	vst v63  }
0x33: {  	_ = 	snop  }
0x34: {  	[tilespmem:s22], [sflag:$0x2] =	stream.indirect.gather [hbm4b:s6+s20], $0x40, s20, s20, $0xb8;
	[tilespmem:$0x1D880] =	vst v63  }
0x35: {  	s15 =	simm.s32 $0xA0  }
0x36: {  	[tilespmem:s24], [sflag:$0x3] =	stream.indirect.gather [hbm4b:s6+s20], $0x40, s15, s20, $0xb8;
	[tilespmem:$0x1D880] =	vst v63  }
0x37: {  	s16 =	simm.s32 $0xF0  }
0x38: {  	[tilespmem:s26], [sflag:$0x4] =	stream.indirect.gather [hbm4b:s6+s20], $0x40, s16, s20, $0xb8;
	[tilespmem:$0x1D880] =	vst v63  }
0x39: {  	s12 =	simm.s32 $0x140  }
0x3a: {  	[tilespmem:s29], [sflag:$0x5] =	stream.indirect.gather [hbm4b:s6+s20], $0x40, s12, s20, $0xb8;
	[tilespmem:$0x1D880] =	vst v63  }
0x3b: {  	s15 =	simm.s32 $0x190  }
0x3c: {  	[tilespmem:s31], [sflag:$0x6] =	stream.indirect.gather [hbm4b:s6+s20], $0x40, s15, s20, $0xb8;
	[tilespmem:$0x1D880] =	vst v63  }
0x3d: {  	_ =	swait.ge [sflag:s17], $0x1400  }
0x3e: {  	[sflag:s17] =	ssyncset.done $0x0  }
0x3f: {  	s16 =	simm.s32 $0x4E20;
	[sflag:s17] =	ssyncadd.s32 $0xFFFFEC00  }
0x40: {  	[spmem:s2] =	stream.indirect.scatter.add.f32 [tilespmem:s21], [sflag:$0x9], $0x40, s16, s20, $0xb8;
	[tilespmem:$0x1D880] =	vst v63  }
0x41: {  	s12 =	simm.s32 $0x1E0  }
0x42: {  	[tilespmem:s1], [sflag:$0x7] =	stream.indirect.gather [hbm4b:s6+s20], $0x40, s12, s20, $0xb8;
	[tilespmem:$0x1D880] =	vst v63  }
0x43: {  	_ =	swait.ge [sflag:s18], $0x1400  }
0x44: {  	[sflag:s18] =	ssyncset.done $0x0  }
0x45: {  	s15 =	simm.s32 $0x4E70;
	[sflag:s18] =	ssyncadd.s32 $0xFFFFEC00  }
0x46: {  	[spmem:s2] =	stream.indirect.scatter.add.f32 [tilespmem:s22], [sflag:$0xA], $0x40, s15, s20, $0xb8;
	[tilespmem:$0x1D880] =	vst v63  }
0x47: {  	s16 =	simm.s32 $0x230  }
0x48: {  	[tilespmem:s28], [sflag:$0x8] =	stream.indirect.gather [hbm4b:s6+s20], $0x40, s16, s20, $0xb8;
	[tilespmem:$0x1D880] =	vst v63  }
0x49: {  	_ =	swait.ge [sflag:s19], $0x1400  }
0x4a: {  	[sflag:s19] =	ssyncset.done $0x0  }
0x4b: {  	s3 =	simm.s32 $0x4EC0;
	[sflag:s19] =	ssyncadd.s32 $0xFFFFEC00  }
0x4c: {  	[spmem:s2] =	stream.indirect.scatter.add.f32 [tilespmem:s24], [sflag:$0xB], $0x40, s3, s20, $0xb8;
	[tilespmem:$0x1D880] =	vst v63  }
0x4d: {  	_ =	swait.ge [sflag:s30], $0x1400  }
0x4e: {  	[sflag:s30] =	ssyncset.done $0x0  }
0x4f: {  	s15 =	simm.s32 $0x280;
	[sflag:s30] =	ssyncadd.s32 $0xFFFFEC00  }
0x50: {  	[tilespmem:s21], [sflag:$0x1] =	stream.indirect.gather [hbm4b:s6+s20], $0x40, s15, s20, $0xb8;
	[tilespmem:$0x1D880] =	vst v63  }
0x51: {  	_ =	swait.ge [sflag:s0], $0x1400  }
0x52: {  	[sflag:s0] =	ssyncset.done $0x0  }
0x53: {  	s16 =	simm.s32 $0x4F10;
	[sflag:s0] =	ssyncadd.s32 $0xFFFFEC00  }
0x54: {  	[spmem:s2] =	stream.indirect.scatter.add.f32 [tilespmem:s26], [sflag:$0xC], $0x40, s16, s20, $0xb8;
	[tilespmem:$0x1D880] =	vst v63  }
0x55: {  	_ =	swait.ge [sflag:s23], $0x1400  }
0x56: {  	[sflag:s23] =	ssyncset.done $0x0  }
0x57: {  	s3 =	simm.s32 $0x2D0;
	[sflag:s23] =	ssyncadd.s32 $0xFFFFEC00  }
0x58: {  	[tilespmem:s22], [sflag:$0x2] =	stream.indirect.gather [hbm4b:s6+s20], $0x40, s3, s20, $0xb8;
	[tilespmem:$0x1D880] =	vst v63  }
0x59: {  	_ =	swait.ge [sflag:s25], $0x1400  }
0x5a: {  	[sflag:s25] =	ssyncset.done $0x0  }
0x5b: {  	s15 =	simm.s32 $0x4F60;
	[sflag:s25] =	ssyncadd.s32 $0xFFFFEC00  }
0x5c: {  	[spmem:s2] =	stream.indirect.scatter.add.f32 [tilespmem:s29], [sflag:$0xD], $0x40, s15, s20, $0xb8;
	[tilespmem:$0x1D880] =	vst v63  }
0x5d: {  	_ =	swait.ge [sflag:s4], $0x1400  }
0x5e: {  	[sflag:s4] =	ssyncset.done $0x0  }
0x5f: {  	s16 =	simm.s32 $0x320;
	[sflag:s4] =	ssyncadd.s32 $0xFFFFEC00  }
0x60: {  	[tilespmem:s24], [sflag:$0x3] =	stream.indirect.gather [hbm4b:s6+s20], $0x40, s16, s20, $0xb8;
	[tilespmem:$0x1D880] =	vst v63  }
0x61: {  	_ =	swait.ge [sflag:s5], $0x1400  }
0x62: {  	[sflag:s5] =	ssyncset.done $0x0  }
0x63: {  	s3 =	simm.s32 $0x4FB0;
	[sflag:s5] =	ssyncadd.s32 $0xFFFFEC00  }
0x64: {  	[spmem:s2] =	stream.indirect.scatter.add.f32 [tilespmem:s31], [sflag:$0xE], $0x40, s3, s20, $0xb8;
	[tilespmem:$0x1D880] =	vst v63  }
0x65: {  	_ =	swait.ge [sflag:s9], $0x1400  }
0x66: {  	[sflag:s9] =	ssyncset.done $0x0  }
0x67: {  	s15 =	simm.s32 $0x370;
	[sflag:s9] =	ssyncadd.s32 $0xFFFFEC00  }
0x68: {  	[tilespmem:s26], [sflag:$0x4] =	stream.indirect.gather [hbm4b:s6+s20], $0x40, s15, s20, $0xb8;
	[tilespmem:$0x1D880] =	vst v63  }
0x69: {  	_ =	swait.ge [sflag:s14], $0x1400  }
0x6a: {  	[sflag:s14] =	ssyncset.done $0x0  }
0x6b: {  	s16 =	simm.s32 $0x5000;
	[sflag:s14] =	ssyncadd.s32 $0xFFFFEC00  }
0x6c: {  	[spmem:s2] =	stream.indirect.scatter.add.f32 [tilespmem:s1], [sflag:$0xF], $0x40, s16, s20, $0xb8;
	[tilespmem:$0x1D880] =	vst v63  }
0x6d: {  	_ =	swait.ge [sflag:s10], $0x1400  }
0x6e: {  	[sflag:s10] =	ssyncset.done $0x0  }
0x6f: {  	s3 =	simm.s32 $0x3C0;
	[sflag:s10] =	ssyncadd.s32 $0xFFFFEC00  }
0x70: {  	[tilespmem:s29], [sflag:$0x5] =	stream.indirect.gather [hbm4b:s6+s20], $0x40, s3, s20, $0xb8;
	[tilespmem:$0x1D880] =	vst v63  }
0x71: {  	_ =	swait.ge [sflag:s11], $0x1400  }
0x72: {  	[sflag:s11] =	ssyncset.done $0x0  }
0x73: {  	s15 =	simm.s32 $0x5050;
	[sflag:s11] =	ssyncadd.s32 $0xFFFFEC00  }
0x74: {  	[spmem:s2] =	stream.indirect.scatter.add.f32 [tilespmem:s28], [sflag:$0x10], $0x40, s15, s20, $0xb8;
	[tilespmem:$0x1D880] =	vst v63  }
0x75: {  	_ =	swait.ge [sflag:s13], $0x1400  }
0x76: {  	[sflag:s13] =	ssyncset.done $0x0  }
0x77: {  	s16 =	simm.s32 $0x410;
	[sflag:s13] =	ssyncadd.s32 $0xFFFFEC00  }
0x78: {  	[tilespmem:s31], [sflag:$0x6] =	stream.indirect.gather [hbm4b:s6+s20], $0x40, s16, s20, $0xb8;
	[tilespmem:$0x1D880] =	vst v63  }
0x79: {  	_ =	swait.ge [sflag:s17], $0x1400  }
0x7a: {  	[sflag:s17] =	ssyncset.done $0x0  }
0x7b: {  	s3 =	simm.s32 $0x50A0;
	[sflag:s17] =	ssyncadd.s32 $0xFFFFEC00  }
0x7c: {  	[spmem:s2] =	stream.indirect.scatter.add.f32 [tilespmem:s21], [sflag:$0x9], $0x40, s3, s20, $0xb8;
	[tilespmem:$0x1D880] =	vst v63  }
0x7d: {  	_ =	swait.ge [sflag:s7], $0x1400  }
0x7e: {  	[sflag:s7] =	ssyncset.done $0x0  }
0x7f: {  	s15 =	simm.s32 $0x460;
	[sflag:s7] =	ssyncadd.s32 $0xFFFFEC00  }
0x80: {  	[tilespmem:s1], [sflag:$0x7] =	stream.indirect.gather [hbm4b:s6+s20], $0x40, s15, s20, $0xb8;
	[tilespmem:$0x1D880] =	vst v63  }
0x81: {  	_ =	swait.ge [sflag:s18], $0x1400  }
0x82: {  	[sflag:s18] =	ssyncset.done $0x0  }
0x83: {  	s16 =	simm.s32 $0x50F0;
	[sflag:s18] =	ssyncadd.s32 $0xFFFFEC00  }
0x84: {  	[spmem:s2] =	stream.indirect.scatter.add.f32 [tilespmem:s22], [sflag:$0xA], $0x40, s16, s20, $0xb8;
	[tilespmem:$0x1D880] =	vst v63  }
0x85: {  	_ =	swait.ge [sflag:s8], $0x1400  }
0x86: {  	[sflag:s8] =	ssyncset.done $0x0  }
0x87: {  	s12 =	simm.s32 $0xA00;
	s15 =	simm.s32 $0x4B0;
	[sflag:s8] =	ssyncadd.s32 $0xFFFFEC00  }
.LBB2_2:
0x88: {  	[tilespmem:s28], [sflag:$0x8] =	stream.indirect.gather [hbm4b:s6+s20], $0x40, s15, s20, $0xb8;
	[tilespmem:$0x1D880] =	vst v63  }
0x89: {  	s15 =	smov.u32 s12  }
0x8a: {  	p1 =	sne.s32 s12, $0x12200;
	s12 =	sadd.s32 $0xA00, s12;
	_ =	swait.ge [sflag:s19], $0x1400  }
0x8b: {  	s15 =	sshra.s32 s15, $0x2;
	[sflag:s19] =	ssyncset.done $0x0  }
0x8c: {  	s16 =	sadd.s32 $0x4EC0, s15;
	[sflag:s19] =	ssyncadd.s32 $0xFFFFEC00  }
0x8d: {  	[spmem:s2] =	stream.indirect.scatter.add.f32 [tilespmem:s24], [sflag:$0xB], $0x40, s16, s20, $0xb8;
	[tilespmem:$0x1D880] =	vst v63  }
0x8e: {  	_ =	swait.ge [sflag:s30], $0x1400  }
0x8f: {  	[sflag:s30] =	ssyncset.done $0x0  }
0x90: {  	s16 =	sadd.s32 $0x280, s15;
	[sflag:s30] =	ssyncadd.s32 $0xFFFFEC00  }
0x91: {  	[tilespmem:s21], [sflag:$0x1] =	stream.indirect.gather [hbm4b:s6+s20], $0x40, s16, s20, $0xb8;
	[tilespmem:$0x1D880] =	vst v63  }
0x92: {  	_ =	swait.ge [sflag:s0], $0x1400  }
0x93: {  	[sflag:s0] =	ssyncset.done $0x0  }
0x94: {  	s16 =	sadd.s32 $0x4F10, s15;
	[sflag:s0] =	ssyncadd.s32 $0xFFFFEC00  }
0x95: {  	[spmem:s2] =	stream.indirect.scatter.add.f32 [tilespmem:s26], [sflag:$0xC], $0x40, s16, s20, $0xb8;
	[tilespmem:$0x1D880] =	vst v63  }
0x96: {  	_ =	swait.ge [sflag:s23], $0x1400  }
0x97: {  	[sflag:s23] =	ssyncset.done $0x0  }
0x98: {  	s16 =	sadd.s32 $0x2D0, s15;
	[sflag:s23] =	ssyncadd.s32 $0xFFFFEC00  }
0x99: {  	[tilespmem:s22], [sflag:$0x2] =	stream.indirect.gather [hbm4b:s6+s20], $0x40, s16, s20, $0xb8;
	[tilespmem:$0x1D880] =	vst v63  }
0x9a: {  	_ =	swait.ge [sflag:s25], $0x1400  }
0x9b: {  	[sflag:s25] =	ssyncset.done $0x0  }
0x9c: {  	s16 =	sadd.s32 $0x4F60, s15;
	[sflag:s25] =	ssyncadd.s32 $0xFFFFEC00  }
0x9d: {  	[spmem:s2] =	stream.indirect.scatter.add.f32 [tilespmem:s29], [sflag:$0xD], $0x40, s16, s20, $0xb8;
	[tilespmem:$0x1D880] =	vst v63  }
0x9e: {  	_ =	swait.ge [sflag:s4], $0x1400  }
0x9f: {  	[sflag:s4] =	ssyncset.done $0x0  }
0xa0: {  	s16 =	sadd.s32 $0x320, s15;
	[sflag:s4] =	ssyncadd.s32 $0xFFFFEC00  }
0xa1: {  	[tilespmem:s24], [sflag:$0x3] =	stream.indirect.gather [hbm4b:s6+s20], $0x40, s16, s20, $0xb8;
	[tilespmem:$0x1D880] =	vst v63  }
0xa2: {  	_ =	swait.ge [sflag:s5], $0x1400  }
0xa3: {  	[sflag:s5] =	ssyncset.done $0x0  }
0xa4: {  	s16 =	sadd.s32 $0x4FB0, s15;
	[sflag:s5] =	ssyncadd.s32 $0xFFFFEC00  }
0xa5: {  	[spmem:s2] =	stream.indirect.scatter.add.f32 [tilespmem:s31], [sflag:$0xE], $0x40, s16, s20, $0xb8;
	[tilespmem:$0x1D880] =	vst v63  }
0xa6: {  	_ =	swait.ge [sflag:s9], $0x1400  }
0xa7: {  	[sflag:s9] =	ssyncset.done $0x0  }
0xa8: {  	s16 =	sadd.s32 $0x370, s15;
	[sflag:s9] =	ssyncadd.s32 $0xFFFFEC00  }
0xa9: {  	[tilespmem:s26], [sflag:$0x4] =	stream.indirect.gather [hbm4b:s6+s20], $0x40, s16, s20, $0xb8;
	[tilespmem:$0x1D880] =	vst v63  }
0xaa: {  	_ =	swait.ge [sflag:s14], $0x1400  }
0xab: {  	[sflag:s14] =	ssyncset.done $0x0  }
0xac: {  	s16 =	sadd.s32 $0x5000, s15;
	[sflag:s14] =	ssyncadd.s32 $0xFFFFEC00  }
0xad: {  	[spmem:s2] =	stream.indirect.scatter.add.f32 [tilespmem:s1], [sflag:$0xF], $0x40, s16, s20, $0xb8;
	[tilespmem:$0x1D880] =	vst v63  }
0xae: {  	_ =	swait.ge [sflag:s10], $0x1400  }
0xaf: {  	[sflag:s10] =	ssyncset.done $0x0  }
0xb0: {  	s16 =	sadd.s32 $0x3C0, s15;
	[sflag:s10] =	ssyncadd.s32 $0xFFFFEC00  }
0xb1: {  	[tilespmem:s29], [sflag:$0x5] =	stream.indirect.gather [hbm4b:s6+s20], $0x40, s16, s20, $0xb8;
	[tilespmem:$0x1D880] =	vst v63  }
0xb2: {  	_ =	swait.ge [sflag:s11], $0x1400  }
0xb3: {  	[sflag:s11] =	ssyncset.done $0x0  }
0xb4: {  	s16 =	sadd.s32 $0x5050, s15;
	[sflag:s11] =	ssyncadd.s32 $0xFFFFEC00  }
0xb5: {  	[spmem:s2] =	stream.indirect.scatter.add.f32 [tilespmem:s28], [sflag:$0x10], $0x40, s16, s20, $0xb8;
	[tilespmem:$0x1D880] =	vst v63  }
0xb6: {  	_ =	swait.ge [sflag:s13], $0x1400  }
0xb7: {  	[sflag:s13] =	ssyncset.done $0x0  }
0xb8: {  	s16 =	sadd.s32 $0x410, s15;
	[sflag:s13] =	ssyncadd.s32 $0xFFFFEC00  }
0xb9: {  	[tilespmem:s31], [sflag:$0x6] =	stream.indirect.gather [hbm4b:s6+s20], $0x40, s16, s20, $0xb8;
	[tilespmem:$0x1D880] =	vst v63  }
0xba: {  	_ =	swait.ge [sflag:s17], $0x1400  }
0xbb: {  	[sflag:s17] =	ssyncset.done $0x0  }
0xbc: {  	s16 =	sadd.s32 $0x50A0, s15;
	[sflag:s17] =	ssyncadd.s32 $0xFFFFEC00  }
0xbd: {  	[spmem:s2] =	stream.indirect.scatter.add.f32 [tilespmem:s21], [sflag:$0x9], $0x40, s16, s20, $0xb8;
	[tilespmem:$0x1D880] =	vst v63  }
0xbe: {  	_ =	swait.ge [sflag:s7], $0x1400  }
0xbf: {  	[sflag:s7] =	ssyncset.done $0x0  }
0xc0: {  	s16 =	sadd.s32 $0x460, s15;
	[sflag:s7] =	ssyncadd.s32 $0xFFFFEC00  }
0xc1: {  	[tilespmem:s1], [sflag:$0x7] =	stream.indirect.gather [hbm4b:s6+s20], $0x40, s16, s20, $0xb8;
	[tilespmem:$0x1D880] =	vst v63  }
0xc2: {  	_ =	swait.ge [sflag:s18], $0x1400  }
0xc3: {  	[sflag:s18] =	ssyncset.done $0x0  }
.Ltmp0:
0xc4: {  	s16 =	sadd.s32 $0x50F0, s15;
	[sflag:s18] =	ssyncadd.s32 $0xFFFFEC00;
	(pc) =	sbr.rel @p1 .LBB2_2-.Ltmp0, $4  }
0xc5: {  	[spmem:s2] =	stream.indirect.scatter.add.f32 [tilespmem:s22], [sflag:$0xA], $0x40, s16, s20, $0xb8;
	[tilespmem:$0x1D880] =	vst v63  }
0xc6: {  	_ =	swait.ge [sflag:s8], $0x1400  }
0xc7: {  	[sflag:s8] =	ssyncset.done $0x0  }
0xc8: {  	s15 =	sadd.s32 $0x4B0, s15;
	[sflag:s8] =	ssyncadd.s32 $0xFFFFEC00  }
0xc9: {  	[tilespmem:s28], [sflag:$0x8] =	stream.indirect.gather [hbm4b:s6+s20], $0x40, s15, s20, $0xb8;
	[tilespmem:$0x1D880] =	vst v63  }
0xca: {  	_ =	swait.ge [sflag:s19], $0x1400  }
0xcb: {  	[sflag:s19] =	ssyncset.done $0x0  }
0xcc: {  	s3 =	simm.s32 $0x99C0;
	[sflag:s19] =	ssyncadd.s32 $0xFFFFEC00  }
0xcd: {  	[spmem:s2] =	stream.indirect.scatter.add.f32 [tilespmem:s24], [sflag:$0xB], $0x40, s3, s20, $0xb8;
	[tilespmem:$0x1D880] =	vst v63  }
0xce: {  	_ =	swait.ge [sflag:s30], $0x1400  }
0xcf: {  	[sflag:s30] =	ssyncset.done $0x0  }
0xd0: {  	s12 =	simm.s32 $0x4D80;
	[sflag:s30] =	ssyncadd.s32 $0xFFFFEC00  }
0xd1: {  	[tilespmem:s21], [sflag:$0x1] =	stream.indirect.gather [hbm4b:s6+s20], $0x40, s12, s20, $0xb8;
	[tilespmem:$0x1D880] =	vst v63  }
0xd2: {  	_ =	swait.ge [sflag:s0], $0x1400  }
0xd3: {  	[sflag:s0] =	ssyncset.done $0x0  }
0xd4: {  	s15 =	simm.s32 $0x9A10;
	[sflag:s0] =	ssyncadd.s32 $0xFFFFEC00  }
0xd5: {  	[spmem:s2] =	stream.indirect.scatter.add.f32 [tilespmem:s26], [sflag:$0xC], $0x40, s15, s20, $0xb8;
	[tilespmem:$0x1D880] =	vst v63  }
0xd6: {  	_ =	swait.ge [sflag:s23], $0x1400  }
0xd7: {  	[sflag:s23] =	ssyncset.done $0x0  }
0xd8: {  	s16 =	simm.s32 $0x4DD0;
	[sflag:s23] =	ssyncadd.s32 $0xFFFFEC00  }
0xd9: {  	[tilespmem:s22], [sflag:$0x2] =	stream.indirect.gather [hbm4b:s6+s20], $0x40, s16, s20, $0xb8;
	[tilespmem:$0x1D880] =	vst v63  }
0xda: {  	_ =	swait.ge [sflag:s25], $0x1400  }
0xdb: {  	[sflag:s25] =	ssyncset.done $0x0  }
0xdc: {  	s12 =	simm.s32 $0x9A60;
	[sflag:s25] =	ssyncadd.s32 $0xFFFFEC00  }
0xdd: {  	[spmem:s2] =	stream.indirect.scatter.add.f32 [tilespmem:s29], [sflag:$0xD], $0x40, s12, s20, $0xb8;
	[tilespmem:$0x1D880] =	vst v63  }
0xde: {  	_ =	swait.ge [sflag:s5], $0x1400  }
0xdf: {  	[sflag:s5] =	ssyncset.done $0x0  }
0xe0: {  	s15 =	simm.s32 $0x9AB0;
	[sflag:s5] =	ssyncadd.s32 $0xFFFFEC00  }
0xe1: {  	[spmem:s2] =	stream.indirect.scatter.add.f32 [tilespmem:s31], [sflag:$0xE], $0x40, s15, s20, $0xb8;
	[tilespmem:$0x1D880] =	vst v63  }
0xe2: {  	_ =	swait.ge [sflag:s14], $0x1400  }
0xe3: {  	[sflag:s14] =	ssyncset.done $0x0  }
0xe4: {  	s16 =	simm.s32 $0x9B00;
	[sflag:s14] =	ssyncadd.s32 $0xFFFFEC00  }
0xe5: {  	[spmem:s2] =	stream.indirect.scatter.add.f32 [tilespmem:s1], [sflag:$0xF], $0x40, s16, s20, $0xb8;
	[tilespmem:$0x1D880] =	vst v63  }
0xe6: {  	_ =	swait.ge [sflag:s11], $0x1400  }
0xe7: {  	[sflag:s11] =	ssyncset.done $0x0  }
0xe8: {  	s12 =	simm.s32 $0x9B50;
	[sflag:s11] =	ssyncadd.s32 $0xFFFFEC00  }
0xe9: {  	[spmem:s2] =	stream.indirect.scatter.add.f32 [tilespmem:s28], [sflag:$0x10], $0x40, s12, s20, $0xb8;
	[tilespmem:$0x1D880] =	vst v63  }
0xea: {  	_ =	swait.ge [sflag:s17], $0x1400  }
0xeb: {  	[sflag:s17] =	ssyncset.done $0x0  }
0xec: {  	s15 =	simm.s32 $0x9BA0;
	[sflag:s17] =	ssyncadd.s32 $0xFFFFEC00  }
0xed: {  	[spmem:s2] =	stream.indirect.scatter.add.f32 [tilespmem:s21], [sflag:$0x9], $0x40, s15, s20, $0xb8;
	[tilespmem:$0x1D880] =	vst v63  }
0xee: {  	_ =	swait.ge [sflag:s18], $0x1400  }
0xef: {  	[sflag:s18] =	ssyncset.done $0x0  }
0xf0: {  	s16 =	simm.s32 $0x9BF0;
	[sflag:s18] =	ssyncadd.s32 $0xFFFFEC00  }
0xf1: {  	[spmem:s2] =	stream.indirect.scatter.add.f32 [tilespmem:s22], [sflag:$0xA], $0x40, s16, s20, $0xb8;
	[tilespmem:$0x1D880] =	vst v63  }
0xf2: {  	_ =	swait.ge [sflag:s4], $0x1400  }
0xf3: {  	[sflag:s4] =	ssyncset.done $0x0  }
0xf4: {  	[sflag:s4] =	ssyncadd.s32 $0xFFFFEC00  }
0xf5: {  	_ =	swait.ge [sflag:s9], $0x1400  }
0xf6: {  	[sflag:s9] =	ssyncset.done $0x0  }
0xf7: {  	[sflag:s9] =	ssyncadd.s32 $0xFFFFEC00  }
0xf8: {  	_ =	swait.ge [sflag:s10], $0x1400  }
0xf9: {  	[sflag:s10] =	ssyncset.done $0x0  }
0xfa: {  	[sflag:s10] =	ssyncadd.s32 $0xFFFFEC00  }
0xfb: {  	_ =	swait.ge [sflag:s13], $0x1400  }
0xfc: {  	[sflag:s13] =	ssyncset.done $0x0  }
0xfd: {  	[sflag:s13] =	ssyncadd.s32 $0xFFFFEC00  }
0xfe: {  	_ =	swait.ge [sflag:s7], $0x1400  }
0xff: {  	[sflag:s7] =	ssyncset.done $0x0  }
0x100: {  	[sflag:s7] =	ssyncadd.s32 $0xFFFFEC00  }
0x101: {  	_ =	swait.ge [sflag:s8], $0x1400  }
0x102: {  	[sflag:s8] =	ssyncset.done $0x0  }
0x103: {  	[sflag:s8] =	ssyncadd.s32 $0xFFFFEC00  }
0x104: {  	_ =	swait.ge [sflag:s30], $0x1400  }
0x105: {  	[sflag:s30] =	ssyncset.done $0x0  }
0x106: {  	[sflag:s30] =	ssyncadd.s32 $0xFFFFEC00  }
0x107: {  	_ =	swait.ge [sflag:s23], $0x1400  }
0x108: {  	[sflag:s23] =	ssyncset.done $0x0  }
0x109: {  	[sflag:s23] =	ssyncadd.s32 $0xFFFFEC00  }
0x10a: {  	[bflag:$0x0] =	sbarrier.arrive $0xFFFF  }
0x10b: {  	s12 =	rddreg [dreg:$0x6]  }
0x10c: {  	s16 =	rddreg [dreg:$0xb]  }
0x10d: {  	s3 =	rddreg [dreg:$0x7]  }
0x10e: {  	s12 =	sadd.s32 s12, s16;
	s15 =	sor.u32 $0x1C11, s3;
	s3 =	rddreg [dreg:$0xd]  }
0x10f: {  	[hbm:s12], [sflag:s15] =	dma.local [spmem:s3], $0x1380  }
0x110: {  	s3 =	simm.s32 $0x11  }
0x111: {  	_ =	swait.ge [sflag:s3], $0x1380  }
0x112: {  	[sflag:s3] =	ssyncset.done $0x0  }
0x113: {  	s12 =	sadd.s32 @!p0 $0x13800, s16;
	s16 =	rddreg [dreg:$0xe];
	[sflag:s3] =	ssyncadd.s32 $0xFFFFEC80  }
0x114: {  	[hbm:s12], [sflag:s15] =	dma.local @!p0 [spmem:s16], $0x80  }
0x115: {  	s12 =	simm.s32 @!p0 $0x11  }
0x116: {  	_ =	swait.ge @!p0 [sflag:s12], $0x80  }
0x117: {  	s15 =	rddreg [dreg:$0xf]  }
0x118: {  	s16 =	rddreg [dreg:$0xc];
	s3 =	sadd.s32 $0x1, s15  }
0x119: {  	p1 =	sne.s32 s3, s16  }
.Ltmp1:
0x11a: {  	_ = 	snop;
	(pc) =	sbr.rel @p1 .LBB2_1-.Ltmp1, $3  }
0x11b: {  	_ =	sdelay $0x1  }
0x11c: {  	[sflag:s12] =	ssyncset.done @!p0 $0x0;
	s15 =	rddreg [dreg:$0xd]  }
0x11d: {  	[sflag:s12] =	ssyncadd.s32 @!p0 $0xFFFFFF80;
	[dreg:$0xf] =	wrdreg s3  }
0x11e: {  	_ =	sfence.sel $0x180000  }
0x11f: {  	[bflag:$0x0] =	sbarrier.arrive $0xFFFF  }
0x120: {  	_ =	strace $0x9000004A  }
0x121: {  	s0 =	stileid.u32;
	[bflag:$0x2] =	sbarrier.arrive $0xFFFF  }
0x122: {  	p0 =	sne.s32 s0, $0x0;
	s0 =	rddreg [dreg:$0x3]  }
0x123: {  	s0 =	sadd.s32 @!p0 $0x100000, s0  }
0x124: {  	[sflag:s0] =	ssyncadd.tile.s32 @!p0 $0x1;
	_ =	shalt  }
.Lfunc_end2:
_tile_overlayer_lowered:
.L_overlay_start_2:
0x125: {  	(tag) =	ssettag $0x2  }
0x126: {  	s0 =	rddreg [dreg:$0x0];
	s2 =	stileid.u32  }
0x127: {  	s1 =	rddreg [dreg:$0x1];
	p0 =	sne.s32 s2, $0x0  }
0x128: {  	s3 =	rddreg [dreg:$0x2];
	[bflag:$0x3] =	sbarrier.arrive $0xFFFF;
	s2 =	simm.s32 @!p0 $0x1C11  }
0x129: {  	[timem:s3], [sflag:s2] =	dma.local @!p0 [hbm:s0], s1  }
0x12a: {  	s0 =	simm.s32 @!p0 $0x11  }
0x12b: {  	_ =	swait.ge @!p0 [sflag:s0], s1  }
0x12c: {  	s1 =	ssub.s32 @!p0 $0x0, s1;
	[sflag:s0] =	ssyncset.done @!p0 $0x0  }
0x12d: {  	[sflag:s0] =	ssyncadd.s32 @!p0 s1  }
0x12e: {  	[bflag:$0x3] =	sbarrier.arrive $0xFFFF  }
0x12f: {  	_ =	shalt  }

</sc_bundles>
